<compile_context>
chip_gen: v7x
topology: tpu7x:2x2x1
jax: 0.10.2.dev20260603
libtpu: 0.0.44.dev20260713+nightly
codegen_flags: <defaults>
</compile_context>

<pallas_src>
import functools

import jax
import jax.numpy as jnp
from jax import lax
from jax.experimental import pallas as pl
from jax.experimental.pallas import tpu as pltpu
from jax.experimental.pallas import tpu_sc as plsc

N = 10000
E = 160000
H = 256
HH = H // 2
G = 64

NP = 10240
NC, NS = 2, 16
STRIPE = NP // NS

EPT2 = E // NS
BLK2 = 80
NBLK2 = EPT2 // BLK2


def _agg_body(h_hbm, src_hbm, dst_hbm, out_hbm, src_v, dst_v, buf0,
              buf1, g0, g1, acc):
    c = lax.axis_index("c")
    s = lax.axis_index("s")

    pltpu.sync_copy(src_hbm.at[s], src_v)
    pltpu.sync_copy(dst_hbm.at[s], dst_v)

    z = jnp.zeros((16,), jnp.float32)

    def zero_row(r, _):
        for k in range(HH // 16):
            buf0[r, pl.ds(k * 16, 16)] = z
        return 0

    lax.fori_loop(0, BLK2, zero_row, 0)
    for q in range(STRIPE // BLK2):
        pltpu.sync_copy(buf0, acc.at[pl.ds(s * STRIPE + q * BLK2, BLK2)])
    rem = STRIPE % BLK2
    if rem:
        pltpu.sync_copy(
            buf0.at[pl.ds(0, rem)],
            acc.at[pl.ds(s * STRIPE + (STRIPE // BLK2) * BLK2, rem)])

    plsc.subcore_barrier()

    def gath(b, buf, sem):
        pltpu.async_copy(
            h_hbm.at[c].at[src_v.at[pl.ds(b * BLK2, BLK2)]], buf, sem)

    def wait_g(buf, sem):
        pltpu.make_async_copy(h_hbm.at[c], buf, sem).wait()

    def scat(b, buf):
        pltpu.sync_copy(buf, acc.at[dst_v.at[b]], add=True)

    gath(0, buf0, g0)

    def pair(t, _):
        e = 2 * t
        gath(e + 1, buf1, g1)
        wait_g(buf0, g0)
        scat(e, buf0)
        gath(e + 2, buf0, g0)
        wait_g(buf1, g1)
        scat(e + 1, buf1)
        return 0

    lax.fori_loop(0, (NBLK2 - 1) // 2, pair, 0)
    wait_g(buf0, g0)
    scat(NBLK2 - 1, buf0)

    plsc.subcore_barrier()

    pltpu.sync_copy(acc.at[pl.ds(s * STRIPE, STRIPE)],
                    out_hbm.at[c, pl.ds(s * STRIPE, STRIPE)])


@functools.lru_cache(maxsize=None)
def _get_agg():
    return pl.kernel(
        _agg_body,
        out_type=jax.ShapeDtypeStruct((NC, NP, HH), jnp.float32),
        mesh=plsc.VectorSubcoreMesh(core_axis_name="c", subcore_axis_name="s",
                                    num_cores=NC, num_subcores=NS),
        scratch_types=[
            pltpu.VMEM((EPT2,), jnp.int32),
            pltpu.VMEM((NBLK2, BLK2), jnp.int32),
            pltpu.VMEM((BLK2, HH), jnp.float32),
            pltpu.VMEM((BLK2, HH), jnp.float32),
            pltpu.SemaphoreType.DMA,
            pltpu.SemaphoreType.DMA,
            pltpu.VMEM_SHARED((NP, HH), jnp.float32),
        ],
    )


EPT0 = E // (NC * NS)
BLK0 = 125
NBLK0 = EPT0 // BLK0


def _agg0_body(x_hbm, src_hbm, dst_hbm, out_hbm, src_v, dst_v, buf0, buf1,
               g0, g1, acc):
    c = lax.axis_index("c")
    s = lax.axis_index("s")
    w = c * NS + s

    pltpu.sync_copy(src_hbm.at[w], src_v)
    pltpu.sync_copy(dst_hbm.at[w], dst_v)

    z = jnp.zeros((16,), jnp.float32)

    def zero_row(r, _):
        for k in range(HH // 16):
            buf0[r, pl.ds(k * 16, 16)] = z
        return 0

    lax.fori_loop(0, BLK0, zero_row, 0)
    for q in range(STRIPE // BLK0):
        pltpu.sync_copy(buf0, acc.at[pl.ds(s * STRIPE + q * BLK0, BLK0)])
    rem = STRIPE % BLK0
    if rem:
        pltpu.sync_copy(
            buf0.at[pl.ds(0, rem)],
            acc.at[pl.ds(s * STRIPE + (STRIPE // BLK0) * BLK0, rem)])

    plsc.subcore_barrier()

    def gath(b, buf, sem):
        return pltpu.async_copy(x_hbm.at[src_v.at[b]], buf, sem)

    def scat(b, buf):
        pltpu.sync_copy(buf, acc.at[dst_v.at[b]], add=True)

    gath(0, buf0, g0)

    def pair(t, _):
        e = 2 * t
        gath(e + 1, buf1, g1)
        pltpu.make_async_copy(x_hbm, buf0, g0).wait()
        scat(e, buf0)
        gath(e + 2, buf0, g0)
        pltpu.make_async_copy(x_hbm, buf1, g1).wait()
        scat(e + 1, buf1)
        return 0

    lax.fori_loop(0, (NBLK0 - 2) // 2, pair, 0)
    gath(NBLK0 - 1, buf1, g1)
    pltpu.make_async_copy(x_hbm, buf0, g0).wait()
    scat(NBLK0 - 2, buf0)
    pltpu.make_async_copy(x_hbm, buf1, g1).wait()
    scat(NBLK0 - 1, buf1)

    plsc.subcore_barrier()

    pltpu.sync_copy(acc.at[pl.ds(s * STRIPE, STRIPE)],
                    out_hbm.at[c, pl.ds(s * STRIPE, STRIPE)])


@functools.lru_cache(maxsize=None)
def _get_agg0():
    return pl.kernel(
        _agg0_body,
        out_type=jax.ShapeDtypeStruct((NC, NP, HH), jnp.float32),
        mesh=plsc.VectorSubcoreMesh(core_axis_name="c", subcore_axis_name="s",
                                    num_cores=NC, num_subcores=NS),
        scratch_types=[
            pltpu.VMEM((NBLK0, BLK0), jnp.int32),
            pltpu.VMEM((NBLK0, BLK0), jnp.int32),
            pltpu.VMEM((BLK0, HH), jnp.float32),
            pltpu.VMEM((BLK0, HH), jnp.float32),
            pltpu.SemaphoreType.DMA,
            pltpu.SemaphoreType.DMA,
            pltpu.VMEM_SHARED((NP, HH), jnp.float32),
        ],
    )


def _agg(h, src, dst):
    return _get_agg()(h, src, dst)


def _agg0(x0, src, dst):
    return _get_agg0()(x0, src, dst)


BN = 512
NBN = NP // BN




def _layer0_body(s_ref, x_ref, wl_ref, wr_ref, b_ref, o_ref):
    sfull = s_ref[0] + s_ref[1]
    deg = sfull[:, 2:3]
    inv = 1.0 / jnp.maximum(deg, 1.0)
    o = (jnp.dot(sfull * inv, wl_ref[...], preferred_element_type=jnp.float32)
         + jnp.dot(x_ref[...], wr_ref[...], preferred_element_type=jnp.float32)
         + b_ref[...])
    o = jnp.maximum(o, 0.0)
    o_ref[0] = o[:, :HH]
    o_ref[1] = o[:, HH:]


_layer0 = pl.pallas_call(
    _layer0_body,
    grid=(NBN,),
    in_specs=[
        pl.BlockSpec((NC, BN, HH), lambda i: (0, i, 0)),
        pl.BlockSpec((BN, HH), lambda i: (i, 0)),
        pl.BlockSpec((HH, H), lambda i: (0, 0)),
        pl.BlockSpec((HH, H), lambda i: (0, 0)),
        pl.BlockSpec((1, H), lambda i: (0, 0)),
    ],
    out_specs=pl.BlockSpec((NC, BN, HH), lambda i: (0, i, 0)),
    out_shape=jax.ShapeDtypeStruct((NC, NP, HH), jnp.float32),
)


def _layer1_body(s_ref, h_ref, s0_ref, wl_ref, wr_ref, b_ref, o_ref):
    sfull = jnp.concatenate([s_ref[0], s_ref[1]], axis=1)
    hfull = jnp.concatenate([h_ref[0], h_ref[1]], axis=1)
    deg = s0_ref[0][:, 2:3] + s0_ref[1][:, 2:3]
    inv = 1.0 / jnp.maximum(deg, 1.0)
    o = (jnp.dot(sfull * inv, wl_ref[...], preferred_element_type=jnp.float32)
         + jnp.dot(hfull, wr_ref[...], preferred_element_type=jnp.float32)
         + b_ref[...])
    o = jnp.maximum(o, 0.0)
    o_ref[0] = o[:, :HH]
    o_ref[1] = o[:, HH:]


_layer1 = pl.pallas_call(
    _layer1_body,
    grid=(NBN,),
    in_specs=[
        pl.BlockSpec((NC, BN, HH), lambda i: (0, i, 0)),
        pl.BlockSpec((NC, BN, HH), lambda i: (0, i, 0)),
        pl.BlockSpec((NC, BN, HH), lambda i: (0, i, 0)),
        pl.BlockSpec((H, H), lambda i: (0, 0)),
        pl.BlockSpec((H, H), lambda i: (0, 0)),
        pl.BlockSpec((1, H), lambda i: (0, 0)),
    ],
    out_specs=pl.BlockSpec((NC, BN, HH), lambda i: (0, i, 0)),
    out_shape=jax.ShapeDtypeStruct((NC, NP, HH), jnp.float32),
)


def _final_body(s_ref, h_ref, s0_ref, bt_ref, wl_ref, wr_ref, b_ref, o_ref,
                acc, cnt):
    i = pl.program_id(0)

    @pl.when(i == 0)
    def _():
        acc[...] = jnp.zeros_like(acc)
        cnt[...] = jnp.zeros_like(cnt)

    sfull = jnp.concatenate([s_ref[0], s_ref[1]], axis=1)
    hfull = jnp.concatenate([h_ref[0], h_ref[1]], axis=1)
    deg = s0_ref[0][:, 2:3] + s0_ref[1][:, 2:3]
    inv = 1.0 / jnp.maximum(deg, 1.0)
    h2 = (jnp.dot(sfull * inv, wl_ref[...], preferred_element_type=jnp.float32)
          + jnp.dot(hfull, wr_ref[...], preferred_element_type=jnp.float32)
          + b_ref[...])
    bt = bt_ref[0, 0, :]
    p = (lax.broadcasted_iota(jnp.int32, (G, BN), 0) == bt[None, :]).astype(
        jnp.float32)
    acc[...] += jnp.dot(p, h2, preferred_element_type=jnp.float32)
    cnt[...] += jnp.sum(p, axis=1, keepdims=True)

    @pl.when(i == NBN - 1)
    def _():
        o_ref[...] = acc[...] / jnp.maximum(cnt[...], 1.0)


_final = pl.pallas_call(
    _final_body,
    grid=(NBN,),
    in_specs=[
        pl.BlockSpec((NC, BN, HH), lambda i: (0, i, 0)),
        pl.BlockSpec((NC, BN, HH), lambda i: (0, i, 0)),
        pl.BlockSpec((NC, BN, HH), lambda i: (0, i, 0)),
        pl.BlockSpec((1, 1, BN), lambda i: (i, 0, 0)),
        pl.BlockSpec((H, H), lambda i: (0, 0)),
        pl.BlockSpec((H, H), lambda i: (0, 0)),
        pl.BlockSpec((1, H), lambda i: (0, 0)),
    ],
    out_specs=pl.BlockSpec((G, H), lambda i: (0, 0)),
    out_shape=jax.ShapeDtypeStruct((G, H), jnp.float32),
    scratch_shapes=[
        pltpu.VMEM((G, H), jnp.float32),
        pltpu.VMEM((G, 1), jnp.float32),
    ],
)


def kernel(x, edge_index, batch, W_l0, b0, W_r0, W_l1, b1, W_r1, W_l2, b2,
           W_r2):
    src = edge_index[0].reshape(NS, EPT2)
    dst = edge_index[1].reshape(NS, NBLK2, BLK2)
    src0 = edge_index[0].reshape(NC * NS, NBLK0, BLK0)
    dst0 = edge_index[1].reshape(NC * NS, NBLK0, BLK0)

    x0 = jnp.concatenate(
        [x, jnp.ones((N, 1), jnp.float32), jnp.zeros((N, HH - 3), jnp.float32)],
        axis=1)
    x0 = jnp.pad(x0, ((0, NP - N), (0, 0)))
    wl0 = jnp.pad(W_l0, ((0, HH - 2), (0, 0)))
    wr0 = jnp.pad(W_r0, ((0, HH - 2), (0, 0)))
    batch3 = jnp.pad(batch, (0, NP - N), constant_values=G).reshape(NBN, 1, BN)
    b0r, b1r, b2r = b0.reshape(1, H), b1.reshape(1, H), b2.reshape(1, H)

    s0 = _agg0(x0, src0, dst0)
    h0 = _layer0(s0, x0, wl0, wr0, b0r)
    s1 = _agg(h0, src, dst)
    h1 = _layer1(s1, h0, s0, W_l1, W_r1, b1r)
    s2 = _agg(h1, src, dst)
    return _final(s2, h1, s0, batch3, W_l2, W_r2, b2r)

# --- scband reference (transcript-rebuilt; emitter-appended) ---
"""Pipeline reference for scband-geometric-42262478193249 (READ-ONLY COPY).

The authoritative reference and input builder live on the scoring server;
editing this copy changes nothing except your own understanding.
"""

import jax, jax.numpy as jnp
import numpy as np

N = 10000
E = 160000
D_IN = 2
H = 256
D_OUT = 256
G = 64

def setup_inputs(seed: int = 0):
    key = jax.random.key(seed)
    ks = jax.random.split(key, 16)
    x = jax.random.normal(ks[0], (N, D_IN), dtype=jnp.float32)
    edge_index = jax.random.randint(ks[1], (2, E), 0, N, dtype=jnp.int32)
    batch = jnp.sort(jax.random.randint(ks[2], (N,), 0, G, dtype=jnp.int32))
    def lin(k, fi, fo):
        return jax.random.normal(k, (fi, fo), dtype=jnp.float32) * (1.0 / np.sqrt(fi))
    W_l0 = lin(ks[3], D_IN, H); b0 = jnp.zeros((H,), jnp.float32); W_r0 = lin(ks[4], D_IN, H)
    W_l1 = lin(ks[5], H, H); b1 = jnp.zeros((H,), jnp.float32); W_r1 = lin(ks[6], H, H)
    W_l2 = lin(ks[7], H, D_OUT); b2 = jnp.zeros((D_OUT,), jnp.float32); W_r2 = lin(ks[8], H, D_OUT)
    return {"x": x, "edge_index": edge_index, "batch": batch,
            "W_l0": W_l0, "b0": b0, "W_r0": W_r0,
            "W_l1": W_l1, "b1": b1, "W_r1": W_r1,
            "W_l2": W_l2, "b2": b2, "W_r2": W_r2}

def _sage_conv(x, src, dst, W_l, b, W_r):
    # PyG SAGEConv (aggr='mean', root_weight=True): lin_l(mean_j x_j) + lin_r(x_i)
    msgs = jnp.take(x, src, axis=0)
    s = jax.ops.segment_sum(msgs, dst, num_segments=N)
    cnt = jax.ops.segment_sum(jnp.ones((src.shape[0], 1), x.dtype), dst, num_segments=N)
    mean = s / jnp.maximum(cnt, 1.0)
    return mean @ W_l + b + x @ W_r

def reference(x, edge_index, batch, W_l0, b0, W_r0, W_l1, b1, W_r1, W_l2, b2, W_r2):
    src = edge_index[0]
    dst = edge_index[1]
    h = jax.nn.relu(_sage_conv(x, src, dst, W_l0, b0, W_r0))
    h = jax.nn.relu(_sage_conv(h, src, dst, W_l1, b1, W_r1))
    h = _sage_conv(h, src, dst, W_l2, b2, W_r2)
    # global_mean_pool over batch ids
    s = jax.ops.segment_sum(h, batch, num_segments=G)
    c = jax.ops.segment_sum(jnp.ones((N, 1), h.dtype), batch, num_segments=G)
    return s / jnp.maximum(c, 1.0)

if __name__ == "__main__":
    import jax
    _d = setup_inputs()
    print(jax.jit(kernel)(*tuple(_d.values())))

</pallas_src>

<mosaic_0001>
#map = affine_map<(d0, d1) -> (0, 0, 0)>
#map1 = affine_map<(d0, d1) -> (0, 0)>
module attributes {stable_mosaic.version = 14 : i64} {
  func.func @_agg_body(%arg0: i32, %arg1: i32, %arg2: memref<2x10240x128xf32, #tpu.memory_space<hbm>>, %arg3: memref<16x10000xi32, #tpu.memory_space<hbm>>, %arg4: memref<16x125x80xi32, #tpu.memory_space<hbm>>, %arg5: memref<2x10240x128xf32, #tpu.memory_space<hbm>>, %arg6: memref<10000xi32, #tpu.memory_space<vmem>>, %arg7: memref<125x80xi32, #tpu.memory_space<vmem>>, %arg8: memref<80x128xf32, #tpu.memory_space<vmem>>, %arg9: memref<80x128xf32, #tpu.memory_space<vmem>>, %arg10: memref<!tpu.dma_semaphore, #tpu.memory_space<semaphore_mem>>, %arg11: memref<!tpu.dma_semaphore, #tpu.memory_space<semaphore_mem>>, %arg12: memref<10240x128xf32, #tpu.memory_space<vmem_shared>>) attributes {dimension_semantics = [#tpu.dimension_semantics<core_parallel>, #tpu.dimension_semantics<subcore_parallel>], iteration_bounds = array<i64: 2, 16>, scalar_prefetch = 0 : i64, scratch_operands = 7 : i64, tpu.core_type = #tpu.core_type<sc_vector_subcore>, window_params = [{transform_indices = #map}, {transform_indices = #map1}, {transform_indices = #map}, {transform_indices = #map}]} {
    "tpu.region"() ({
      %run_scoped3A_64 = tpu.sem_alloc : memref<!tpu.dma_semaphore, #tpu.memory_space<semaphore_mem>>
      %dma_start3A_65 = arith.constant 0 : i32
      %dma_start3A_66 = tpu.memref_slice %arg3[%arg1, %dma_start3A_65] : memref<16x10000xi32, #tpu.memory_space<hbm>> -> memref<1x10000xi32, #tpu.memory_space<hbm>>
      %dma_start3A_67 = tpu.memref_squeeze %dma_start3A_66 : memref<1x10000xi32, #tpu.memory_space<hbm>> -> memref<10000xi32, #tpu.memory_space<hbm>>
      %dma_start3A_68 = arith.constant 0 : i32
      %dma_start3A_69 = tpu.memref_slice %arg3[%arg1, %dma_start3A_68] : memref<16x10000xi32, #tpu.memory_space<hbm>> -> memref<1x10000xi32, #tpu.memory_space<hbm>>
      %dma_start3A_70 = tpu.memref_squeeze %dma_start3A_69 : memref<1x10000xi32, #tpu.memory_space<hbm>> -> memref<10000xi32, #tpu.memory_space<hbm>>
      tpu.enqueue_dma source(%dma_start3A_70 : memref<10000xi32, #tpu.memory_space<hbm>>) target(%arg6 : memref<10000xi32, #tpu.memory_space<vmem>>) target_semaphore(%run_scoped3A_64 : memref<!tpu.dma_semaphore, #tpu.memory_space<semaphore_mem>>)
      %dma_wait3A_71 = arith.constant 0 : i32
      %dma_wait3A_72 = tpu.memref_slice %arg3[%arg1, %dma_wait3A_71] : memref<16x10000xi32, #tpu.memory_space<hbm>> -> memref<1x10000xi32, #tpu.memory_space<hbm>>
      %dma_wait3A_73 = tpu.memref_squeeze %dma_wait3A_72 : memref<1x10000xi32, #tpu.memory_space<hbm>> -> memref<10000xi32, #tpu.memory_space<hbm>>
      %dma_wait3A_74 = arith.constant 0 : i32
      %dma_wait3A_75 = tpu.memref_slice %arg3[%arg1, %dma_wait3A_74] : memref<16x10000xi32, #tpu.memory_space<hbm>> -> memref<1x10000xi32, #tpu.memory_space<hbm>>
      %dma_wait3A_76 = tpu.memref_squeeze %dma_wait3A_75 : memref<1x10000xi32, #tpu.memory_space<hbm>> -> memref<10000xi32, #tpu.memory_space<hbm>>
      tpu.wait_dma2 semaphore(%run_scoped3A_64 : memref<!tpu.dma_semaphore, #tpu.memory_space<semaphore_mem>>) src(%dma_wait3A_76 : memref<10000xi32, #tpu.memory_space<hbm>>) dst(%arg6 : memref<10000xi32, #tpu.memory_space<vmem>>)
      tpu.yield
    }) : () -> ()
    "tpu.region"() ({
      %run_scoped3A_64 = tpu.sem_alloc : memref<!tpu.dma_semaphore, #tpu.memory_space<semaphore_mem>>
      %dma_start3A_65 = arith.constant 0 : i32
      %dma_start3A_66 = arith.constant 0 : i32
      %dma_start3A_67 = tpu.memref_slice %arg4[%arg1, %dma_start3A_65, %dma_start3A_66] : memref<16x125x80xi32, #tpu.memory_space<hbm>> -> memref<1x125x80xi32, #tpu.memory_space<hbm>>
      %dma_start3A_68 = tpu.memref_squeeze %dma_start3A_67 : memref<1x125x80xi32, #tpu.memory_space<hbm>> -> memref<125x80xi32, #tpu.memory_space<hbm>>
      %dma_start3A_69 = arith.constant 0 : i32
      %dma_start3A_70 = arith.constant 0 : i32
      %dma_start3A_71 = tpu.memref_slice %arg4[%arg1, %dma_start3A_69, %dma_start3A_70] : memref<16x125x80xi32, #tpu.memory_space<hbm>> -> memref<1x125x80xi32, #tpu.memory_space<hbm>>
      %dma_start3A_72 = tpu.memref_squeeze %dma_start3A_71 : memref<1x125x80xi32, #tpu.memory_space<hbm>> -> memref<125x80xi32, #tpu.memory_space<hbm>>
      tpu.enqueue_dma source(%dma_start3A_72 : memref<125x80xi32, #tpu.memory_space<hbm>>) target(%arg7 : memref<125x80xi32, #tpu.memory_space<vmem>>) target_semaphore(%run_scoped3A_64 : memref<!tpu.dma_semaphore, #tpu.memory_space<semaphore_mem>>)
      %dma_wait3A_73 = arith.constant 0 : i32
      %dma_wait3A_74 = arith.constant 0 : i32
      %dma_wait3A_75 = tpu.memref_slice %arg4[%arg1, %dma_wait3A_73, %dma_wait3A_74] : memref<16x125x80xi32, #tpu.memory_space<hbm>> -> memref<1x125x80xi32, #tpu.memory_space<hbm>>
      %dma_wait3A_76 = tpu.memref_squeeze %dma_wait3A_75 : memref<1x125x80xi32, #tpu.memory_space<hbm>> -> memref<125x80xi32, #tpu.memory_space<hbm>>
      %dma_wait3A_77 = arith.constant 0 : i32
      %dma_wait3A_78 = arith.constant 0 : i32
      %dma_wait3A_79 = tpu.memref_slice %arg4[%arg1, %dma_wait3A_77, %dma_wait3A_78] : memref<16x125x80xi32, #tpu.memory_space<hbm>> -> memref<1x125x80xi32, #tpu.memory_space<hbm>>
      %dma_wait3A_80 = tpu.memref_squeeze %dma_wait3A_79 : memref<1x125x80xi32, #tpu.memory_space<hbm>> -> memref<125x80xi32, #tpu.memory_space<hbm>>
      tpu.wait_dma2 semaphore(%run_scoped3A_64 : memref<!tpu.dma_semaphore, #tpu.memory_space<semaphore_mem>>) src(%dma_wait3A_80 : memref<125x80xi32, #tpu.memory_space<hbm>>) dst(%arg7 : memref<125x80xi32, #tpu.memory_space<vmem>>)
      tpu.yield
    }) : () -> ()
    %broadcast_in_dim3A = arith.constant 0.000000e+00 : f32
    %broadcast_in_dim3A_0 = vector.broadcast %broadcast_in_dim3A : f32 to vector<16xf32>
    %scan3A = arith.constant 0 : i32
    %scan3A_1 = arith.constant 0 : i32
    %scan3A_2 = arith.constant 80 : i32
    %scan3A_3 = arith.addi %scan3A_1, %scan3A_2 : i32
    %scan3A_4 = arith.constant 1 : i32
    %scan3A_5 = scf.for %scan3A_64 = %scan3A_1 to %scan3A_3 step %scan3A_4 iter_args(%scan3A_65 = %scan3A) -> (i32)  : i32 {
      %swap3A = arith.index_cast %scan3A_64 : i32 to index
      %swap3A_66 = arith.constant 0 : index
      %swap3A_67 = tpu.vector_load %arg8[%swap3A, %swap3A_66] {strides = array<i32>} : memref<80x128xf32, #tpu.memory_space<vmem>>, vector<1x16xf32>,
      %swap3A_68 = vector.shape_cast %swap3A_67 : vector<1x16xf32> to vector<16xf32>
      %swap3A_69 = vector.shape_cast %broadcast_in_dim3A_0 : vector<16xf32> to vector<1x16xf32>
      tpu.vector_store %arg8[%swap3A, %swap3A_66], %swap3A_69 {strides = array<i32>} : memref<80x128xf32, #tpu.memory_space<vmem>>, vector<1x16xf32>,
      %swap3A_70 = arith.index_cast %scan3A_64 : i32 to index
      %swap3A_71 = arith.constant 16 : index
      %swap3A_72 = tpu.vector_load %arg8[%swap3A_70, %swap3A_71] {strides = array<i32>} : memref<80x128xf32, #tpu.memory_space<vmem>>, vector<1x16xf32>,
      %swap3A_73 = vector.shape_cast %swap3A_72 : vector<1x16xf32> to vector<16xf32>
      %swap3A_74 = vector.shape_cast %broadcast_in_dim3A_0 : vector<16xf32> to vector<1x16xf32>
      tpu.vector_store %arg8[%swap3A_70, %swap3A_71], %swap3A_74 {strides = array<i32>} : memref<80x128xf32, #tpu.memory_space<vmem>>, vector<1x16xf32>,
      %swap3A_75 = arith.index_cast %scan3A_64 : i32 to index
      %swap3A_76 = arith.constant 32 : index
      %swap3A_77 = tpu.vector_load %arg8[%swap3A_75, %swap3A_76] {strides = array<i32>} : memref<80x128xf32, #tpu.memory_space<vmem>>, vector<1x16xf32>,
      %swap3A_78 = vector.shape_cast %swap3A_77 : vector<1x16xf32> to vector<16xf32>
      %swap3A_79 = vector.shape_cast %broadcast_in_dim3A_0 : vector<16xf32> to vector<1x16xf32>
      tpu.vector_store %arg8[%swap3A_75, %swap3A_76], %swap3A_79 {strides = array<i32>} : memref<80x128xf32, #tpu.memory_space<vmem>>, vector<1x16xf32>,
      %swap3A_80 = arith.index_cast %scan3A_64 : i32 to index
      %swap3A_81 = arith.constant 48 : index
      %swap3A_82 = tpu.vector_load %arg8[%swap3A_80, %swap3A_81] {strides = array<i32>} : memref<80x128xf32, #tpu.memory_space<vmem>>, vector<1x16xf32>,
      %swap3A_83 = vector.shape_cast %swap3A_82 : vector<1x16xf32> to vector<16xf32>
      %swap3A_84 = vector.shape_cast %broadcast_in_dim3A_0 : vector<16xf32> to vector<1x16xf32>
      tpu.vector_store %arg8[%swap3A_80, %swap3A_81], %swap3A_84 {strides = array<i32>} : memref<80x128xf32, #tpu.memory_space<vmem>>, vector<1x16xf32>,
      %swap3A_85 = arith.index_cast %scan3A_64 : i32 to index
      %swap3A_86 = arith.constant 64 : index
      %swap3A_87 = tpu.vector_load %arg8[%swap3A_85, %swap3A_86] {strides = array<i32>} : memref<80x128xf32, #tpu.memory_space<vmem>>, vector<1x16xf32>,
      %swap3A_88 = vector.shape_cast %swap3A_87 : vector<1x16xf32> to vector<16xf32>
      %swap3A_89 = vector.shape_cast %broadcast_in_dim3A_0 : vector<16xf32> to vector<1x16xf32>
      tpu.vector_store %arg8[%swap3A_85, %swap3A_86], %swap3A_89 {strides = array<i32>} : memref<80x128xf32, #tpu.memory_space<vmem>>, vector<1x16xf32>,
      %swap3A_90 = arith.index_cast %scan3A_64 : i32 to index
      %swap3A_91 = arith.constant 80 : index
      %swap3A_92 = tpu.vector_load %arg8[%swap3A_90, %swap3A_91] {strides = array<i32>} : memref<80x128xf32, #tpu.memory_space<vmem>>, vector<1x16xf32>,
      %swap3A_93 = vector.shape_cast %swap3A_92 : vector<1x16xf32> to vector<16xf32>
      %swap3A_94 = vector.shape_cast %broadcast_in_dim3A_0 : vector<16xf32> to vector<1x16xf32>
      tpu.vector_store %arg8[%swap3A_90, %swap3A_91], %swap3A_94 {strides = array<i32>} : memref<80x128xf32, #tpu.memory_space<vmem>>, vector<1x16xf32>,
      %swap3A_95 = arith.index_cast %scan3A_64 : i32 to index
      %swap3A_96 = arith.constant 96 : index
      %swap3A_97 = tpu.vector_load %arg8[%swap3A_95, %swap3A_96] {strides = array<i32>} : memref<80x128xf32, #tpu.memory_space<vmem>>, vector<1x16xf32>,
      %swap3A_98 = vector.shape_cast %swap3A_97 : vector<1x16xf32> to vector<16xf32>
      %swap3A_99 = vector.shape_cast %broadcast_in_dim3A_0 : vector<16xf32> to vector<1x16xf32>
      tpu.vector_store %arg8[%swap3A_95, %swap3A_96], %swap3A_99 {strides = array<i32>} : memref<80x128xf32, #tpu.memory_space<vmem>>, vector<1x16xf32>,
      %swap3A_100 = arith.index_cast %scan3A_64 : i32 to index
      %swap3A_101 = arith.constant 112 : index
      %swap3A_102 = tpu.vector_load %arg8[%swap3A_100, %swap3A_101] {strides = array<i32>} : memref<80x128xf32, #tpu.memory_space<vmem>>, vector<1x16xf32>,
      %swap3A_103 = vector.shape_cast %swap3A_102 : vector<1x16xf32> to vector<16xf32>
      %swap3A_104 = vector.shape_cast %broadcast_in_dim3A_0 : vector<16xf32> to vector<1x16xf32>
      tpu.vector_store %arg8[%swap3A_100, %swap3A_101], %swap3A_104 {strides = array<i32>} : memref<80x128xf32, #tpu.memory_space<vmem>>, vector<1x16xf32>,
      %scan3A_105 = arith.constant 0 : i32
      scf.yield %scan3A_105 : i32
    }
    %scan3A_6 = arith.constant 80 : i32
    %mul3A = arith.constant 640 : i32
    %mul3A_7 = arith.muli %arg1, %mul3A : i32
    %add3A = arith.constant 0 : i32
    %add3A_8 = arith.addi %mul3A_7, %add3A : i32
    "tpu.region"() ({
      %run_scoped3A_64 = tpu.sem_alloc : memref<!tpu.dma_semaphore, #tpu.memory_space<semaphore_mem>>
      %dma_start3A_65 = arith.constant 0 : i32
      %dma_start3A_66 = tpu.memref_slice %arg12[%add3A_8, %dma_start3A_65] : memref<10240x128xf32, #tpu.memory_space<vmem_shared>> -> memref<80x128xf32, #tpu.memory_space<vmem_shared>>
      %dma_start3A_67 = arith.constant 0 : i32
      %dma_start3A_68 = tpu.memref_slice %arg12[%add3A_8, %dma_start3A_67] : memref<10240x128xf32, #tpu.memory_space<vmem_shared>> -> memref<80x128xf32, #tpu.memory_space<vmem_shared>>
      tpu.enqueue_dma source(%arg8 : memref<80x128xf32, #tpu.memory_space<vmem>>) target(%dma_start3A_68 : memref<80x128xf32, #tpu.memory_space<vmem_shared>>) target_semaphore(%run_scoped3A_64 : memref<!tpu.dma_semaphore, #tpu.memory_space<semaphore_mem>>)
      %dma_wait3A_69 = arith.constant 0 : i32
      %dma_wait3A_70 = tpu.memref_slice %arg12[%add3A_8, %dma_wait3A_69] : memref<10240x128xf32, #tpu.memory_space<vmem_shared>> -> memref<80x128xf32, #tpu.memory_space<vmem_shared>>
      %dma_wait3A_71 = arith.constant 0 : i32
      %dma_wait3A_72 = tpu.memref_slice %arg12[%add3A_8, %dma_wait3A_71] : memref<10240x128xf32, #tpu.memory_space<vmem_shared>> -> memref<80x128xf32, #tpu.memory_space<vmem_shared>>
      tpu.wait_dma2 semaphore(%run_scoped3A_64 : memref<!tpu.dma_semaphore, #tpu.memory_space<semaphore_mem>>) src(%arg8 : memref<80x128xf32, #tpu.memory_space<vmem>>) dst(%dma_wait3A_72 : memref<80x128xf32, #tpu.memory_space<vmem_shared>>)
      tpu.yield
    }) : () -> ()
    %mul3A_9 = arith.constant 640 : i32
    %mul3A_10 = arith.muli %arg1, %mul3A_9 : i32
    %add3A_11 = arith.constant 80 : i32
    %add3A_12 = arith.addi %mul3A_10, %add3A_11 : i32
    "tpu.region"() ({
      %run_scoped3A_64 = tpu.sem_alloc : memref<!tpu.dma_semaphore, #tpu.memory_space<semaphore_mem>>
      %dma_start3A_65 = arith.constant 0 : i32
      %dma_start3A_66 = tpu.memref_slice %arg12[%add3A_12, %dma_start3A_65] : memref<10240x128xf32, #tpu.memory_space<vmem_shared>> -> memref<80x128xf32, #tpu.memory_space<vmem_shared>>
      %dma_start3A_67 = arith.constant 0 : i32
      %dma_start3A_68 = tpu.memref_slice %arg12[%add3A_12, %dma_start3A_67] : memref<10240x128xf32, #tpu.memory_space<vmem_shared>> -> memref<80x128xf32, #tpu.memory_space<vmem_shared>>
      tpu.enqueue_dma source(%arg8 : memref<80x128xf32, #tpu.memory_space<vmem>>) target(%dma_start3A_68 : memref<80x128xf32, #tpu.memory_space<vmem_shared>>) target_semaphore(%run_scoped3A_64 : memref<!tpu.dma_semaphore, #tpu.memory_space<semaphore_mem>>)
      %dma_wait3A_69 = arith.constant 0 : i32
      %dma_wait3A_70 = tpu.memref_slice %arg12[%add3A_12, %dma_wait3A_69] : memref<10240x128xf32, #tpu.memory_space<vmem_shared>> -> memref<80x128xf32, #tpu.memory_space<vmem_shared>>
      %dma_wait3A_71 = arith.constant 0 : i32
      %dma_wait3A_72 = tpu.memref_slice %arg12[%add3A_12, %dma_wait3A_71] : memref<10240x128xf32, #tpu.memory_space<vmem_shared>> -> memref<80x128xf32, #tpu.memory_space<vmem_shared>>
      tpu.wait_dma2 semaphore(%run_scoped3A_64 : memref<!tpu.dma_semaphore, #tpu.memory_space<semaphore_mem>>) src(%arg8 : memref<80x128xf32, #tpu.memory_space<vmem>>) dst(%dma_wait3A_72 : memref<80x128xf32, #tpu.memory_space<vmem_shared>>)
      tpu.yield
    }) : () -> ()
    %mul3A_13 = arith.constant 640 : i32
    %mul3A_14 = arith.muli %arg1, %mul3A_13 : i32
    %add3A_15 = arith.constant 160 : i32
    %add3A_16 = arith.addi %mul3A_14, %add3A_15 : i32
    "tpu.region"() ({
      %run_scoped3A_64 = tpu.sem_alloc : memref<!tpu.dma_semaphore, #tpu.memory_space<semaphore_mem>>
      %dma_start3A_65 = arith.constant 0 : i32
      %dma_start3A_66 = tpu.memref_slice %arg12[%add3A_16, %dma_start3A_65] : memref<10240x128xf32, #tpu.memory_space<vmem_shared>> -> memref<80x128xf32, #tpu.memory_space<vmem_shared>>
      %dma_start3A_67 = arith.constant 0 : i32
      %dma_start3A_68 = tpu.memref_slice %arg12[%add3A_16, %dma_start3A_67] : memref<10240x128xf32, #tpu.memory_space<vmem_shared>> -> memref<80x128xf32, #tpu.memory_space<vmem_shared>>
      tpu.enqueue_dma source(%arg8 : memref<80x128xf32, #tpu.memory_space<vmem>>) target(%dma_start3A_68 : memref<80x128xf32, #tpu.memory_space<vmem_shared>>) target_semaphore(%run_scoped3A_64 : memref<!tpu.dma_semaphore, #tpu.memory_space<semaphore_mem>>)
      %dma_wait3A_69 = arith.constant 0 : i32
      %dma_wait3A_70 = tpu.memref_slice %arg12[%add3A_16, %dma_wait3A_69] : memref<10240x128xf32, #tpu.memory_space<vmem_shared>> -> memref<80x128xf32, #tpu.memory_space<vmem_shared>>
      %dma_wait3A_71 = arith.constant 0 : i32
      %dma_wait3A_72 = tpu.memref_slice %arg12[%add3A_16, %dma_wait3A_71] : memref<10240x128xf32, #tpu.memory_space<vmem_shared>> -> memref<80x128xf32, #tpu.memory_space<vmem_shared>>
      tpu.wait_dma2 semaphore(%run_scoped3A_64 : memref<!tpu.dma_semaphore, #tpu.memory_space<semaphore_mem>>) src(%arg8 : memref<80x128xf32, #tpu.memory_space<vmem>>) dst(%dma_wait3A_72 : memref<80x128xf32, #tpu.memory_space<vmem_shared>>)
      tpu.yield
    }) : () -> ()
    %mul3A_17 = arith.constant 640 : i32
    %mul3A_18 = arith.muli %arg1, %mul3A_17 : i32
    %add3A_19 = arith.constant 240 : i32
    %add3A_20 = arith.addi %mul3A_18, %add3A_19 : i32
    "tpu.region"() ({
      %run_scoped3A_64 = tpu.sem_alloc : memref<!tpu.dma_semaphore, #tpu.memory_space<semaphore_mem>>
      %dma_start3A_65 = arith.constant 0 : i32
      %dma_start3A_66 = tpu.memref_slice %arg12[%add3A_20, %dma_start3A_65] : memref<10240x128xf32, #tpu.memory_space<vmem_shared>> -> memref<80x128xf32, #tpu.memory_space<vmem_shared>>
      %dma_start3A_67 = arith.constant 0 : i32
      %dma_start3A_68 = tpu.memref_slice %arg12[%add3A_20, %dma_start3A_67] : memref<10240x128xf32, #tpu.memory_space<vmem_shared>> -> memref<80x128xf32, #tpu.memory_space<vmem_shared>>
      tpu.enqueue_dma source(%arg8 : memref<80x128xf32, #tpu.memory_space<vmem>>) target(%dma_start3A_68 : memref<80x128xf32, #tpu.memory_space<vmem_shared>>) target_semaphore(%run_scoped3A_64 : memref<!tpu.dma_semaphore, #tpu.memory_space<semaphore_mem>>)
      %dma_wait3A_69 = arith.constant 0 : i32
      %dma_wait3A_70 = tpu.memref_slice %arg12[%add3A_20, %dma_wait3A_69] : memref<10240x128xf32, #tpu.memory_space<vmem_shared>> -> memref<80x128xf32, #tpu.memory_space<vmem_shared>>
      %dma_wait3A_71 = arith.constant 0 : i32
      %dma_wait3A_72 = tpu.memref_slice %arg12[%add3A_20, %dma_wait3A_71] : memref<10240x128xf32, #tpu.memory_space<vmem_shared>> -> memref<80x128xf32, #tpu.memory_space<vmem_shared>>
      tpu.wait_dma2 semaphore(%run_scoped3A_64 : memref<!tpu.dma_semaphore, #tpu.memory_space<semaphore_mem>>) src(%arg8 : memref<80x128xf32, #tpu.memory_space<vmem>>) dst(%dma_wait3A_72 : memref<80x128xf32, #tpu.memory_space<vmem_shared>>)
      tpu.yield
    }) : () -> ()
    %mul3A_21 = arith.constant 640 : i32
    %mul3A_22 = arith.muli %arg1, %mul3A_21 : i32
    %add3A_23 = arith.constant 320 : i32
    %add3A_24 = arith.addi %mul3A_22, %add3A_23 : i32
    "tpu.region"() ({
      %run_scoped3A_64 = tpu.sem_alloc : memref<!tpu.dma_semaphore, #tpu.memory_space<semaphore_mem>>
      %dma_start3A_65 = arith.constant 0 : i32
      %dma_start3A_66 = tpu.memref_slice %arg12[%add3A_24, %dma_start3A_65] : memref<10240x128xf32, #tpu.memory_space<vmem_shared>> -> memref<80x128xf32, #tpu.memory_space<vmem_shared>>
      %dma_start3A_67 = arith.constant 0 : i32
      %dma_start3A_68 = tpu.memref_slice %arg12[%add3A_24, %dma_start3A_67] : memref<10240x128xf32, #tpu.memory_space<vmem_shared>> -> memref<80x128xf32, #tpu.memory_space<vmem_shared>>
      tpu.enqueue_dma source(%arg8 : memref<80x128xf32, #tpu.memory_space<vmem>>) target(%dma_start3A_68 : memref<80x128xf32, #tpu.memory_space<vmem_shared>>) target_semaphore(%run_scoped3A_64 : memref<!tpu.dma_semaphore, #tpu.memory_space<semaphore_mem>>)
      %dma_wait3A_69 = arith.constant 0 : i32
      %dma_wait3A_70 = tpu.memref_slice %arg12[%add3A_24, %dma_wait3A_69] : memref<10240x128xf32, #tpu.memory_space<vmem_shared>> -> memref<80x128xf32, #tpu.memory_space<vmem_shared>>
      %dma_wait3A_71 = arith.constant 0 : i32
      %dma_wait3A_72 = tpu.memref_slice %arg12[%add3A_24, %dma_wait3A_71] : memref<10240x128xf32, #tpu.memory_space<vmem_shared>> -> memref<80x128xf32, #tpu.memory_space<vmem_shared>>
      tpu.wait_dma2 semaphore(%run_scoped3A_64 : memref<!tpu.dma_semaphore, #tpu.memory_space<semaphore_mem>>) src(%arg8 : memref<80x128xf32, #tpu.memory_space<vmem>>) dst(%dma_wait3A_72 : memref<80x128xf32, #tpu.memory_space<vmem_shared>>)
      tpu.yield
    }) : () -> ()
    %mul3A_25 = arith.constant 640 : i32
    %mul3A_26 = arith.muli %arg1, %mul3A_25 : i32
    %add3A_27 = arith.constant 400 : i32
    %add3A_28 = arith.addi %mul3A_26, %add3A_27 : i32
    "tpu.region"() ({
      %run_scoped3A_64 = tpu.sem_alloc : memref<!tpu.dma_semaphore, #tpu.memory_space<semaphore_mem>>
      %dma_start3A_65 = arith.constant 0 : i32
      %dma_start3A_66 = tpu.memref_slice %arg12[%add3A_28, %dma_start3A_65] : memref<10240x128xf32, #tpu.memory_space<vmem_shared>> -> memref<80x128xf32, #tpu.memory_space<vmem_shared>>
      %dma_start3A_67 = arith.constant 0 : i32
      %dma_start3A_68 = tpu.memref_slice %arg12[%add3A_28, %dma_start3A_67] : memref<10240x128xf32, #tpu.memory_space<vmem_shared>> -> memref<80x128xf32, #tpu.memory_space<vmem_shared>>
      tpu.enqueue_dma source(%arg8 : memref<80x128xf32, #tpu.memory_space<vmem>>) target(%dma_start3A_68 : memref<80x128xf32, #tpu.memory_space<vmem_shared>>) target_semaphore(%run_scoped3A_64 : memref<!tpu.dma_semaphore, #tpu.memory_space<semaphore_mem>>)
      %dma_wait3A_69 = arith.constant 0 : i32
      %dma_wait3A_70 = tpu.memref_slice %arg12[%add3A_28, %dma_wait3A_69] : memref<10240x128xf32, #tpu.memory_space<vmem_shared>> -> memref<80x128xf32, #tpu.memory_space<vmem_shared>>
      %dma_wait3A_71 = arith.constant 0 : i32
      %dma_wait3A_72 = tpu.memref_slice %arg12[%add3A_28, %dma_wait3A_71] : memref<10240x128xf32, #tpu.memory_space<vmem_shared>> -> memref<80x128xf32, #tpu.memory_space<vmem_shared>>
      tpu.wait_dma2 semaphore(%run_scoped3A_64 : memref<!tpu.dma_semaphore, #tpu.memory_space<semaphore_mem>>) src(%arg8 : memref<80x128xf32, #tpu.memory_space<vmem>>) dst(%dma_wait3A_72 : memref<80x128xf32, #tpu.memory_space<vmem_shared>>)
      tpu.yield
    }) : () -> ()
    %mul3A_29 = arith.constant 640 : i32
    %mul3A_30 = arith.muli %arg1, %mul3A_29 : i32
    %add3A_31 = arith.constant 480 : i32
    %add3A_32 = arith.addi %mul3A_30, %add3A_31 : i32
    "tpu.region"() ({
      %run_scoped3A_64 = tpu.sem_alloc : memref<!tpu.dma_semaphore, #tpu.memory_space<semaphore_mem>>
      %dma_start3A_65 = arith.constant 0 : i32
      %dma_start3A_66 = tpu.memref_slice %arg12[%add3A_32, %dma_start3A_65] : memref<10240x128xf32, #tpu.memory_space<vmem_shared>> -> memref<80x128xf32, #tpu.memory_space<vmem_shared>>
      %dma_start3A_67 = arith.constant 0 : i32
      %dma_start3A_68 = tpu.memref_slice %arg12[%add3A_32, %dma_start3A_67] : memref<10240x128xf32, #tpu.memory_space<vmem_shared>> -> memref<80x128xf32, #tpu.memory_space<vmem_shared>>
      tpu.enqueue_dma source(%arg8 : memref<80x128xf32, #tpu.memory_space<vmem>>) target(%dma_start3A_68 : memref<80x128xf32, #tpu.memory_space<vmem_shared>>) target_semaphore(%run_scoped3A_64 : memref<!tpu.dma_semaphore, #tpu.memory_space<semaphore_mem>>)
      %dma_wait3A_69 = arith.constant 0 : i32
      %dma_wait3A_70 = tpu.memref_slice %arg12[%add3A_32, %dma_wait3A_69] : memref<10240x128xf32, #tpu.memory_space<vmem_shared>> -> memref<80x128xf32, #tpu.memory_space<vmem_shared>>
      %dma_wait3A_71 = arith.constant 0 : i32
      %dma_wait3A_72 = tpu.memref_slice %arg12[%add3A_32, %dma_wait3A_71] : memref<10240x128xf32, #tpu.memory_space<vmem_shared>> -> memref<80x128xf32, #tpu.memory_space<vmem_shared>>
      tpu.wait_dma2 semaphore(%run_scoped3A_64 : memref<!tpu.dma_semaphore, #tpu.memory_space<semaphore_mem>>) src(%arg8 : memref<80x128xf32, #tpu.memory_space<vmem>>) dst(%dma_wait3A_72 : memref<80x128xf32, #tpu.memory_space<vmem_shared>>)
      tpu.yield
    }) : () -> ()
    %mul3A_33 = arith.constant 640 : i32
    %mul3A_34 = arith.muli %arg1, %mul3A_33 : i32
    %add3A_35 = arith.constant 560 : i32
    %add3A_36 = arith.addi %mul3A_34, %add3A_35 : i32
    "tpu.region"() ({
      %run_scoped3A_64 = tpu.sem_alloc : memref<!tpu.dma_semaphore, #tpu.memory_space<semaphore_mem>>
      %dma_start3A_65 = arith.constant 0 : i32
      %dma_start3A_66 = tpu.memref_slice %arg12[%add3A_36, %dma_start3A_65] : memref<10240x128xf32, #tpu.memory_space<vmem_shared>> -> memref<80x128xf32, #tpu.memory_space<vmem_shared>>
      %dma_start3A_67 = arith.constant 0 : i32
      %dma_start3A_68 = tpu.memref_slice %arg12[%add3A_36, %dma_start3A_67] : memref<10240x128xf32, #tpu.memory_space<vmem_shared>> -> memref<80x128xf32, #tpu.memory_space<vmem_shared>>
      tpu.enqueue_dma source(%arg8 : memref<80x128xf32, #tpu.memory_space<vmem>>) target(%dma_start3A_68 : memref<80x128xf32, #tpu.memory_space<vmem_shared>>) target_semaphore(%run_scoped3A_64 : memref<!tpu.dma_semaphore, #tpu.memory_space<semaphore_mem>>)
      %dma_wait3A_69 = arith.constant 0 : i32
      %dma_wait3A_70 = tpu.memref_slice %arg12[%add3A_36, %dma_wait3A_69] : memref<10240x128xf32, #tpu.memory_space<vmem_shared>> -> memref<80x128xf32, #tpu.memory_space<vmem_shared>>
      %dma_wait3A_71 = arith.constant 0 : i32
      %dma_wait3A_72 = tpu.memref_slice %arg12[%add3A_36, %dma_wait3A_71] : memref<10240x128xf32, #tpu.memory_space<vmem_shared>> -> memref<80x128xf32, #tpu.memory_space<vmem_shared>>
      tpu.wait_dma2 semaphore(%run_scoped3A_64 : memref<!tpu.dma_semaphore, #tpu.memory_space<semaphore_mem>>) src(%arg8 : memref<80x128xf32, #tpu.memory_space<vmem>>) dst(%dma_wait3A_72 : memref<80x128xf32, #tpu.memory_space<vmem_shared>>)
      tpu.yield
    }) : () -> ()
    %barrier3A = arith.constant 0 : index
    tpu.barrier barrier_id(%barrier3A)
    %dma_start3A = arith.constant 0 : i32
    %dma_start3A_37 = tpu.memref_slice %arg6[%dma_start3A] : memref<10000xi32, #tpu.memory_space<vmem>> -> memref<80xi32, #tpu.memory_space<vmem>>
    %dma_start3A_38 = arith.constant 0 : i32
    %dma_start3A_39 = arith.constant 0 : i32
    %dma_start3A_40 = tpu.memref_slice %arg2[%arg0, %dma_start3A_38, %dma_start3A_39] : memref<2x10240x128xf32, #tpu.memory_space<hbm>> -> memref<1x10240x128xf32, #tpu.memory_space<hbm>>
    %dma_start3A_41 = tpu.memref_squeeze %dma_start3A_40 : memref<1x10240x128xf32, #tpu.memory_space<hbm>> -> memref<10240x128xf32, #tpu.memory_space<hbm>>
    %dma_start3A_42 = arith.constant 0 : i32
    %dma_start3A_43 = arith.constant 0 : i32
    %dma_start3A_44 = tpu.memref_slice %dma_start3A_41[%dma_start3A_42, %dma_start3A_43] : memref<10240x128xf32, #tpu.memory_space<hbm>> -> memref<10240x128xf32, #tpu.memory_space<hbm>>
    tpu.enqueue_indirect_dma source(%dma_start3A_44 : memref<10240x128xf32, #tpu.memory_space<hbm>>) target(%arg8 : memref<80x128xf32, #tpu.memory_space<vmem>>) offsets(%dma_start3A_37 : memref<80xi32, #tpu.memory_space<vmem>>) semaphore(%arg10 : memref<!tpu.dma_semaphore, #tpu.memory_space<semaphore_mem>>)
    %scan3A_45 = arith.constant 0 : i32
    %scan3A_46 = arith.constant 0 : i32
    %scan3A_47 = arith.constant 62 : i32
    %scan3A_48 = arith.addi %scan3A_46, %scan3A_47 : i32
    %scan3A_49 = arith.constant 1 : i32
    %scan3A_50 = scf.for %scan3A_64 = %scan3A_46 to %scan3A_48 step %scan3A_49 iter_args(%scan3A_65 = %scan3A_45) -> (i32)  : i32 {
      %mul3A_66 = arith.constant 2 : i32
      %mul3A_67 = arith.muli %mul3A_66, %scan3A_64 : i32
      %add3A_68 = arith.constant 1 : i32
      %add3A_69 = arith.addi %mul3A_67, %add3A_68 : i32
      %mul3A_70 = arith.constant 80 : i32
      %mul3A_71 = arith.muli %add3A_69, %mul3A_70 : i32
      %dma_start3A_72 = tpu.memref_slice %arg6[%mul3A_71] : memref<10000xi32, #tpu.memory_space<vmem>> -> memref<80xi32, #tpu.memory_space<vmem>>
      %dma_start3A_73 = arith.constant 0 : i32
      %dma_start3A_74 = arith.constant 0 : i32
      %dma_start3A_75 = tpu.memref_slice %arg2[%arg0, %dma_start3A_73, %dma_start3A_74] : memref<2x10240x128xf32, #tpu.memory_space<hbm>> -> memref<1x10240x128xf32, #tpu.memory_space<hbm>>
      %dma_start3A_76 = tpu.memref_squeeze %dma_start3A_75 : memref<1x10240x128xf32, #tpu.memory_space<hbm>> -> memref<10240x128xf32, #tpu.memory_space<hbm>>
      %dma_start3A_77 = arith.constant 0 : i32
      %dma_start3A_78 = arith.constant 0 : i32
      %dma_start3A_79 = tpu.memref_slice %dma_start3A_76[%dma_start3A_77, %dma_start3A_78] : memref<10240x128xf32, #tpu.memory_space<hbm>> -> memref<10240x128xf32, #tpu.memory_space<hbm>>
      tpu.enqueue_indirect_dma source(%dma_start3A_79 : memref<10240x128xf32, #tpu.memory_space<hbm>>) target(%arg9 : memref<80x128xf32, #tpu.memory_space<vmem>>) offsets(%dma_start3A_72 : memref<80xi32, #tpu.memory_space<vmem>>) semaphore(%arg11 : memref<!tpu.dma_semaphore, #tpu.memory_space<semaphore_mem>>)
      %dma_wait3A_80 = arith.constant 0 : i32
      %dma_wait3A_81 = arith.constant 0 : i32
      %dma_wait3A_82 = tpu.memref_slice %arg2[%arg0, %dma_wait3A_80, %dma_wait3A_81] : memref<2x10240x128xf32, #tpu.memory_space<hbm>> -> memref<1x10240x128xf32, #tpu.memory_space<hbm>>
      %dma_wait3A_83 = tpu.memref_squeeze %dma_wait3A_82 : memref<1x10240x128xf32, #tpu.memory_space<hbm>> -> memref<10240x128xf32, #tpu.memory_space<hbm>>
      %dma_wait3A_84 = arith.constant 0 : i32
      %dma_wait3A_85 = arith.constant 0 : i32
      %dma_wait3A_86 = tpu.memref_slice %arg2[%arg0, %dma_wait3A_84, %dma_wait3A_85] : memref<2x10240x128xf32, #tpu.memory_space<hbm>> -> memref<1x10240x128xf32, #tpu.memory_space<hbm>>
      %dma_wait3A_87 = tpu.memref_squeeze %dma_wait3A_86 : memref<1x10240x128xf32, #tpu.memory_space<hbm>> -> memref<10240x128xf32, #tpu.memory_space<hbm>>
      tpu.wait_dma2 semaphore(%arg10 : memref<!tpu.dma_semaphore, #tpu.memory_space<semaphore_mem>>) src(%dma_wait3A_87 : memref<10240x128xf32, #tpu.memory_space<hbm>>) dst(%arg8 : memref<80x128xf32, #tpu.memory_space<vmem>>)
      "tpu.region"() ({
        %run_scoped3A_111 = tpu.sem_alloc : memref<!tpu.dma_semaphore, #tpu.memory_space<semaphore_mem>>
        %dma_start3A_112 = arith.constant 0 : i32
        %dma_start3A_113 = tpu.memref_slice %arg7[%mul3A_67, %dma_start3A_112] : memref<125x80xi32, #tpu.memory_space<vmem>> -> memref<1x80xi32, #tpu.memory_space<vmem>>
        %dma_start3A_114 = tpu.memref_squeeze %dma_start3A_113 : memref<1x80xi32, #tpu.memory_space<vmem>> -> memref<80xi32, #tpu.memory_space<vmem>>
        %dma_start3A_115 = arith.constant 0 : i32
        %dma_start3A_116 = arith.constant 0 : i32
        %dma_start3A_117 = tpu.memref_slice %arg12[%dma_start3A_115, %dma_start3A_116] : memref<10240x128xf32, #tpu.memory_space<vmem_shared>> -> memref<10240x128xf32, #tpu.memory_space<vmem_shared>>
        tpu.enqueue_indirect_dma source(%arg8 : memref<80x128xf32, #tpu.memory_space<vmem>>) target(%dma_start3A_117 : memref<10240x128xf32, #tpu.memory_space<vmem_shared>>) offsets(%dma_start3A_114 : memref<80xi32, #tpu.memory_space<vmem>>) semaphore(%run_scoped3A_111 : memref<!tpu.dma_semaphore, #tpu.memory_space<semaphore_mem>>) {add = true}
        %dma_wait3A_118 = arith.constant 0 : i32
        %dma_wait3A_119 = tpu.memref_slice %arg7[%mul3A_67, %dma_wait3A_118] : memref<125x80xi32, #tpu.memory_space<vmem>> -> memref<1x80xi32, #tpu.memory_space<vmem>>
        %dma_wait3A_120 = tpu.memref_squeeze %dma_wait3A_119 : memref<1x80xi32, #tpu.memory_space<vmem>> -> memref<80xi32, #tpu.memory_space<vmem>>
        %dma_wait3A_121 = arith.constant 0 : i32
        %dma_wait3A_122 = arith.constant 0 : i32
        %dma_wait3A_123 = tpu.memref_slice %arg12[%dma_wait3A_121, %dma_wait3A_122] : memref<10240x128xf32, #tpu.memory_space<vmem_shared>> -> memref<10240x128xf32, #tpu.memory_space<vmem_shared>>
        tpu.wait_indirect_dma semaphore(%run_scoped3A_111 : memref<!tpu.dma_semaphore, #tpu.memory_space<semaphore_mem>>) src(%arg8 : memref<80x128xf32, #tpu.memory_space<vmem>>) dst(%dma_wait3A_123 : memref<10240x128xf32, #tpu.memory_space<vmem_shared>>)
        tpu.yield
      }) : () -> ()
      %add3A_88 = arith.constant 2 : i32
      %add3A_89 = arith.addi %mul3A_67, %add3A_88 : i32
      %mul3A_90 = arith.constant 80 : i32
      %mul3A_91 = arith.muli %add3A_89, %mul3A_90 : i32
      %dma_start3A_92 = tpu.memref_slice %arg6[%mul3A_91] : memref<10000xi32, #tpu.memory_space<vmem>> -> memref<80xi32, #tpu.memory_space<vmem>>
      %dma_start3A_93 = arith.constant 0 : i32
      %dma_start3A_94 = arith.constant 0 : i32
      %dma_start3A_95 = tpu.memref_slice %arg2[%arg0, %dma_start3A_93, %dma_start3A_94] : memref<2x10240x128xf32, #tpu.memory_space<hbm>> -> memref<1x10240x128xf32, #tpu.memory_space<hbm>>
      %dma_start3A_96 = tpu.memref_squeeze %dma_start3A_95 : memref<1x10240x128xf32, #tpu.memory_space<hbm>> -> memref<10240x128xf32, #tpu.memory_space<hbm>>
      %dma_start3A_97 = arith.constant 0 : i32
      %dma_start3A_98 = arith.constant 0 : i32
      %dma_start3A_99 = tpu.memref_slice %dma_start3A_96[%dma_start3A_97, %dma_start3A_98] : memref<10240x128xf32, #tpu.memory_space<hbm>> -> memref<10240x128xf32, #tpu.memory_space<hbm>>
      tpu.enqueue_indirect_dma source(%dma_start3A_99 : memref<10240x128xf32, #tpu.memory_space<hbm>>) target(%arg8 : memref<80x128xf32, #tpu.memory_space<vmem>>) offsets(%dma_start3A_92 : memref<80xi32, #tpu.memory_space<vmem>>) semaphore(%arg10 : memref<!tpu.dma_semaphore, #tpu.memory_space<semaphore_mem>>)
      %dma_wait3A_100 = arith.constant 0 : i32
      %dma_wait3A_101 = arith.constant 0 : i32
      %dma_wait3A_102 = tpu.memref_slice %arg2[%arg0, %dma_wait3A_100, %dma_wait3A_101] : memref<2x10240x128xf32, #tpu.memory_space<hbm>> -> memref<1x10240x128xf32, #tpu.memory_space<hbm>>
      %dma_wait3A_103 = tpu.memref_squeeze %dma_wait3A_102 : memref<1x10240x128xf32, #tpu.memory_space<hbm>> -> memref<10240x128xf32, #tpu.memory_space<hbm>>
      %dma_wait3A_104 = arith.constant 0 : i32
      %dma_wait3A_105 = arith.constant 0 : i32
      %dma_wait3A_106 = tpu.memref_slice %arg2[%arg0, %dma_wait3A_104, %dma_wait3A_105] : memref<2x10240x128xf32, #tpu.memory_space<hbm>> -> memref<1x10240x128xf32, #tpu.memory_space<hbm>>
      %dma_wait3A_107 = tpu.memref_squeeze %dma_wait3A_106 : memref<1x10240x128xf32, #tpu.memory_space<hbm>> -> memref<10240x128xf32, #tpu.memory_space<hbm>>
      tpu.wait_dma2 semaphore(%arg11 : memref<!tpu.dma_semaphore, #tpu.memory_space<semaphore_mem>>) src(%dma_wait3A_107 : memref<10240x128xf32, #tpu.memory_space<hbm>>) dst(%arg9 : memref<80x128xf32, #tpu.memory_space<vmem>>)
      %add3A_108 = arith.constant 1 : i32
      %add3A_109 = arith.addi %mul3A_67, %add3A_108 : i32
      "tpu.region"() ({
        %run_scoped3A_111 = tpu.sem_alloc : memref<!tpu.dma_semaphore, #tpu.memory_space<semaphore_mem>>
        %dma_start3A_112 = arith.constant 0 : i32
        %dma_start3A_113 = tpu.memref_slice %arg7[%add3A_109, %dma_start3A_112] : memref<125x80xi32, #tpu.memory_space<vmem>> -> memref<1x80xi32, #tpu.memory_space<vmem>>
        %dma_start3A_114 = tpu.memref_squeeze %dma_start3A_113 : memref<1x80xi32, #tpu.memory_space<vmem>> -> memref<80xi32, #tpu.memory_space<vmem>>
        %dma_start3A_115 = arith.constant 0 : i32
        %dma_start3A_116 = arith.constant 0 : i32
        %dma_start3A_117 = tpu.memref_slice %arg12[%dma_start3A_115, %dma_start3A_116] : memref<10240x128xf32, #tpu.memory_space<vmem_shared>> -> memref<10240x128xf32, #tpu.memory_space<vmem_shared>>
        tpu.enqueue_indirect_dma source(%arg9 : memref<80x128xf32, #tpu.memory_space<vmem>>) target(%dma_start3A_117 : memref<10240x128xf32, #tpu.memory_space<vmem_shared>>) offsets(%dma_start3A_114 : memref<80xi32, #tpu.memory_space<vmem>>) semaphore(%run_scoped3A_111 : memref<!tpu.dma_semaphore, #tpu.memory_space<semaphore_mem>>) {add = true}
        %dma_wait3A_118 = arith.constant 0 : i32
        %dma_wait3A_119 = tpu.memref_slice %arg7[%add3A_109, %dma_wait3A_118] : memref<125x80xi32, #tpu.memory_space<vmem>> -> memref<1x80xi32, #tpu.memory_space<vmem>>
        %dma_wait3A_120 = tpu.memref_squeeze %dma_wait3A_119 : memref<1x80xi32, #tpu.memory_space<vmem>> -> memref<80xi32, #tpu.memory_space<vmem>>
        %dma_wait3A_121 = arith.constant 0 : i32
        %dma_wait3A_122 = arith.constant 0 : i32
        %dma_wait3A_123 = tpu.memref_slice %arg12[%dma_wait3A_121, %dma_wait3A_122] : memref<10240x128xf32, #tpu.memory_space<vmem_shared>> -> memref<10240x128xf32, #tpu.memory_space<vmem_shared>>
        tpu.wait_indirect_dma semaphore(%run_scoped3A_111 : memref<!tpu.dma_semaphore, #tpu.memory_space<semaphore_mem>>) src(%arg9 : memref<80x128xf32, #tpu.memory_space<vmem>>) dst(%dma_wait3A_123 : memref<10240x128xf32, #tpu.memory_space<vmem_shared>>)
        tpu.yield
      }) : () -> ()
      %scan3A_110 = arith.constant 0 : i32
      scf.yield %scan3A_110 : i32
    }
    %scan3A_51 = arith.constant 62 : i32
    %dma_wait3A = arith.constant 0 : i32
    %dma_wait3A_52 = arith.constant 0 : i32
    %dma_wait3A_53 = tpu.memref_slice %arg2[%arg0, %dma_wait3A, %dma_wait3A_52] : memref<2x10240x128xf32, #tpu.memory_space<hbm>> -> memref<1x10240x128xf32, #tpu.memory_space<hbm>>
    %dma_wait3A_54 = tpu.memref_squeeze %dma_wait3A_53 : memref<1x10240x128xf32, #tpu.memory_space<hbm>> -> memref<10240x128xf32, #tpu.memory_space<hbm>>
    %dma_wait3A_55 = arith.constant 0 : i32
    %dma_wait3A_56 = arith.constant 0 : i32
    %dma_wait3A_57 = tpu.memref_slice %arg2[%arg0, %dma_wait3A_55, %dma_wait3A_56] : memref<2x10240x128xf32, #tpu.memory_space<hbm>> -> memref<1x10240x128xf32, #tpu.memory_space<hbm>>
    %dma_wait3A_58 = tpu.memref_squeeze %dma_wait3A_57 : memref<1x10240x128xf32, #tpu.memory_space<hbm>> -> memref<10240x128xf32, #tpu.memory_space<hbm>>
    tpu.wait_dma2 semaphore(%arg10 : memref<!tpu.dma_semaphore, #tpu.memory_space<semaphore_mem>>) src(%dma_wait3A_58 : memref<10240x128xf32, #tpu.memory_space<hbm>>) dst(%arg8 : memref<80x128xf32, #tpu.memory_space<vmem>>)
    %run_scoped3A = arith.constant 124 : i32
    "tpu.region"() ({
      %run_scoped3A_64 = tpu.sem_alloc : memref<!tpu.dma_semaphore, #tpu.memory_space<semaphore_mem>>
      %dma_start3A_65 = arith.constant 0 : i32
      %dma_start3A_66 = tpu.memref_slice %arg7[%run_scoped3A, %dma_start3A_65] : memref<125x80xi32, #tpu.memory_space<vmem>> -> memref<1x80xi32, #tpu.memory_space<vmem>>
      %dma_start3A_67 = tpu.memref_squeeze %dma_start3A_66 : memref<1x80xi32, #tpu.memory_space<vmem>> -> memref<80xi32, #tpu.memory_space<vmem>>
      %dma_start3A_68 = arith.constant 0 : i32
      %dma_start3A_69 = arith.constant 0 : i32
      %dma_start3A_70 = tpu.memref_slice %arg12[%dma_start3A_68, %dma_start3A_69] : memref<10240x128xf32, #tpu.memory_space<vmem_shared>> -> memref<10240x128xf32, #tpu.memory_space<vmem_shared>>
      tpu.enqueue_indirect_dma source(%arg8 : memref<80x128xf32, #tpu.memory_space<vmem>>) target(%dma_start3A_70 : memref<10240x128xf32, #tpu.memory_space<vmem_shared>>) offsets(%dma_start3A_67 : memref<80xi32, #tpu.memory_space<vmem>>) semaphore(%run_scoped3A_64 : memref<!tpu.dma_semaphore, #tpu.memory_space<semaphore_mem>>) {add = true}
      %dma_wait3A_71 = arith.constant 0 : i32
      %dma_wait3A_72 = tpu.memref_slice %arg7[%run_scoped3A, %dma_wait3A_71] : memref<125x80xi32, #tpu.memory_space<vmem>> -> memref<1x80xi32, #tpu.memory_space<vmem>>
      %dma_wait3A_73 = tpu.memref_squeeze %dma_wait3A_72 : memref<1x80xi32, #tpu.memory_space<vmem>> -> memref<80xi32, #tpu.memory_space<vmem>>
      %dma_wait3A_74 = arith.constant 0 : i32
      %dma_wait3A_75 = arith.constant 0 : i32
      %dma_wait3A_76 = tpu.memref_slice %arg12[%dma_wait3A_74, %dma_wait3A_75] : memref<10240x128xf32, #tpu.memory_space<vmem_shared>> -> memref<10240x128xf32, #tpu.memory_space<vmem_shared>>
      tpu.wait_indirect_dma semaphore(%run_scoped3A_64 : memref<!tpu.dma_semaphore, #tpu.memory_space<semaphore_mem>>) src(%arg8 : memref<80x128xf32, #tpu.memory_space<vmem>>) dst(%dma_wait3A_76 : memref<10240x128xf32, #tpu.memory_space<vmem_shared>>)
      tpu.yield
    }) : () -> ()
    %barrier3A_59 = arith.constant 0 : index
    tpu.barrier barrier_id(%barrier3A_59)
    %mul3A_60 = arith.constant 640 : i32
    %mul3A_61 = arith.muli %arg1, %mul3A_60 : i32
    %mul3A_62 = arith.constant 640 : i32
    %mul3A_63 = arith.muli %arg1, %mul3A_62 : i32
    "tpu.region"() ({
      %run_scoped3A_64 = tpu.sem_alloc : memref<!tpu.dma_semaphore, #tpu.memory_space<semaphore_mem>>
      %dma_start3A_65 = arith.constant 0 : i32
      %dma_start3A_66 = tpu.memref_slice %arg5[%arg0, %mul3A_63, %dma_start3A_65] : memref<2x10240x128xf32, #tpu.memory_space<hbm>> -> memref<1x640x128xf32, #tpu.memory_space<hbm>>
      %dma_start3A_67 = tpu.memref_squeeze %dma_start3A_66 : memref<1x640x128xf32, #tpu.memory_space<hbm>> -> memref<640x128xf32, #tpu.memory_space<hbm>>
      %dma_start3A_68 = arith.constant 0 : i32
      %dma_start3A_69 = tpu.memref_slice %arg12[%mul3A_61, %dma_start3A_68] : memref<10240x128xf32, #tpu.memory_space<vmem_shared>> -> memref<640x128xf32, #tpu.memory_space<vmem_shared>>
      tpu.enqueue_dma source(%dma_start3A_69 : memref<640x128xf32, #tpu.memory_space<vmem_shared>>) target(%dma_start3A_67 : memref<640x128xf32, #tpu.memory_space<hbm>>) target_semaphore(%run_scoped3A_64 : memref<!tpu.dma_semaphore, #tpu.memory_space<semaphore_mem>>)
      %dma_wait3A_70 = arith.constant 0 : i32
      %dma_wait3A_71 = tpu.memref_slice %arg5[%arg0, %mul3A_63, %dma_wait3A_70] : memref<2x10240x128xf32, #tpu.memory_space<hbm>> -> memref<1x640x128xf32, #tpu.memory_space<hbm>>
      %dma_wait3A_72 = tpu.memref_squeeze %dma_wait3A_71 : memref<1x640x128xf32, #tpu.memory_space<hbm>> -> memref<640x128xf32, #tpu.memory_space<hbm>>
      %dma_wait3A_73 = arith.constant 0 : i32
      %dma_wait3A_74 = tpu.memref_slice %arg12[%mul3A_61, %dma_wait3A_73] : memref<10240x128xf32, #tpu.memory_space<vmem_shared>> -> memref<640x128xf32, #tpu.memory_space<vmem_shared>>
      tpu.wait_dma2 semaphore(%run_scoped3A_64 : memref<!tpu.dma_semaphore, #tpu.memory_space<semaphore_mem>>) src(%dma_wait3A_74 : memref<640x128xf32, #tpu.memory_space<vmem_shared>>) dst(%dma_wait3A_72 : memref<640x128xf32, #tpu.memory_space<hbm>>)
      tpu.yield
    }) : () -> ()
    return
  }
}

#map = affine_map<(d0, d1) -> (0, 0, 0)>
#map1 = affine_map<(d0, d1) -> (0, 0)>
module attributes {stable_mosaic.version = 14 : i64} {
  func.func @_agg_body(%arg0: i32, %arg1: i32, %arg2: memref<2x10240x128xf32, #tpu.memory_space<hbm>>, %arg3: memref<16x10000xi32, #tpu.memory_space<hbm>>, %arg4: memref<16x125x80xi32, #tpu.memory_space<hbm>>, %arg5: memref<2x10240x128xf32, #tpu.memory_space<hbm>>, %arg6: memref<10000xi32, #tpu.memory_space<vmem>>, %arg7: memref<125x80xi32, #tpu.memory_space<vmem>>, %arg8: memref<80x128xf32, #tpu.memory_space<vmem>>, %arg9: memref<80x128xf32, #tpu.memory_space<vmem>>, %arg10: memref<!tpu.dma_semaphore, #tpu.memory_space<semaphore_mem>>, %arg11: memref<!tpu.dma_semaphore, #tpu.memory_space<semaphore_mem>>, %arg12: memref<10240x128xf32, #tpu.memory_space<vmem_shared>>) attributes {dimension_semantics = [#tpu.dimension_semantics<core_parallel>, #tpu.dimension_semantics<subcore_parallel>], iteration_bounds = array<i64: 2, 16>, scalar_prefetch = 0 : i64, scratch_operands = 7 : i64, tpu.core_type = #tpu.core_type<sc_vector_subcore>, window_params = [{transform_indices = #map}, {transform_indices = #map1}, {transform_indices = #map}, {transform_indices = #map}]} {
    "tpu.region"() ({
      %run_scoped3A_64 = tpu.sem_alloc : memref<!tpu.dma_semaphore, #tpu.memory_space<semaphore_mem>>
      %dma_start3A_65 = arith.constant 0 : i32
      %dma_start3A_66 = tpu.memref_slice %arg3[%arg1, %dma_start3A_65] : memref<16x10000xi32, #tpu.memory_space<hbm>> -> memref<1x10000xi32, #tpu.memory_space<hbm>>
      %dma_start3A_67 = tpu.memref_squeeze %dma_start3A_66 : memref<1x10000xi32, #tpu.memory_space<hbm>> -> memref<10000xi32, #tpu.memory_space<hbm>>
      %dma_start3A_68 = arith.constant 0 : i32
      %dma_start3A_69 = tpu.memref_slice %arg3[%arg1, %dma_start3A_68] : memref<16x10000xi32, #tpu.memory_space<hbm>> -> memref<1x10000xi32, #tpu.memory_space<hbm>>
      %dma_start3A_70 = tpu.memref_squeeze %dma_start3A_69 : memref<1x10000xi32, #tpu.memory_space<hbm>> -> memref<10000xi32, #tpu.memory_space<hbm>>
      tpu.enqueue_dma source(%dma_start3A_70 : memref<10000xi32, #tpu.memory_space<hbm>>) target(%arg6 : memref<10000xi32, #tpu.memory_space<vmem>>) target_semaphore(%run_scoped3A_64 : memref<!tpu.dma_semaphore, #tpu.memory_space<semaphore_mem>>)
      %dma_wait3A_71 = arith.constant 0 : i32
      %dma_wait3A_72 = tpu.memref_slice %arg3[%arg1, %dma_wait3A_71] : memref<16x10000xi32, #tpu.memory_space<hbm>> -> memref<1x10000xi32, #tpu.memory_space<hbm>>
      %dma_wait3A_73 = tpu.memref_squeeze %dma_wait3A_72 : memref<1x10000xi32, #tpu.memory_space<hbm>> -> memref<10000xi32, #tpu.memory_space<hbm>>
      %dma_wait3A_74 = arith.constant 0 : i32
      %dma_wait3A_75 = tpu.memref_slice %arg3[%arg1, %dma_wait3A_74] : memref<16x10000xi32, #tpu.memory_space<hbm>> -> memref<1x10000xi32, #tpu.memory_space<hbm>>
      %dma_wait3A_76 = tpu.memref_squeeze %dma_wait3A_75 : memref<1x10000xi32, #tpu.memory_space<hbm>> -> memref<10000xi32, #tpu.memory_space<hbm>>
      tpu.wait_dma2 semaphore(%run_scoped3A_64 : memref<!tpu.dma_semaphore, #tpu.memory_space<semaphore_mem>>) src(%dma_wait3A_76 : memref<10000xi32, #tpu.memory_space<hbm>>) dst(%arg6 : memref<10000xi32, #tpu.memory_space<vmem>>)
      tpu.yield
    }) : () -> ()
    "tpu.region"() ({
      %run_scoped3A_64 = tpu.sem_alloc : memref<!tpu.dma_semaphore, #tpu.memory_space<semaphore_mem>>
      %dma_start3A_65 = arith.constant 0 : i32
      %dma_start3A_66 = arith.constant 0 : i32
      %dma_start3A_67 = tpu.memref_slice %arg4[%arg1, %dma_start3A_65, %dma_start3A_66] : memref<16x125x80xi32, #tpu.memory_space<hbm>> -> memref<1x125x80xi32, #tpu.memory_space<hbm>>
      %dma_start3A_68 = tpu.memref_squeeze %dma_start3A_67 : memref<1x125x80xi32, #tpu.memory_space<hbm>> -> memref<125x80xi32, #tpu.memory_space<hbm>>
      %dma_start3A_69 = arith.constant 0 : i32
      %dma_start3A_70 = arith.constant 0 : i32
      %dma_start3A_71 = tpu.memref_slice %arg4[%arg1, %dma_start3A_69, %dma_start3A_70] : memref<16x125x80xi32, #tpu.memory_space<hbm>> -> memref<1x125x80xi32, #tpu.memory_space<hbm>>
      %dma_start3A_72 = tpu.memref_squeeze %dma_start3A_71 : memref<1x125x80xi32, #tpu.memory_space<hbm>> -> memref<125x80xi32, #tpu.memory_space<hbm>>
      tpu.enqueue_dma source(%dma_start3A_72 : memref<125x80xi32, #tpu.memory_space<hbm>>) target(%arg7 : memref<125x80xi32, #tpu.memory_space<vmem>>) target_semaphore(%run_scoped3A_64 : memref<!tpu.dma_semaphore, #tpu.memory_space<semaphore_mem>>)
      %dma_wait3A_73 = arith.constant 0 : i32
      %dma_wait3A_74 = arith.constant 0 : i32
      %dma_wait3A_75 = tpu.memref_slice %arg4[%arg1, %dma_wait3A_73, %dma_wait3A_74] : memref<16x125x80xi32, #tpu.memory_space<hbm>> -> memref<1x125x80xi32, #tpu.memory_space<hbm>>
      %dma_wait3A_76 = tpu.memref_squeeze %dma_wait3A_75 : memref<1x125x80xi32, #tpu.memory_space<hbm>> -> memref<125x80xi32, #tpu.memory_space<hbm>>
      %dma_wait3A_77 = arith.constant 0 : i32
      %dma_wait3A_78 = arith.constant 0 : i32
      %dma_wait3A_79 = tpu.memref_slice %arg4[%arg1, %dma_wait3A_77, %dma_wait3A_78] : memref<16x125x80xi32, #tpu.memory_space<hbm>> -> memref<1x125x80xi32, #tpu.memory_space<hbm>>
      %dma_wait3A_80 = tpu.memref_squeeze %dma_wait3A_79 : memref<1x125x80xi32, #tpu.memory_space<hbm>> -> memref<125x80xi32, #tpu.memory_space<hbm>>
      tpu.wait_dma2 semaphore(%run_scoped3A_64 : memref<!tpu.dma_semaphore, #tpu.memory_space<semaphore_mem>>) src(%dma_wait3A_80 : memref<125x80xi32, #tpu.memory_space<hbm>>) dst(%arg7 : memref<125x80xi32, #tpu.memory_space<vmem>>)
      tpu.yield
    }) : () -> ()
    %broadcast_in_dim3A = arith.constant 0.000000e+00 : f32
    %broadcast_in_dim3A_0 = vector.broadcast %broadcast_in_dim3A : f32 to vector<16xf32>
    %scan3A = arith.constant 0 : i32
    %scan3A_1 = arith.constant 0 : i32
    %scan3A_2 = arith.constant 80 : i32
    %scan3A_3 = arith.addi %scan3A_1, %scan3A_2 : i32
    %scan3A_4 = arith.constant 1 : i32
    %scan3A_5 = scf.for %scan3A_64 = %scan3A_1 to %scan3A_3 step %scan3A_4 iter_args(%scan3A_65 = %scan3A) -> (i32)  : i32 {
      %swap3A = arith.index_cast %scan3A_64 : i32 to index
      %swap3A_66 = arith.constant 0 : index
      %swap3A_67 = tpu.vector_load %arg8[%swap3A, %swap3A_66] {strides = array<i32>} : memref<80x128xf32, #tpu.memory_space<vmem>>, vector<1x16xf32>,
      %swap3A_68 = vector.shape_cast %swap3A_67 : vector<1x16xf32> to vector<16xf32>
      %swap3A_69 = vector.shape_cast %broadcast_in_dim3A_0 : vector<16xf32> to vector<1x16xf32>
      tpu.vector_store %arg8[%swap3A, %swap3A_66], %swap3A_69 {strides = array<i32>} : memref<80x128xf32, #tpu.memory_space<vmem>>, vector<1x16xf32>,
      %swap3A_70 = arith.index_cast %scan3A_64 : i32 to index
      %swap3A_71 = arith.constant 16 : index
      %swap3A_72 = tpu.vector_load %arg8[%swap3A_70, %swap3A_71] {strides = array<i32>} : memref<80x128xf32, #tpu.memory_space<vmem>>, vector<1x16xf32>,
      %swap3A_73 = vector.shape_cast %swap3A_72 : vector<1x16xf32> to vector<16xf32>
      %swap3A_74 = vector.shape_cast %broadcast_in_dim3A_0 : vector<16xf32> to vector<1x16xf32>
      tpu.vector_store %arg8[%swap3A_70, %swap3A_71], %swap3A_74 {strides = array<i32>} : memref<80x128xf32, #tpu.memory_space<vmem>>, vector<1x16xf32>,
      %swap3A_75 = arith.index_cast %scan3A_64 : i32 to index
      %swap3A_76 = arith.constant 32 : index
      %swap3A_77 = tpu.vector_load %arg8[%swap3A_75, %swap3A_76] {strides = array<i32>} : memref<80x128xf32, #tpu.memory_space<vmem>>, vector<1x16xf32>,
      %swap3A_78 = vector.shape_cast %swap3A_77 : vector<1x16xf32> to vector<16xf32>
      %swap3A_79 = vector.shape_cast %broadcast_in_dim3A_0 : vector<16xf32> to vector<1x16xf32>
      tpu.vector_store %arg8[%swap3A_75, %swap3A_76], %swap3A_79 {strides = array<i32>} : memref<80x128xf32, #tpu.memory_space<vmem>>, vector<1x16xf32>,
      %swap3A_80 = arith.index_cast %scan3A_64 : i32 to index
      %swap3A_81 = arith.constant 48 : index
      %swap3A_82 = tpu.vector_load %arg8[%swap3A_80, %swap3A_81] {strides = array<i32>} : memref<80x128xf32, #tpu.memory_space<vmem>>, vector<1x16xf32>,
      %swap3A_83 = vector.shape_cast %swap3A_82 : vector<1x16xf32> to vector<16xf32>
      %swap3A_84 = vector.shape_cast %broadcast_in_dim3A_0 : vector<16xf32> to vector<1x16xf32>
      tpu.vector_store %arg8[%swap3A_80, %swap3A_81], %swap3A_84 {strides = array<i32>} : memref<80x128xf32, #tpu.memory_space<vmem>>, vector<1x16xf32>,
      %swap3A_85 = arith.index_cast %scan3A_64 : i32 to index
      %swap3A_86 = arith.constant 64 : index
      %swap3A_87 = tpu.vector_load %arg8[%swap3A_85, %swap3A_86] {strides = array<i32>} : memref<80x128xf32, #tpu.memory_space<vmem>>, vector<1x16xf32>,
      %swap3A_88 = vector.shape_cast %swap3A_87 : vector<1x16xf32> to vector<16xf32>
      %swap3A_89 = vector.shape_cast %broadcast_in_dim3A_0 : vector<16xf32> to vector<1x16xf32>
      tpu.vector_store %arg8[%swap3A_85, %swap3A_86], %swap3A_89 {strides = array<i32>} : memref<80x128xf32, #tpu.memory_space<vmem>>, vector<1x16xf32>,
      %swap3A_90 = arith.index_cast %scan3A_64 : i32 to index
      %swap3A_91 = arith.constant 80 : index
      %swap3A_92 = tpu.vector_load %arg8[%swap3A_90, %swap3A_91] {strides = array<i32>} : memref<80x128xf32, #tpu.memory_space<vmem>>, vector<1x16xf32>,
      %swap3A_93 = vector.shape_cast %swap3A_92 : vector<1x16xf32> to vector<16xf32>
      %swap3A_94 = vector.shape_cast %broadcast_in_dim3A_0 : vector<16xf32> to vector<1x16xf32>
      tpu.vector_store %arg8[%swap3A_90, %swap3A_91], %swap3A_94 {strides = array<i32>} : memref<80x128xf32, #tpu.memory_space<vmem>>, vector<1x16xf32>,
      %swap3A_95 = arith.index_cast %scan3A_64 : i32 to index
      %swap3A_96 = arith.constant 96 : index
      %swap3A_97 = tpu.vector_load %arg8[%swap3A_95, %swap3A_96] {strides = array<i32>} : memref<80x128xf32, #tpu.memory_space<vmem>>, vector<1x16xf32>,
      %swap3A_98 = vector.shape_cast %swap3A_97 : vector<1x16xf32> to vector<16xf32>
      %swap3A_99 = vector.shape_cast %broadcast_in_dim3A_0 : vector<16xf32> to vector<1x16xf32>
      tpu.vector_store %arg8[%swap3A_95, %swap3A_96], %swap3A_99 {strides = array<i32>} : memref<80x128xf32, #tpu.memory_space<vmem>>, vector<1x16xf32>,
      %swap3A_100 = arith.index_cast %scan3A_64 : i32 to index
      %swap3A_101 = arith.constant 112 : index
      %swap3A_102 = tpu.vector_load %arg8[%swap3A_100, %swap3A_101] {strides = array<i32>} : memref<80x128xf32, #tpu.memory_space<vmem>>, vector<1x16xf32>,
      %swap3A_103 = vector.shape_cast %swap3A_102 : vector<1x16xf32> to vector<16xf32>
      %swap3A_104 = vector.shape_cast %broadcast_in_dim3A_0 : vector<16xf32> to vector<1x16xf32>
      tpu.vector_store %arg8[%swap3A_100, %swap3A_101], %swap3A_104 {strides = array<i32>} : memref<80x128xf32, #tpu.memory_space<vmem>>, vector<1x16xf32>,
      %scan3A_105 = arith.constant 0 : i32
      scf.yield %scan3A_105 : i32
    }
    %scan3A_6 = arith.constant 80 : i32
    %mul3A = arith.constant 640 : i32
    %mul3A_7 = arith.muli %arg1, %mul3A : i32
    %add3A = arith.constant 0 : i32
    %add3A_8 = arith.addi %mul3A_7, %add3A : i32
    "tpu.region"() ({
      %run_scoped3A_64 = tpu.sem_alloc : memref<!tpu.dma_semaphore, #tpu.memory_space<semaphore_mem>>
      %dma_start3A_65 = arith.constant 0 : i32
      %dma_start3A_66 = tpu.memref_slice %arg12[%add3A_8, %dma_start3A_65] : memref<10240x128xf32, #tpu.memory_space<vmem_shared>> -> memref<80x128xf32, #tpu.memory_space<vmem_shared>>
      %dma_start3A_67 = arith.constant 0 : i32
      %dma_start3A_68 = tpu.memref_slice %arg12[%add3A_8, %dma_start3A_67] : memref<10240x128xf32, #tpu.memory_space<vmem_shared>> -> memref<80x128xf32, #tpu.memory_space<vmem_shared>>
      tpu.enqueue_dma source(%arg8 : memref<80x128xf32, #tpu.memory_space<vmem>>) target(%dma_start3A_68 : memref<80x128xf32, #tpu.memory_space<vmem_shared>>) target_semaphore(%run_scoped3A_64 : memref<!tpu.dma_semaphore, #tpu.memory_space<semaphore_mem>>)
      %dma_wait3A_69 = arith.constant 0 : i32
      %dma_wait3A_70 = tpu.memref_slice %arg12[%add3A_8, %dma_wait3A_69] : memref<10240x128xf32, #tpu.memory_space<vmem_shared>> -> memref<80x128xf32, #tpu.memory_space<vmem_shared>>
      %dma_wait3A_71 = arith.constant 0 : i32
      %dma_wait3A_72 = tpu.memref_slice %arg12[%add3A_8, %dma_wait3A_71] : memref<10240x128xf32, #tpu.memory_space<vmem_shared>> -> memref<80x128xf32, #tpu.memory_space<vmem_shared>>
      tpu.wait_dma2 semaphore(%run_scoped3A_64 : memref<!tpu.dma_semaphore, #tpu.memory_space<semaphore_mem>>) src(%arg8 : memref<80x128xf32, #tpu.memory_space<vmem>>) dst(%dma_wait3A_72 : memref<80x128xf32, #tpu.memory_space<vmem_shared>>)
      tpu.yield
    }) : () -> ()
    %mul3A_9 = arith.constant 640 : i32
    %mul3A_10 = arith.muli %arg1, %mul3A_9 : i32
    %add3A_11 = arith.constant 80 : i32
    %add3A_12 = arith.addi %mul3A_10, %add3A_11 : i32
    "tpu.region"() ({
      %run_scoped3A_64 = tpu.sem_alloc : memref<!tpu.dma_semaphore, #tpu.memory_space<semaphore_mem>>
      %dma_start3A_65 = arith.constant 0 : i32
      %dma_start3A_66 = tpu.memref_slice %arg12[%add3A_12, %dma_start3A_65] : memref<10240x128xf32, #tpu.memory_space<vmem_shared>> -> memref<80x128xf32, #tpu.memory_space<vmem_shared>>
      %dma_start3A_67 = arith.constant 0 : i32
      %dma_start3A_68 = tpu.memref_slice %arg12[%add3A_12, %dma_start3A_67] : memref<10240x128xf32, #tpu.memory_space<vmem_shared>> -> memref<80x128xf32, #tpu.memory_space<vmem_shared>>
      tpu.enqueue_dma source(%arg8 : memref<80x128xf32, #tpu.memory_space<vmem>>) target(%dma_start3A_68 : memref<80x128xf32, #tpu.memory_space<vmem_shared>>) target_semaphore(%run_scoped3A_64 : memref<!tpu.dma_semaphore, #tpu.memory_space<semaphore_mem>>)
      %dma_wait3A_69 = arith.constant 0 : i32
      %dma_wait3A_70 = tpu.memref_slice %arg12[%add3A_12, %dma_wait3A_69] : memref<10240x128xf32, #tpu.memory_space<vmem_shared>> -> memref<80x128xf32, #tpu.memory_space<vmem_shared>>
      %dma_wait3A_71 = arith.constant 0 : i32
      %dma_wait3A_72 = tpu.memref_slice %arg12[%add3A_12, %dma_wait3A_71] : memref<10240x128xf32, #tpu.memory_space<vmem_shared>> -> memref<80x128xf32, #tpu.memory_space<vmem_shared>>
      tpu.wait_dma2 semaphore(%run_scoped3A_64 : memref<!tpu.dma_semaphore, #tpu.memory_space<semaphore_mem>>) src(%arg8 : memref<80x128xf32, #tpu.memory_space<vmem>>) dst(%dma_wait3A_72 : memref<80x128xf32, #tpu.memory_space<vmem_shared>>)
      tpu.yield
    }) : () -> ()
    %mul3A_13 = arith.constant 640 : i32
    %mul3A_14 = arith.muli %arg1, %mul3A_13 : i32
    %add3A_15 = arith.constant 160 : i32
    %add3A_16 = arith.addi %mul3A_14, %add3A_15 : i32
    "tpu.region"() ({
      %run_scoped3A_64 = tpu.sem_alloc : memref<!tpu.dma_semaphore, #tpu.memory_space<semaphore_mem>>
      %dma_start3A_65 = arith.constant 0 : i32
      %dma_start3A_66 = tpu.memref_slice %arg12[%add3A_16, %dma_start3A_65] : memref<10240x128xf32, #tpu.memory_space<vmem_shared>> -> memref<80x128xf32, #tpu.memory_space<vmem_shared>>
      %dma_start3A_67 = arith.constant 0 : i32
      %dma_start3A_68 = tpu.memref_slice %arg12[%add3A_16, %dma_start3A_67] : memref<10240x128xf32, #tpu.memory_space<vmem_shared>> -> memref<80x128xf32, #tpu.memory_space<vmem_shared>>
      tpu.enqueue_dma source(%arg8 : memref<80x128xf32, #tpu.memory_space<vmem>>) target(%dma_start3A_68 : memref<80x128xf32, #tpu.memory_space<vmem_shared>>) target_semaphore(%run_scoped3A_64 : memref<!tpu.dma_semaphore, #tpu.memory_space<semaphore_mem>>)
      %dma_wait3A_69 = arith.constant 0 : i32
      %dma_wait3A_70 = tpu.memref_slice %arg12[%add3A_16, %dma_wait3A_69] : memref<10240x128xf32, #tpu.memory_space<vmem_shared>> -> memref<80x128xf32, #tpu.memory_space<vmem_shared>>
      %dma_wait3A_71 = arith.constant 0 : i32
      %dma_wait3A_72 = tpu.memref_slice %arg12[%add3A_16, %dma_wait3A_71] : memref<10240x128xf32, #tpu.memory_space<vmem_shared>> -> memref<80x128xf32, #tpu.memory_space<vmem_shared>>
      tpu.wait_dma2 semaphore(%run_scoped3A_64 : memref<!tpu.dma_semaphore, #tpu.memory_space<semaphore_mem>>) src(%arg8 : memref<80x128xf32, #tpu.memory_space<vmem>>) dst(%dma_wait3A_72 : memref<80x128xf32, #tpu.memory_space<vmem_shared>>)
      tpu.yield
    }) : () -> ()
    %mul3A_17 = arith.constant 640 : i32
    %mul3A_18 = arith.muli %arg1, %mul3A_17 : i32
    %add3A_19 = arith.constant 240 : i32
    %add3A_20 = arith.addi %mul3A_18, %add3A_19 : i32
    "tpu.region"() ({
      %run_scoped3A_64 = tpu.sem_alloc : memref<!tpu.dma_semaphore, #tpu.memory_space<semaphore_mem>>
      %dma_start3A_65 = arith.constant 0 : i32
      %dma_start3A_66 = tpu.memref_slice %arg12[%add3A_20, %dma_start3A_65] : memref<10240x128xf32, #tpu.memory_space<vmem_shared>> -> memref<80x128xf32, #tpu.memory_space<vmem_shared>>
      %dma_start3A_67 = arith.constant 0 : i32
      %dma_start3A_68 = tpu.memref_slice %arg12[%add3A_20, %dma_start3A_67] : memref<10240x128xf32, #tpu.memory_space<vmem_shared>> -> memref<80x128xf32, #tpu.memory_space<vmem_shared>>
      tpu.enqueue_dma source(%arg8 : memref<80x128xf32, #tpu.memory_space<vmem>>) target(%dma_start3A_68 : memref<80x128xf32, #tpu.memory_space<vmem_shared>>) target_semaphore(%run_scoped3A_64 : memref<!tpu.dma_semaphore, #tpu.memory_space<semaphore_mem>>)
      %dma_wait3A_69 = arith.constant 0 : i32
      %dma_wait3A_70 = tpu.memref_slice %arg12[%add3A_20, %dma_wait3A_69] : memref<10240x128xf32, #tpu.memory_space<vmem_shared>> -> memref<80x128xf32, #tpu.memory_space<vmem_shared>>
      %dma_wait3A_71 = arith.constant 0 : i32
      %dma_wait3A_72 = tpu.memref_slice %arg12[%add3A_20, %dma_wait3A_71] : memref<10240x128xf32, #tpu.memory_space<vmem_shared>> -> memref<80x128xf32, #tpu.memory_space<vmem_shared>>
      tpu.wait_dma2 semaphore(%run_scoped3A_64 : memref<!tpu.dma_semaphore, #tpu.memory_space<semaphore_mem>>) src(%arg8 : memref<80x128xf32, #tpu.memory_space<vmem>>) dst(%dma_wait3A_72 : memref<80x128xf32, #tpu.memory_space<vmem_shared>>)
      tpu.yield
    }) : () -> ()
    %mul3A_21 = arith.constant 640 : i32
    %mul3A_22 = arith.muli %arg1, %mul3A_21 : i32
    %add3A_23 = arith.constant 320 : i32
    %add3A_24 = arith.addi %mul3A_22, %add3A_23 : i32
    "tpu.region"() ({
      %run_scoped3A_64 = tpu.sem_alloc : memref<!tpu.dma_semaphore, #tpu.memory_space<semaphore_mem>>
      %dma_start3A_65 = arith.constant 0 : i32
      %dma_start3A_66 = tpu.memref_slice %arg12[%add3A_24, %dma_start3A_65] : memref<10240x128xf32, #tpu.memory_space<vmem_shared>> -> memref<80x128xf32, #tpu.memory_space<vmem_shared>>
      %dma_start3A_67 = arith.constant 0 : i32
      %dma_start3A_68 = tpu.memref_slice %arg12[%add3A_24, %dma_start3A_67] : memref<10240x128xf32, #tpu.memory_space<vmem_shared>> -> memref<80x128xf32, #tpu.memory_space<vmem_shared>>
      tpu.enqueue_dma source(%arg8 : memref<80x128xf32, #tpu.memory_space<vmem>>) target(%dma_start3A_68 : memref<80x128xf32, #tpu.memory_space<vmem_shared>>) target_semaphore(%run_scoped3A_64 : memref<!tpu.dma_semaphore, #tpu.memory_space<semaphore_mem>>)
      %dma_wait3A_69 = arith.constant 0 : i32
      %dma_wait3A_70 = tpu.memref_slice %arg12[%add3A_24, %dma_wait3A_69] : memref<10240x128xf32, #tpu.memory_space<vmem_shared>> -> memref<80x128xf32, #tpu.memory_space<vmem_shared>>
      %dma_wait3A_71 = arith.constant 0 : i32
      %dma_wait3A_72 = tpu.memref_slice %arg12[%add3A_24, %dma_wait3A_71] : memref<10240x128xf32, #tpu.memory_space<vmem_shared>> -> memref<80x128xf32, #tpu.memory_space<vmem_shared>>
      tpu.wait_dma2 semaphore(%run_scoped3A_64 : memref<!tpu.dma_semaphore, #tpu.memory_space<semaphore_mem>>) src(%arg8 : memref<80x128xf32, #tpu.memory_space<vmem>>) dst(%dma_wait3A_72 : memref<80x128xf32, #tpu.memory_space<vmem_shared>>)
      tpu.yield
    }) : () -> ()
    %mul3A_25 = arith.constant 640 : i32
    %mul3A_26 = arith.muli %arg1, %mul3A_25 : i32
    %add3A_27 = arith.constant 400 : i32
    %add3A_28 = arith.addi %mul3A_26, %add3A_27 : i32
    "tpu.region"() ({
      %run_scoped3A_64 = tpu.sem_alloc : memref<!tpu.dma_semaphore, #tpu.memory_space<semaphore_mem>>
      %dma_start3A_65 = arith.constant 0 : i32
      %dma_start3A_66 = tpu.memref_slice %arg12[%add3A_28, %dma_start3A_65] : memref<10240x128xf32, #tpu.memory_space<vmem_shared>> -> memref<80x128xf32, #tpu.memory_space<vmem_shared>>
      %dma_start3A_67 = arith.constant 0 : i32
      %dma_start3A_68 = tpu.memref_slice %arg12[%add3A_28, %dma_start3A_67] : memref<10240x128xf32, #tpu.memory_space<vmem_shared>> -> memref<80x128xf32, #tpu.memory_space<vmem_shared>>
      tpu.enqueue_dma source(%arg8 : memref<80x128xf32, #tpu.memory_space<vmem>>) target(%dma_start3A_68 : memref<80x128xf32, #tpu.memory_space<vmem_shared>>) target_semaphore(%run_scoped3A_64 : memref<!tpu.dma_semaphore, #tpu.memory_space<semaphore_mem>>)
      %dma_wait3A_69 = arith.constant 0 : i32
      %dma_wait3A_70 = tpu.memref_slice %arg12[%add3A_28, %dma_wait3A_69] : memref<10240x128xf32, #tpu.memory_space<vmem_shared>> -> memref<80x128xf32, #tpu.memory_space<vmem_shared>>
      %dma_wait3A_71 = arith.constant 0 : i32
      %dma_wait3A_72 = tpu.memref_slice %arg12[%add3A_28, %dma_wait3A_71] : memref<10240x128xf32, #tpu.memory_space<vmem_shared>> -> memref<80x128xf32, #tpu.memory_space<vmem_shared>>
      tpu.wait_dma2 semaphore(%run_scoped3A_64 : memref<!tpu.dma_semaphore, #tpu.memory_space<semaphore_mem>>) src(%arg8 : memref<80x128xf32, #tpu.memory_space<vmem>>) dst(%dma_wait3A_72 : memref<80x128xf32, #tpu.memory_space<vmem_shared>>)
      tpu.yield
    }) : () -> ()
    %mul3A_29 = arith.constant 640 : i32
    %mul3A_30 = arith.muli %arg1, %mul3A_29 : i32
    %add3A_31 = arith.constant 480 : i32
    %add3A_32 = arith.addi %mul3A_30, %add3A_31 : i32
    "tpu.region"() ({
      %run_scoped3A_64 = tpu.sem_alloc : memref<!tpu.dma_semaphore, #tpu.memory_space<semaphore_mem>>
      %dma_start3A_65 = arith.constant 0 : i32
      %dma_start3A_66 = tpu.memref_slice %arg12[%add3A_32, %dma_start3A_65] : memref<10240x128xf32, #tpu.memory_space<vmem_shared>> -> memref<80x128xf32, #tpu.memory_space<vmem_shared>>
      %dma_start3A_67 = arith.constant 0 : i32
      %dma_start3A_68 = tpu.memref_slice %arg12[%add3A_32, %dma_start3A_67] : memref<10240x128xf32, #tpu.memory_space<vmem_shared>> -> memref<80x128xf32, #tpu.memory_space<vmem_shared>>
      tpu.enqueue_dma source(%arg8 : memref<80x128xf32, #tpu.memory_space<vmem>>) target(%dma_start3A_68 : memref<80x128xf32, #tpu.memory_space<vmem_shared>>) target_semaphore(%run_scoped3A_64 : memref<!tpu.dma_semaphore, #tpu.memory_space<semaphore_mem>>)
      %dma_wait3A_69 = arith.constant 0 : i32
      %dma_wait3A_70 = tpu.memref_slice %arg12[%add3A_32, %dma_wait3A_69] : memref<10240x128xf32, #tpu.memory_space<vmem_shared>> -> memref<80x128xf32, #tpu.memory_space<vmem_shared>>
      %dma_wait3A_71 = arith.constant 0 : i32
      %dma_wait3A_72 = tpu.memref_slice %arg12[%add3A_32, %dma_wait3A_71] : memref<10240x128xf32, #tpu.memory_space<vmem_shared>> -> memref<80x128xf32, #tpu.memory_space<vmem_shared>>
      tpu.wait_dma2 semaphore(%run_scoped3A_64 : memref<!tpu.dma_semaphore, #tpu.memory_space<semaphore_mem>>) src(%arg8 : memref<80x128xf32, #tpu.memory_space<vmem>>) dst(%dma_wait3A_72 : memref<80x128xf32, #tpu.memory_space<vmem_shared>>)
      tpu.yield
    }) : () -> ()
    %mul3A_33 = arith.constant 640 : i32
    %mul3A_34 = arith.muli %arg1, %mul3A_33 : i32
    %add3A_35 = arith.constant 560 : i32
    %add3A_36 = arith.addi %mul3A_34, %add3A_35 : i32
    "tpu.region"() ({
      %run_scoped3A_64 = tpu.sem_alloc : memref<!tpu.dma_semaphore, #tpu.memory_space<semaphore_mem>>
      %dma_start3A_65 = arith.constant 0 : i32
      %dma_start3A_66 = tpu.memref_slice %arg12[%add3A_36, %dma_start3A_65] : memref<10240x128xf32, #tpu.memory_space<vmem_shared>> -> memref<80x128xf32, #tpu.memory_space<vmem_shared>>
      %dma_start3A_67 = arith.constant 0 : i32
      %dma_start3A_68 = tpu.memref_slice %arg12[%add3A_36, %dma_start3A_67] : memref<10240x128xf32, #tpu.memory_space<vmem_shared>> -> memref<80x128xf32, #tpu.memory_space<vmem_shared>>
      tpu.enqueue_dma source(%arg8 : memref<80x128xf32, #tpu.memory_space<vmem>>) target(%dma_start3A_68 : memref<80x128xf32, #tpu.memory_space<vmem_shared>>) target_semaphore(%run_scoped3A_64 : memref<!tpu.dma_semaphore, #tpu.memory_space<semaphore_mem>>)
      %dma_wait3A_69 = arith.constant 0 : i32
      %dma_wait3A_70 = tpu.memref_slice %arg12[%add3A_36, %dma_wait3A_69] : memref<10240x128xf32, #tpu.memory_space<vmem_shared>> -> memref<80x128xf32, #tpu.memory_space<vmem_shared>>
      %dma_wait3A_71 = arith.constant 0 : i32
      %dma_wait3A_72 = tpu.memref_slice %arg12[%add3A_36, %dma_wait3A_71] : memref<10240x128xf32, #tpu.memory_space<vmem_shared>> -> memref<80x128xf32, #tpu.memory_space<vmem_shared>>
      tpu.wait_dma2 semaphore(%run_scoped3A_64 : memref<!tpu.dma_semaphore, #tpu.memory_space<semaphore_mem>>) src(%arg8 : memref<80x128xf32, #tpu.memory_space<vmem>>) dst(%dma_wait3A_72 : memref<80x128xf32, #tpu.memory_space<vmem_shared>>)
      tpu.yield
    }) : () -> ()
    %barrier3A = arith.constant 0 : index
    tpu.barrier barrier_id(%barrier3A)
    %dma_start3A = arith.constant 0 : i32
    %dma_start3A_37 = tpu.memref_slice %arg6[%dma_start3A] : memref<10000xi32, #tpu.memory_space<vmem>> -> memref<80xi32, #tpu.memory_space<vmem>>
    %dma_start3A_38 = arith.constant 0 : i32
    %dma_start3A_39 = arith.constant 0 : i32
    %dma_start3A_40 = tpu.memref_slice %arg2[%arg0, %dma_start3A_38, %dma_start3A_39] : memref<2x10240x128xf32, #tpu.memory_space<hbm>> -> memref<1x10240x128xf32, #tpu.memory_space<hbm>>
    %dma_start3A_41 = tpu.memref_squeeze %dma_start3A_40 : memref<1x10240x128xf32, #tpu.memory_space<hbm>> -> memref<10240x128xf32, #tpu.memory_space<hbm>>
    %dma_start3A_42 = arith.constant 0 : i32
    %dma_start3A_43 = arith.constant 0 : i32
    %dma_start3A_44 = tpu.memref_slice %dma_start3A_41[%dma_start3A_42, %dma_start3A_43] : memref<10240x128xf32, #tpu.memory_space<hbm>> -> memref<10240x128xf32, #tpu.memory_space<hbm>>
    tpu.enqueue_indirect_dma source(%dma_start3A_44 : memref<10240x128xf32, #tpu.memory_space<hbm>>) target(%arg8 : memref<80x128xf32, #tpu.memory_space<vmem>>) offsets(%dma_start3A_37 : memref<80xi32, #tpu.memory_space<vmem>>) semaphore(%arg10 : memref<!tpu.dma_semaphore, #tpu.memory_space<semaphore_mem>>)
    %scan3A_45 = arith.constant 0 : i32
    %scan3A_46 = arith.constant 0 : i32
    %scan3A_47 = arith.constant 62 : i32
    %scan3A_48 = arith.addi %scan3A_46, %scan3A_47 : i32
    %scan3A_49 = arith.constant 1 : i32
    %scan3A_50 = scf.for %scan3A_64 = %scan3A_46 to %scan3A_48 step %scan3A_49 iter_args(%scan3A_65 = %scan3A_45) -> (i32)  : i32 {
      %mul3A_66 = arith.constant 2 : i32
      %mul3A_67 = arith.muli %mul3A_66, %scan3A_64 : i32
      %add3A_68 = arith.constant 1 : i32
      %add3A_69 = arith.addi %mul3A_67, %add3A_68 : i32
      %mul3A_70 = arith.constant 80 : i32
      %mul3A_71 = arith.muli %add3A_69, %mul3A_70 : i32
      %dma_start3A_72 = tpu.memref_slice %arg6[%mul3A_71] : memref<10000xi32, #tpu.memory_space<vmem>> -> memref<80xi32, #tpu.memory_space<vmem>>
      %dma_start3A_73 = arith.constant 0 : i32
      %dma_start3A_74 = arith.constant 0 : i32
      %dma_start3A_75 = tpu.memref_slice %arg2[%arg0, %dma_start3A_73, %dma_start3A_74] : memref<2x10240x128xf32, #tpu.memory_space<hbm>> -> memref<1x10240x128xf32, #tpu.memory_space<hbm>>
      %dma_start3A_76 = tpu.memref_squeeze %dma_start3A_75 : memref<1x10240x128xf32, #tpu.memory_space<hbm>> -> memref<10240x128xf32, #tpu.memory_space<hbm>>
      %dma_start3A_77 = arith.constant 0 : i32
      %dma_start3A_78 = arith.constant 0 : i32
      %dma_start3A_79 = tpu.memref_slice %dma_start3A_76[%dma_start3A_77, %dma_start3A_78] : memref<10240x128xf32, #tpu.memory_space<hbm>> -> memref<10240x128xf32, #tpu.memory_space<hbm>>
      tpu.enqueue_indirect_dma source(%dma_start3A_79 : memref<10240x128xf32, #tpu.memory_space<hbm>>) target(%arg9 : memref<80x128xf32, #tpu.memory_space<vmem>>) offsets(%dma_start3A_72 : memref<80xi32, #tpu.memory_space<vmem>>) semaphore(%arg11 : memref<!tpu.dma_semaphore, #tpu.memory_space<semaphore_mem>>)
      %dma_wait3A_80 = arith.constant 0 : i32
      %dma_wait3A_81 = arith.constant 0 : i32
      %dma_wait3A_82 = tpu.memref_slice %arg2[%arg0, %dma_wait3A_80, %dma_wait3A_81] : memref<2x10240x128xf32, #tpu.memory_space<hbm>> -> memref<1x10240x128xf32, #tpu.memory_space<hbm>>
      %dma_wait3A_83 = tpu.memref_squeeze %dma_wait3A_82 : memref<1x10240x128xf32, #tpu.memory_space<hbm>> -> memref<10240x128xf32, #tpu.memory_space<hbm>>
      %dma_wait3A_84 = arith.constant 0 : i32
      %dma_wait3A_85 = arith.constant 0 : i32
      %dma_wait3A_86 = tpu.memref_slice %arg2[%arg0, %dma_wait3A_84, %dma_wait3A_85] : memref<2x10240x128xf32, #tpu.memory_space<hbm>> -> memref<1x10240x128xf32, #tpu.memory_space<hbm>>
      %dma_wait3A_87 = tpu.memref_squeeze %dma_wait3A_86 : memref<1x10240x128xf32, #tpu.memory_space<hbm>> -> memref<10240x128xf32, #tpu.memory_space<hbm>>
      tpu.wait_dma2 semaphore(%arg10 : memref<!tpu.dma_semaphore, #tpu.memory_space<semaphore_mem>>) src(%dma_wait3A_87 : memref<10240x128xf32, #tpu.memory_space<hbm>>) dst(%arg8 : memref<80x128xf32, #tpu.memory_space<vmem>>)
      "tpu.region"() ({
        %run_scoped3A_111 = tpu.sem_alloc : memref<!tpu.dma_semaphore, #tpu.memory_space<semaphore_mem>>
        %dma_start3A_112 = arith.constant 0 : i32
        %dma_start3A_113 = tpu.memref_slice %arg7[%mul3A_67, %dma_start3A_112] : memref<125x80xi32, #tpu.memory_space<vmem>> -> memref<1x80xi32, #tpu.memory_space<vmem>>
        %dma_start3A_114 = tpu.memref_squeeze %dma_start3A_113 : memref<1x80xi32, #tpu.memory_space<vmem>> -> memref<80xi32, #tpu.memory_space<vmem>>
        %dma_start3A_115 = arith.constant 0 : i32
        %dma_start3A_116 = arith.constant 0 : i32
        %dma_start3A_117 = tpu.memref_slice %arg12[%dma_start3A_115, %dma_start3A_116] : memref<10240x128xf32, #tpu.memory_space<vmem_shared>> -> memref<10240x128xf32, #tpu.memory_space<vmem_shared>>
        tpu.enqueue_indirect_dma source(%arg8 : memref<80x128xf32, #tpu.memory_space<vmem>>) target(%dma_start3A_117 : memref<10240x128xf32, #tpu.memory_space<vmem_shared>>) offsets(%dma_start3A_114 : memref<80xi32, #tpu.memory_space<vmem>>) semaphore(%run_scoped3A_111 : memref<!tpu.dma_semaphore, #tpu.memory_space<semaphore_mem>>) {add = true}
        %dma_wait3A_118 = arith.constant 0 : i32
        %dma_wait3A_119 = tpu.memref_slice %arg7[%mul3A_67, %dma_wait3A_118] : memref<125x80xi32, #tpu.memory_space<vmem>> -> memref<1x80xi32, #tpu.memory_space<vmem>>
        %dma_wait3A_120 = tpu.memref_squeeze %dma_wait3A_119 : memref<1x80xi32, #tpu.memory_space<vmem>> -> memref<80xi32, #tpu.memory_space<vmem>>
        %dma_wait3A_121 = arith.constant 0 : i32
        %dma_wait3A_122 = arith.constant 0 : i32
        %dma_wait3A_123 = tpu.memref_slice %arg12[%dma_wait3A_121, %dma_wait3A_122] : memref<10240x128xf32, #tpu.memory_space<vmem_shared>> -> memref<10240x128xf32, #tpu.memory_space<vmem_shared>>
        tpu.wait_indirect_dma semaphore(%run_scoped3A_111 : memref<!tpu.dma_semaphore, #tpu.memory_space<semaphore_mem>>) src(%arg8 : memref<80x128xf32, #tpu.memory_space<vmem>>) dst(%dma_wait3A_123 : memref<10240x128xf32, #tpu.memory_space<vmem_shared>>)
        tpu.yield
      }) : () -> ()
      %add3A_88 = arith.constant 2 : i32
      %add3A_89 = arith.addi %mul3A_67, %add3A_88 : i32
      %mul3A_90 = arith.constant 80 : i32
      %mul3A_91 = arith.muli %add3A_89, %mul3A_90 : i32
      %dma_start3A_92 = tpu.memref_slice %arg6[%mul3A_91] : memref<10000xi32, #tpu.memory_space<vmem>> -> memref<80xi32, #tpu.memory_space<vmem>>
      %dma_start3A_93 = arith.constant 0 : i32
      %dma_start3A_94 = arith.constant 0 : i32
      %dma_start3A_95 = tpu.memref_slice %arg2[%arg0, %dma_start3A_93, %dma_start3A_94] : memref<2x10240x128xf32, #tpu.memory_space<hbm>> -> memref<1x10240x128xf32, #tpu.memory_space<hbm>>
      %dma_start3A_96 = tpu.memref_squeeze %dma_start3A_95 : memref<1x10240x128xf32, #tpu.memory_space<hbm>> -> memref<10240x128xf32, #tpu.memory_space<hbm>>
      %dma_start3A_97 = arith.constant 0 : i32
      %dma_start3A_98 = arith.constant 0 : i32
      %dma_start3A_99 = tpu.memref_slice %dma_start3A_96[%dma_start3A_97, %dma_start3A_98] : memref<10240x128xf32, #tpu.memory_space<hbm>> -> memref<10240x128xf32, #tpu.memory_space<hbm>>
      tpu.enqueue_indirect_dma source(%dma_start3A_99 : memref<10240x128xf32, #tpu.memory_space<hbm>>) target(%arg8 : memref<80x128xf32, #tpu.memory_space<vmem>>) offsets(%dma_start3A_92 : memref<80xi32, #tpu.memory_space<vmem>>) semaphore(%arg10 : memref<!tpu.dma_semaphore, #tpu.memory_space<semaphore_mem>>)
      %dma_wait3A_100 = arith.constant 0 : i32
      %dma_wait3A_101 = arith.constant 0 : i32
      %dma_wait3A_102 = tpu.memref_slice %arg2[%arg0, %dma_wait3A_100, %dma_wait3A_101] : memref<2x10240x128xf32, #tpu.memory_space<hbm>> -> memref<1x10240x128xf32, #tpu.memory_space<hbm>>
      %dma_wait3A_103 = tpu.memref_squeeze %dma_wait3A_102 : memref<1x10240x128xf32, #tpu.memory_space<hbm>> -> memref<10240x128xf32, #tpu.memory_space<hbm>>
      %dma_wait3A_104 = arith.constant 0 : i32
      %dma_wait3A_105 = arith.constant 0 : i32
      %dma_wait3A_106 = tpu.memref_slice %arg2[%arg0, %dma_wait3A_104, %dma_wait3A_105] : memref<2x10240x128xf32, #tpu.memory_space<hbm>> -> memref<1x10240x128xf32, #tpu.memory_space<hbm>>
      %dma_wait3A_107 = tpu.memref_squeeze %dma_wait3A_106 : memref<1x10240x128xf32, #tpu.memory_space<hbm>> -> memref<10240x128xf32, #tpu.memory_space<hbm>>
      tpu.wait_dma2 semaphore(%arg11 : memref<!tpu.dma_semaphore, #tpu.memory_space<semaphore_mem>>) src(%dma_wait3A_107 : memref<10240x128xf32, #tpu.memory_space<hbm>>) dst(%arg9 : memref<80x128xf32, #tpu.memory_space<vmem>>)
      %add3A_108 = arith.constant 1 : i32
      %add3A_109 = arith.addi %mul3A_67, %add3A_108 : i32
      "tpu.region"() ({
        %run_scoped3A_111 = tpu.sem_alloc : memref<!tpu.dma_semaphore, #tpu.memory_space<semaphore_mem>>
        %dma_start3A_112 = arith.constant 0 : i32
        %dma_start3A_113 = tpu.memref_slice %arg7[%add3A_109, %dma_start3A_112] : memref<125x80xi32, #tpu.memory_space<vmem>> -> memref<1x80xi32, #tpu.memory_space<vmem>>
        %dma_start3A_114 = tpu.memref_squeeze %dma_start3A_113 : memref<1x80xi32, #tpu.memory_space<vmem>> -> memref<80xi32, #tpu.memory_space<vmem>>
        %dma_start3A_115 = arith.constant 0 : i32
        %dma_start3A_116 = arith.constant 0 : i32
        %dma_start3A_117 = tpu.memref_slice %arg12[%dma_start3A_115, %dma_start3A_116] : memref<10240x128xf32, #tpu.memory_space<vmem_shared>> -> memref<10240x128xf32, #tpu.memory_space<vmem_shared>>
        tpu.enqueue_indirect_dma source(%arg9 : memref<80x128xf32, #tpu.memory_space<vmem>>) target(%dma_start3A_117 : memref<10240x128xf32, #tpu.memory_space<vmem_shared>>) offsets(%dma_start3A_114 : memref<80xi32, #tpu.memory_space<vmem>>) semaphore(%run_scoped3A_111 : memref<!tpu.dma_semaphore, #tpu.memory_space<semaphore_mem>>) {add = true}
        %dma_wait3A_118 = arith.constant 0 : i32
        %dma_wait3A_119 = tpu.memref_slice %arg7[%add3A_109, %dma_wait3A_118] : memref<125x80xi32, #tpu.memory_space<vmem>> -> memref<1x80xi32, #tpu.memory_space<vmem>>
        %dma_wait3A_120 = tpu.memref_squeeze %dma_wait3A_119 : memref<1x80xi32, #tpu.memory_space<vmem>> -> memref<80xi32, #tpu.memory_space<vmem>>
        %dma_wait3A_121 = arith.constant 0 : i32
        %dma_wait3A_122 = arith.constant 0 : i32
        %dma_wait3A_123 = tpu.memref_slice %arg12[%dma_wait3A_121, %dma_wait3A_122] : memref<10240x128xf32, #tpu.memory_space<vmem_shared>> -> memref<10240x128xf32, #tpu.memory_space<vmem_shared>>
        tpu.wait_indirect_dma semaphore(%run_scoped3A_111 : memref<!tpu.dma_semaphore, #tpu.memory_space<semaphore_mem>>) src(%arg9 : memref<80x128xf32, #tpu.memory_space<vmem>>) dst(%dma_wait3A_123 : memref<10240x128xf32, #tpu.memory_space<vmem_shared>>)
        tpu.yield
      }) : () -> ()
      %scan3A_110 = arith.constant 0 : i32
      scf.yield %scan3A_110 : i32
    }
    %scan3A_51 = arith.constant 62 : i32
    %dma_wait3A = arith.constant 0 : i32
    %dma_wait3A_52 = arith.constant 0 : i32
    %dma_wait3A_53 = tpu.memref_slice %arg2[%arg0, %dma_wait3A, %dma_wait3A_52] : memref<2x10240x128xf32, #tpu.memory_space<hbm>> -> memref<1x10240x128xf32, #tpu.memory_space<hbm>>
    %dma_wait3A_54 = tpu.memref_squeeze %dma_wait3A_53 : memref<1x10240x128xf32, #tpu.memory_space<hbm>> -> memref<10240x128xf32, #tpu.memory_space<hbm>>
    %dma_wait3A_55 = arith.constant 0 : i32
    %dma_wait3A_56 = arith.constant 0 : i32
    %dma_wait3A_57 = tpu.memref_slice %arg2[%arg0, %dma_wait3A_55, %dma_wait3A_56] : memref<2x10240x128xf32, #tpu.memory_space<hbm>> -> memref<1x10240x128xf32, #tpu.memory_space<hbm>>
    %dma_wait3A_58 = tpu.memref_squeeze %dma_wait3A_57 : memref<1x10240x128xf32, #tpu.memory_space<hbm>> -> memref<10240x128xf32, #tpu.memory_space<hbm>>
    tpu.wait_dma2 semaphore(%arg10 : memref<!tpu.dma_semaphore, #tpu.memory_space<semaphore_mem>>) src(%dma_wait3A_58 : memref<10240x128xf32, #tpu.memory_space<hbm>>) dst(%arg8 : memref<80x128xf32, #tpu.memory_space<vmem>>)
    %run_scoped3A = arith.constant 124 : i32
    "tpu.region"() ({
      %run_scoped3A_64 = tpu.sem_alloc : memref<!tpu.dma_semaphore, #tpu.memory_space<semaphore_mem>>
      %dma_start3A_65 = arith.constant 0 : i32
      %dma_start3A_66 = tpu.memref_slice %arg7[%run_scoped3A, %dma_start3A_65] : memref<125x80xi32, #tpu.memory_space<vmem>> -> memref<1x80xi32, #tpu.memory_space<vmem>>
      %dma_start3A_67 = tpu.memref_squeeze %dma_start3A_66 : memref<1x80xi32, #tpu.memory_space<vmem>> -> memref<80xi32, #tpu.memory_space<vmem>>
      %dma_start3A_68 = arith.constant 0 : i32
      %dma_start3A_69 = arith.constant 0 : i32
      %dma_start3A_70 = tpu.memref_slice %arg12[%dma_start3A_68, %dma_start3A_69] : memref<10240x128xf32, #tpu.memory_space<vmem_shared>> -> memref<10240x128xf32, #tpu.memory_space<vmem_shared>>
      tpu.enqueue_indirect_dma source(%arg8 : memref<80x128xf32, #tpu.memory_space<vmem>>) target(%dma_start3A_70 : memref<10240x128xf32, #tpu.memory_space<vmem_shared>>) offsets(%dma_start3A_67 : memref<80xi32, #tpu.memory_space<vmem>>) semaphore(%run_scoped3A_64 : memref<!tpu.dma_semaphore, #tpu.memory_space<semaphore_mem>>) {add = true}
      %dma_wait3A_71 = arith.constant 0 : i32
      %dma_wait3A_72 = tpu.memref_slice %arg7[%run_scoped3A, %dma_wait3A_71] : memref<125x80xi32, #tpu.memory_space<vmem>> -> memref<1x80xi32, #tpu.memory_space<vmem>>
      %dma_wait3A_73 = tpu.memref_squeeze %dma_wait3A_72 : memref<1x80xi32, #tpu.memory_space<vmem>> -> memref<80xi32, #tpu.memory_space<vmem>>
      %dma_wait3A_74 = arith.constant 0 : i32
      %dma_wait3A_75 = arith.constant 0 : i32
      %dma_wait3A_76 = tpu.memref_slice %arg12[%dma_wait3A_74, %dma_wait3A_75] : memref<10240x128xf32, #tpu.memory_space<vmem_shared>> -> memref<10240x128xf32, #tpu.memory_space<vmem_shared>>
      tpu.wait_indirect_dma semaphore(%run_scoped3A_64 : memref<!tpu.dma_semaphore, #tpu.memory_space<semaphore_mem>>) src(%arg8 : memref<80x128xf32, #tpu.memory_space<vmem>>) dst(%dma_wait3A_76 : memref<10240x128xf32, #tpu.memory_space<vmem_shared>>)
      tpu.yield
    }) : () -> ()
    %barrier3A_59 = arith.constant 0 : index
    tpu.barrier barrier_id(%barrier3A_59)
    %mul3A_60 = arith.constant 640 : i32
    %mul3A_61 = arith.muli %arg1, %mul3A_60 : i32
    %mul3A_62 = arith.constant 640 : i32
    %mul3A_63 = arith.muli %arg1, %mul3A_62 : i32
    "tpu.region"() ({
      %run_scoped3A_64 = tpu.sem_alloc : memref<!tpu.dma_semaphore, #tpu.memory_space<semaphore_mem>>
      %dma_start3A_65 = arith.constant 0 : i32
      %dma_start3A_66 = tpu.memref_slice %arg5[%arg0, %mul3A_63, %dma_start3A_65] : memref<2x10240x128xf32, #tpu.memory_space<hbm>> -> memref<1x640x128xf32, #tpu.memory_space<hbm>>
      %dma_start3A_67 = tpu.memref_squeeze %dma_start3A_66 : memref<1x640x128xf32, #tpu.memory_space<hbm>> -> memref<640x128xf32, #tpu.memory_space<hbm>>
      %dma_start3A_68 = arith.constant 0 : i32
      %dma_start3A_69 = tpu.memref_slice %arg12[%mul3A_61, %dma_start3A_68] : memref<10240x128xf32, #tpu.memory_space<vmem_shared>> -> memref<640x128xf32, #tpu.memory_space<vmem_shared>>
      tpu.enqueue_dma source(%dma_start3A_69 : memref<640x128xf32, #tpu.memory_space<vmem_shared>>) target(%dma_start3A_67 : memref<640x128xf32, #tpu.memory_space<hbm>>) target_semaphore(%run_scoped3A_64 : memref<!tpu.dma_semaphore, #tpu.memory_space<semaphore_mem>>)
      %dma_wait3A_70 = arith.constant 0 : i32
      %dma_wait3A_71 = tpu.memref_slice %arg5[%arg0, %mul3A_63, %dma_wait3A_70] : memref<2x10240x128xf32, #tpu.memory_space<hbm>> -> memref<1x640x128xf32, #tpu.memory_space<hbm>>
      %dma_wait3A_72 = tpu.memref_squeeze %dma_wait3A_71 : memref<1x640x128xf32, #tpu.memory_space<hbm>> -> memref<640x128xf32, #tpu.memory_space<hbm>>
      %dma_wait3A_73 = arith.constant 0 : i32
      %dma_wait3A_74 = tpu.memref_slice %arg12[%mul3A_61, %dma_wait3A_73] : memref<10240x128xf32, #tpu.memory_space<vmem_shared>> -> memref<640x128xf32, #tpu.memory_space<vmem_shared>>
      tpu.wait_dma2 semaphore(%run_scoped3A_64 : memref<!tpu.dma_semaphore, #tpu.memory_space<semaphore_mem>>) src(%dma_wait3A_74 : memref<640x128xf32, #tpu.memory_space<vmem_shared>>) dst(%dma_wait3A_72 : memref<640x128xf32, #tpu.memory_space<hbm>>)
      tpu.yield
    }) : () -> ()
    return
  }
}

#map = affine_map<(d0, d1) -> (0, 0)>
#map1 = affine_map<(d0, d1) -> (0, 0, 0)>
module attributes {stable_mosaic.version = 14 : i64} {
  func.func @_agg0_body(%arg0: i32, %arg1: i32, %arg2: memref<10240x128xf32, #tpu.memory_space<hbm>>, %arg3: memref<32x40x125xi32, #tpu.memory_space<hbm>>, %arg4: memref<32x40x125xi32, #tpu.memory_space<hbm>>, %arg5: memref<2x10240x128xf32, #tpu.memory_space<hbm>>, %arg6: memref<40x125xi32, #tpu.memory_space<vmem>>, %arg7: memref<40x125xi32, #tpu.memory_space<vmem>>, %arg8: memref<125x128xf32, #tpu.memory_space<vmem>>, %arg9: memref<125x128xf32, #tpu.memory_space<vmem>>, %arg10: memref<!tpu.dma_semaphore, #tpu.memory_space<semaphore_mem>>, %arg11: memref<!tpu.dma_semaphore, #tpu.memory_space<semaphore_mem>>, %arg12: memref<10240x128xf32, #tpu.memory_space<vmem_shared>>) attributes {dimension_semantics = [#tpu.dimension_semantics<core_parallel>, #tpu.dimension_semantics<subcore_parallel>], iteration_bounds = array<i64: 2, 16>, scalar_prefetch = 0 : i64, scratch_operands = 7 : i64, tpu.core_type = #tpu.core_type<sc_vector_subcore>, window_params = [{transform_indices = #map}, {transform_indices = #map1}, {transform_indices = #map1}, {transform_indices = #map1}]} {
    %mul3A = arith.constant 16 : i32
    %mul3A_0 = arith.muli %arg0, %mul3A : i32
    %add3A = arith.addi %mul3A_0, %arg1 : i32
    "tpu.region"() ({
      %run_scoped3A_58 = tpu.sem_alloc : memref<!tpu.dma_semaphore, #tpu.memory_space<semaphore_mem>>
      %dma_start3A_59 = arith.constant 0 : i32
      %dma_start3A_60 = arith.constant 0 : i32
      %dma_start3A_61 = tpu.memref_slice %arg3[%add3A, %dma_start3A_59, %dma_start3A_60] : memref<32x40x125xi32, #tpu.memory_space<hbm>> -> memref<1x40x125xi32, #tpu.memory_space<hbm>>
      %dma_start3A_62 = tpu.memref_squeeze %dma_start3A_61 : memref<1x40x125xi32, #tpu.memory_space<hbm>> -> memref<40x125xi32, #tpu.memory_space<hbm>>
      %dma_start3A_63 = arith.constant 0 : i32
      %dma_start3A_64 = arith.constant 0 : i32
      %dma_start3A_65 = tpu.memref_slice %arg3[%add3A, %dma_start3A_63, %dma_start3A_64] : memref<32x40x125xi32, #tpu.memory_space<hbm>> -> memref<1x40x125xi32, #tpu.memory_space<hbm>>
      %dma_start3A_66 = tpu.memref_squeeze %dma_start3A_65 : memref<1x40x125xi32, #tpu.memory_space<hbm>> -> memref<40x125xi32, #tpu.memory_space<hbm>>
      tpu.enqueue_dma source(%dma_start3A_66 : memref<40x125xi32, #tpu.memory_space<hbm>>) target(%arg6 : memref<40x125xi32, #tpu.memory_space<vmem>>) target_semaphore(%run_scoped3A_58 : memref<!tpu.dma_semaphore, #tpu.memory_space<semaphore_mem>>)
      %dma_wait3A = arith.constant 0 : i32
      %dma_wait3A_67 = arith.constant 0 : i32
      %dma_wait3A_68 = tpu.memref_slice %arg3[%add3A, %dma_wait3A, %dma_wait3A_67] : memref<32x40x125xi32, #tpu.memory_space<hbm>> -> memref<1x40x125xi32, #tpu.memory_space<hbm>>
      %dma_wait3A_69 = tpu.memref_squeeze %dma_wait3A_68 : memref<1x40x125xi32, #tpu.memory_space<hbm>> -> memref<40x125xi32, #tpu.memory_space<hbm>>
      %dma_wait3A_70 = arith.constant 0 : i32
      %dma_wait3A_71 = arith.constant 0 : i32
      %dma_wait3A_72 = tpu.memref_slice %arg3[%add3A, %dma_wait3A_70, %dma_wait3A_71] : memref<32x40x125xi32, #tpu.memory_space<hbm>> -> memref<1x40x125xi32, #tpu.memory_space<hbm>>
      %dma_wait3A_73 = tpu.memref_squeeze %dma_wait3A_72 : memref<1x40x125xi32, #tpu.memory_space<hbm>> -> memref<40x125xi32, #tpu.memory_space<hbm>>
      tpu.wait_dma2 semaphore(%run_scoped3A_58 : memref<!tpu.dma_semaphore, #tpu.memory_space<semaphore_mem>>) src(%dma_wait3A_73 : memref<40x125xi32, #tpu.memory_space<hbm>>) dst(%arg6 : memref<40x125xi32, #tpu.memory_space<vmem>>)
      tpu.yield
    }) : () -> ()
    "tpu.region"() ({
      %run_scoped3A_58 = tpu.sem_alloc : memref<!tpu.dma_semaphore, #tpu.memory_space<semaphore_mem>>
      %dma_start3A_59 = arith.constant 0 : i32
      %dma_start3A_60 = arith.constant 0 : i32
      %dma_start3A_61 = tpu.memref_slice %arg4[%add3A, %dma_start3A_59, %dma_start3A_60] : memref<32x40x125xi32, #tpu.memory_space<hbm>> -> memref<1x40x125xi32, #tpu.memory_space<hbm>>
      %dma_start3A_62 = tpu.memref_squeeze %dma_start3A_61 : memref<1x40x125xi32, #tpu.memory_space<hbm>> -> memref<40x125xi32, #tpu.memory_space<hbm>>
      %dma_start3A_63 = arith.constant 0 : i32
      %dma_start3A_64 = arith.constant 0 : i32
      %dma_start3A_65 = tpu.memref_slice %arg4[%add3A, %dma_start3A_63, %dma_start3A_64] : memref<32x40x125xi32, #tpu.memory_space<hbm>> -> memref<1x40x125xi32, #tpu.memory_space<hbm>>
      %dma_start3A_66 = tpu.memref_squeeze %dma_start3A_65 : memref<1x40x125xi32, #tpu.memory_space<hbm>> -> memref<40x125xi32, #tpu.memory_space<hbm>>
      tpu.enqueue_dma source(%dma_start3A_66 : memref<40x125xi32, #tpu.memory_space<hbm>>) target(%arg7 : memref<40x125xi32, #tpu.memory_space<vmem>>) target_semaphore(%run_scoped3A_58 : memref<!tpu.dma_semaphore, #tpu.memory_space<semaphore_mem>>)
      %dma_wait3A = arith.constant 0 : i32
      %dma_wait3A_67 = arith.constant 0 : i32
      %dma_wait3A_68 = tpu.memref_slice %arg4[%add3A, %dma_wait3A, %dma_wait3A_67] : memref<32x40x125xi32, #tpu.memory_space<hbm>> -> memref<1x40x125xi32, #tpu.memory_space<hbm>>
      %dma_wait3A_69 = tpu.memref_squeeze %dma_wait3A_68 : memref<1x40x125xi32, #tpu.memory_space<hbm>> -> memref<40x125xi32, #tpu.memory_space<hbm>>
      %dma_wait3A_70 = arith.constant 0 : i32
      %dma_wait3A_71 = arith.constant 0 : i32
      %dma_wait3A_72 = tpu.memref_slice %arg4[%add3A, %dma_wait3A_70, %dma_wait3A_71] : memref<32x40x125xi32, #tpu.memory_space<hbm>> -> memref<1x40x125xi32, #tpu.memory_space<hbm>>
      %dma_wait3A_73 = tpu.memref_squeeze %dma_wait3A_72 : memref<1x40x125xi32, #tpu.memory_space<hbm>> -> memref<40x125xi32, #tpu.memory_space<hbm>>
      tpu.wait_dma2 semaphore(%run_scoped3A_58 : memref<!tpu.dma_semaphore, #tpu.memory_space<semaphore_mem>>) src(%dma_wait3A_73 : memref<40x125xi32, #tpu.memory_space<hbm>>) dst(%arg7 : memref<40x125xi32, #tpu.memory_space<vmem>>)
      tpu.yield
    }) : () -> ()
    %broadcast_in_dim3A = arith.constant 0.000000e+00 : f32
    %broadcast_in_dim3A_1 = vector.broadcast %broadcast_in_dim3A : f32 to vector<16xf32>
    %scan3A = arith.constant 0 : i32
    %scan3A_2 = arith.constant 0 : i32
    %scan3A_3 = arith.constant 125 : i32
    %scan3A_4 = arith.addi %scan3A_2, %scan3A_3 : i32
    %scan3A_5 = arith.constant 1 : i32
    %scan3A_6 = scf.for %scan3A_58 = %scan3A_2 to %scan3A_4 step %scan3A_5 iter_args(%scan3A_59 = %scan3A) -> (i32)  : i32 {
      %swap3A = arith.index_cast %scan3A_58 : i32 to index
      %swap3A_60 = arith.constant 0 : index
      %swap3A_61 = tpu.vector_load %arg8[%swap3A, %swap3A_60] {strides = array<i32>} : memref<125x128xf32, #tpu.memory_space<vmem>>, vector<1x16xf32>,
      %swap3A_62 = vector.shape_cast %swap3A_61 : vector<1x16xf32> to vector<16xf32>
      %swap3A_63 = vector.shape_cast %broadcast_in_dim3A_1 : vector<16xf32> to vector<1x16xf32>
      tpu.vector_store %arg8[%swap3A, %swap3A_60], %swap3A_63 {strides = array<i32>} : memref<125x128xf32, #tpu.memory_space<vmem>>, vector<1x16xf32>,
      %swap3A_64 = arith.index_cast %scan3A_58 : i32 to index
      %swap3A_65 = arith.constant 16 : index
      %swap3A_66 = tpu.vector_load %arg8[%swap3A_64, %swap3A_65] {strides = array<i32>} : memref<125x128xf32, #tpu.memory_space<vmem>>, vector<1x16xf32>,
      %swap3A_67 = vector.shape_cast %swap3A_66 : vector<1x16xf32> to vector<16xf32>
      %swap3A_68 = vector.shape_cast %broadcast_in_dim3A_1 : vector<16xf32> to vector<1x16xf32>
      tpu.vector_store %arg8[%swap3A_64, %swap3A_65], %swap3A_68 {strides = array<i32>} : memref<125x128xf32, #tpu.memory_space<vmem>>, vector<1x16xf32>,
      %swap3A_69 = arith.index_cast %scan3A_58 : i32 to index
      %swap3A_70 = arith.constant 32 : index
      %swap3A_71 = tpu.vector_load %arg8[%swap3A_69, %swap3A_70] {strides = array<i32>} : memref<125x128xf32, #tpu.memory_space<vmem>>, vector<1x16xf32>,
      %swap3A_72 = vector.shape_cast %swap3A_71 : vector<1x16xf32> to vector<16xf32>
      %swap3A_73 = vector.shape_cast %broadcast_in_dim3A_1 : vector<16xf32> to vector<1x16xf32>
      tpu.vector_store %arg8[%swap3A_69, %swap3A_70], %swap3A_73 {strides = array<i32>} : memref<125x128xf32, #tpu.memory_space<vmem>>, vector<1x16xf32>,
      %swap3A_74 = arith.index_cast %scan3A_58 : i32 to index
      %swap3A_75 = arith.constant 48 : index
      %swap3A_76 = tpu.vector_load %arg8[%swap3A_74, %swap3A_75] {strides = array<i32>} : memref<125x128xf32, #tpu.memory_space<vmem>>, vector<1x16xf32>,
      %swap3A_77 = vector.shape_cast %swap3A_76 : vector<1x16xf32> to vector<16xf32>
      %swap3A_78 = vector.shape_cast %broadcast_in_dim3A_1 : vector<16xf32> to vector<1x16xf32>
      tpu.vector_store %arg8[%swap3A_74, %swap3A_75], %swap3A_78 {strides = array<i32>} : memref<125x128xf32, #tpu.memory_space<vmem>>, vector<1x16xf32>,
      %swap3A_79 = arith.index_cast %scan3A_58 : i32 to index
      %swap3A_80 = arith.constant 64 : index
      %swap3A_81 = tpu.vector_load %arg8[%swap3A_79, %swap3A_80] {strides = array<i32>} : memref<125x128xf32, #tpu.memory_space<vmem>>, vector<1x16xf32>,
      %swap3A_82 = vector.shape_cast %swap3A_81 : vector<1x16xf32> to vector<16xf32>
      %swap3A_83 = vector.shape_cast %broadcast_in_dim3A_1 : vector<16xf32> to vector<1x16xf32>
      tpu.vector_store %arg8[%swap3A_79, %swap3A_80], %swap3A_83 {strides = array<i32>} : memref<125x128xf32, #tpu.memory_space<vmem>>, vector<1x16xf32>,
      %swap3A_84 = arith.index_cast %scan3A_58 : i32 to index
      %swap3A_85 = arith.constant 80 : index
      %swap3A_86 = tpu.vector_load %arg8[%swap3A_84, %swap3A_85] {strides = array<i32>} : memref<125x128xf32, #tpu.memory_space<vmem>>, vector<1x16xf32>,
      %swap3A_87 = vector.shape_cast %swap3A_86 : vector<1x16xf32> to vector<16xf32>
      %swap3A_88 = vector.shape_cast %broadcast_in_dim3A_1 : vector<16xf32> to vector<1x16xf32>
      tpu.vector_store %arg8[%swap3A_84, %swap3A_85], %swap3A_88 {strides = array<i32>} : memref<125x128xf32, #tpu.memory_space<vmem>>, vector<1x16xf32>,
      %swap3A_89 = arith.index_cast %scan3A_58 : i32 to index
      %swap3A_90 = arith.constant 96 : index
      %swap3A_91 = tpu.vector_load %arg8[%swap3A_89, %swap3A_90] {strides = array<i32>} : memref<125x128xf32, #tpu.memory_space<vmem>>, vector<1x16xf32>,
      %swap3A_92 = vector.shape_cast %swap3A_91 : vector<1x16xf32> to vector<16xf32>
      %swap3A_93 = vector.shape_cast %broadcast_in_dim3A_1 : vector<16xf32> to vector<1x16xf32>
      tpu.vector_store %arg8[%swap3A_89, %swap3A_90], %swap3A_93 {strides = array<i32>} : memref<125x128xf32, #tpu.memory_space<vmem>>, vector<1x16xf32>,
      %swap3A_94 = arith.index_cast %scan3A_58 : i32 to index
      %swap3A_95 = arith.constant 112 : index
      %swap3A_96 = tpu.vector_load %arg8[%swap3A_94, %swap3A_95] {strides = array<i32>} : memref<125x128xf32, #tpu.memory_space<vmem>>, vector<1x16xf32>,
      %swap3A_97 = vector.shape_cast %swap3A_96 : vector<1x16xf32> to vector<16xf32>
      %swap3A_98 = vector.shape_cast %broadcast_in_dim3A_1 : vector<16xf32> to vector<1x16xf32>
      tpu.vector_store %arg8[%swap3A_94, %swap3A_95], %swap3A_98 {strides = array<i32>} : memref<125x128xf32, #tpu.memory_space<vmem>>, vector<1x16xf32>,
      %scan3A_99 = arith.constant 0 : i32
      scf.yield %scan3A_99 : i32
    }
    %scan3A_7 = arith.constant 125 : i32
    %mul3A_8 = arith.constant 640 : i32
    %mul3A_9 = arith.muli %arg1, %mul3A_8 : i32
    %add3A_10 = arith.constant 0 : i32
    %add3A_11 = arith.addi %mul3A_9, %add3A_10 : i32
    "tpu.region"() ({
      %run_scoped3A_58 = tpu.sem_alloc : memref<!tpu.dma_semaphore, #tpu.memory_space<semaphore_mem>>
      %dma_start3A_59 = arith.constant 0 : i32
      %dma_start3A_60 = tpu.memref_slice %arg12[%add3A_11, %dma_start3A_59] : memref<10240x128xf32, #tpu.memory_space<vmem_shared>> -> memref<125x128xf32, #tpu.memory_space<vmem_shared>>
      %dma_start3A_61 = arith.constant 0 : i32
      %dma_start3A_62 = tpu.memref_slice %arg12[%add3A_11, %dma_start3A_61] : memref<10240x128xf32, #tpu.memory_space<vmem_shared>> -> memref<125x128xf32, #tpu.memory_space<vmem_shared>>
      tpu.enqueue_dma source(%arg8 : memref<125x128xf32, #tpu.memory_space<vmem>>) target(%dma_start3A_62 : memref<125x128xf32, #tpu.memory_space<vmem_shared>>) target_semaphore(%run_scoped3A_58 : memref<!tpu.dma_semaphore, #tpu.memory_space<semaphore_mem>>)
      %dma_wait3A = arith.constant 0 : i32
      %dma_wait3A_63 = tpu.memref_slice %arg12[%add3A_11, %dma_wait3A] : memref<10240x128xf32, #tpu.memory_space<vmem_shared>> -> memref<125x128xf32, #tpu.memory_space<vmem_shared>>
      %dma_wait3A_64 = arith.constant 0 : i32
      %dma_wait3A_65 = tpu.memref_slice %arg12[%add3A_11, %dma_wait3A_64] : memref<10240x128xf32, #tpu.memory_space<vmem_shared>> -> memref<125x128xf32, #tpu.memory_space<vmem_shared>>
      tpu.wait_dma2 semaphore(%run_scoped3A_58 : memref<!tpu.dma_semaphore, #tpu.memory_space<semaphore_mem>>) src(%arg8 : memref<125x128xf32, #tpu.memory_space<vmem>>) dst(%dma_wait3A_65 : memref<125x128xf32, #tpu.memory_space<vmem_shared>>)
      tpu.yield
    }) : () -> ()
    %mul3A_12 = arith.constant 640 : i32
    %mul3A_13 = arith.muli %arg1, %mul3A_12 : i32
    %add3A_14 = arith.constant 125 : i32
    %add3A_15 = arith.addi %mul3A_13, %add3A_14 : i32
    "tpu.region"() ({
      %run_scoped3A_58 = tpu.sem_alloc : memref<!tpu.dma_semaphore, #tpu.memory_space<semaphore_mem>>
      %dma_start3A_59 = arith.constant 0 : i32
      %dma_start3A_60 = tpu.memref_slice %arg12[%add3A_15, %dma_start3A_59] : memref<10240x128xf32, #tpu.memory_space<vmem_shared>> -> memref<125x128xf32, #tpu.memory_space<vmem_shared>>
      %dma_start3A_61 = arith.constant 0 : i32
      %dma_start3A_62 = tpu.memref_slice %arg12[%add3A_15, %dma_start3A_61] : memref<10240x128xf32, #tpu.memory_space<vmem_shared>> -> memref<125x128xf32, #tpu.memory_space<vmem_shared>>
      tpu.enqueue_dma source(%arg8 : memref<125x128xf32, #tpu.memory_space<vmem>>) target(%dma_start3A_62 : memref<125x128xf32, #tpu.memory_space<vmem_shared>>) target_semaphore(%run_scoped3A_58 : memref<!tpu.dma_semaphore, #tpu.memory_space<semaphore_mem>>)
      %dma_wait3A = arith.constant 0 : i32
      %dma_wait3A_63 = tpu.memref_slice %arg12[%add3A_15, %dma_wait3A] : memref<10240x128xf32, #tpu.memory_space<vmem_shared>> -> memref<125x128xf32, #tpu.memory_space<vmem_shared>>
      %dma_wait3A_64 = arith.constant 0 : i32
      %dma_wait3A_65 = tpu.memref_slice %arg12[%add3A_15, %dma_wait3A_64] : memref<10240x128xf32, #tpu.memory_space<vmem_shared>> -> memref<125x128xf32, #tpu.memory_space<vmem_shared>>
      tpu.wait_dma2 semaphore(%run_scoped3A_58 : memref<!tpu.dma_semaphore, #tpu.memory_space<semaphore_mem>>) src(%arg8 : memref<125x128xf32, #tpu.memory_space<vmem>>) dst(%dma_wait3A_65 : memref<125x128xf32, #tpu.memory_space<vmem_shared>>)
      tpu.yield
    }) : () -> ()
    %mul3A_16 = arith.constant 640 : i32
    %mul3A_17 = arith.muli %arg1, %mul3A_16 : i32
    %add3A_18 = arith.constant 250 : i32
    %add3A_19 = arith.addi %mul3A_17, %add3A_18 : i32
    "tpu.region"() ({
      %run_scoped3A_58 = tpu.sem_alloc : memref<!tpu.dma_semaphore, #tpu.memory_space<semaphore_mem>>
      %dma_start3A_59 = arith.constant 0 : i32
      %dma_start3A_60 = tpu.memref_slice %arg12[%add3A_19, %dma_start3A_59] : memref<10240x128xf32, #tpu.memory_space<vmem_shared>> -> memref<125x128xf32, #tpu.memory_space<vmem_shared>>
      %dma_start3A_61 = arith.constant 0 : i32
      %dma_start3A_62 = tpu.memref_slice %arg12[%add3A_19, %dma_start3A_61] : memref<10240x128xf32, #tpu.memory_space<vmem_shared>> -> memref<125x128xf32, #tpu.memory_space<vmem_shared>>
      tpu.enqueue_dma source(%arg8 : memref<125x128xf32, #tpu.memory_space<vmem>>) target(%dma_start3A_62 : memref<125x128xf32, #tpu.memory_space<vmem_shared>>) target_semaphore(%run_scoped3A_58 : memref<!tpu.dma_semaphore, #tpu.memory_space<semaphore_mem>>)
      %dma_wait3A = arith.constant 0 : i32
      %dma_wait3A_63 = tpu.memref_slice %arg12[%add3A_19, %dma_wait3A] : memref<10240x128xf32, #tpu.memory_space<vmem_shared>> -> memref<125x128xf32, #tpu.memory_space<vmem_shared>>
      %dma_wait3A_64 = arith.constant 0 : i32
      %dma_wait3A_65 = tpu.memref_slice %arg12[%add3A_19, %dma_wait3A_64] : memref<10240x128xf32, #tpu.memory_space<vmem_shared>> -> memref<125x128xf32, #tpu.memory_space<vmem_shared>>
      tpu.wait_dma2 semaphore(%run_scoped3A_58 : memref<!tpu.dma_semaphore, #tpu.memory_space<semaphore_mem>>) src(%arg8 : memref<125x128xf32, #tpu.memory_space<vmem>>) dst(%dma_wait3A_65 : memref<125x128xf32, #tpu.memory_space<vmem_shared>>)
      tpu.yield
    }) : () -> ()
    %mul3A_20 = arith.constant 640 : i32
    %mul3A_21 = arith.muli %arg1, %mul3A_20 : i32
    %add3A_22 = arith.constant 375 : i32
    %add3A_23 = arith.addi %mul3A_21, %add3A_22 : i32
    "tpu.region"() ({
      %run_scoped3A_58 = tpu.sem_alloc : memref<!tpu.dma_semaphore, #tpu.memory_space<semaphore_mem>>
      %dma_start3A_59 = arith.constant 0 : i32
      %dma_start3A_60 = tpu.memref_slice %arg12[%add3A_23, %dma_start3A_59] : memref<10240x128xf32, #tpu.memory_space<vmem_shared>> -> memref<125x128xf32, #tpu.memory_space<vmem_shared>>
      %dma_start3A_61 = arith.constant 0 : i32
      %dma_start3A_62 = tpu.memref_slice %arg12[%add3A_23, %dma_start3A_61] : memref<10240x128xf32, #tpu.memory_space<vmem_shared>> -> memref<125x128xf32, #tpu.memory_space<vmem_shared>>
      tpu.enqueue_dma source(%arg8 : memref<125x128xf32, #tpu.memory_space<vmem>>) target(%dma_start3A_62 : memref<125x128xf32, #tpu.memory_space<vmem_shared>>) target_semaphore(%run_scoped3A_58 : memref<!tpu.dma_semaphore, #tpu.memory_space<semaphore_mem>>)
      %dma_wait3A = arith.constant 0 : i32
      %dma_wait3A_63 = tpu.memref_slice %arg12[%add3A_23, %dma_wait3A] : memref<10240x128xf32, #tpu.memory_space<vmem_shared>> -> memref<125x128xf32, #tpu.memory_space<vmem_shared>>
      %dma_wait3A_64 = arith.constant 0 : i32
      %dma_wait3A_65 = tpu.memref_slice %arg12[%add3A_23, %dma_wait3A_64] : memref<10240x128xf32, #tpu.memory_space<vmem_shared>> -> memref<125x128xf32, #tpu.memory_space<vmem_shared>>
      tpu.wait_dma2 semaphore(%run_scoped3A_58 : memref<!tpu.dma_semaphore, #tpu.memory_space<semaphore_mem>>) src(%arg8 : memref<125x128xf32, #tpu.memory_space<vmem>>) dst(%dma_wait3A_65 : memref<125x128xf32, #tpu.memory_space<vmem_shared>>)
      tpu.yield
    }) : () -> ()
    %mul3A_24 = arith.constant 640 : i32
    %mul3A_25 = arith.muli %arg1, %mul3A_24 : i32
    %add3A_26 = arith.constant 500 : i32
    %add3A_27 = arith.addi %mul3A_25, %add3A_26 : i32
    "tpu.region"() ({
      %run_scoped3A_58 = tpu.sem_alloc : memref<!tpu.dma_semaphore, #tpu.memory_space<semaphore_mem>>
      %dma_start3A_59 = arith.constant 0 : i32
      %dma_start3A_60 = tpu.memref_slice %arg12[%add3A_27, %dma_start3A_59] : memref<10240x128xf32, #tpu.memory_space<vmem_shared>> -> memref<125x128xf32, #tpu.memory_space<vmem_shared>>
      %dma_start3A_61 = arith.constant 0 : i32
      %dma_start3A_62 = tpu.memref_slice %arg12[%add3A_27, %dma_start3A_61] : memref<10240x128xf32, #tpu.memory_space<vmem_shared>> -> memref<125x128xf32, #tpu.memory_space<vmem_shared>>
      tpu.enqueue_dma source(%arg8 : memref<125x128xf32, #tpu.memory_space<vmem>>) target(%dma_start3A_62 : memref<125x128xf32, #tpu.memory_space<vmem_shared>>) target_semaphore(%run_scoped3A_58 : memref<!tpu.dma_semaphore, #tpu.memory_space<semaphore_mem>>)
      %dma_wait3A = arith.constant 0 : i32
      %dma_wait3A_63 = tpu.memref_slice %arg12[%add3A_27, %dma_wait3A] : memref<10240x128xf32, #tpu.memory_space<vmem_shared>> -> memref<125x128xf32, #tpu.memory_space<vmem_shared>>
      %dma_wait3A_64 = arith.constant 0 : i32
      %dma_wait3A_65 = tpu.memref_slice %arg12[%add3A_27, %dma_wait3A_64] : memref<10240x128xf32, #tpu.memory_space<vmem_shared>> -> memref<125x128xf32, #tpu.memory_space<vmem_shared>>
      tpu.wait_dma2 semaphore(%run_scoped3A_58 : memref<!tpu.dma_semaphore, #tpu.memory_space<semaphore_mem>>) src(%arg8 : memref<125x128xf32, #tpu.memory_space<vmem>>) dst(%dma_wait3A_65 : memref<125x128xf32, #tpu.memory_space<vmem_shared>>)
      tpu.yield
    }) : () -> ()
    %mul3A_28 = arith.constant 640 : i32
    %mul3A_29 = arith.muli %arg1, %mul3A_28 : i32
    %add3A_30 = arith.constant 625 : i32
    %add3A_31 = arith.addi %mul3A_29, %add3A_30 : i32
    "tpu.region"() ({
      %run_scoped3A_58 = tpu.sem_alloc : memref<!tpu.dma_semaphore, #tpu.memory_space<semaphore_mem>>
      %dma_start3A_59 = arith.constant 0 : i32
      %dma_start3A_60 = arith.constant 0 : i32
      %dma_start3A_61 = tpu.memref_slice %arg8[%dma_start3A_59, %dma_start3A_60] : memref<125x128xf32, #tpu.memory_space<vmem>> -> memref<15x128xf32, #tpu.memory_space<vmem>>
      %dma_start3A_62 = arith.constant 0 : i32
      %dma_start3A_63 = tpu.memref_slice %arg12[%add3A_31, %dma_start3A_62] : memref<10240x128xf32, #tpu.memory_space<vmem_shared>> -> memref<15x128xf32, #tpu.memory_space<vmem_shared>>
      %dma_start3A_64 = arith.constant 0 : i32
      %dma_start3A_65 = tpu.memref_slice %arg12[%add3A_31, %dma_start3A_64] : memref<10240x128xf32, #tpu.memory_space<vmem_shared>> -> memref<15x128xf32, #tpu.memory_space<vmem_shared>>
      %dma_start3A_66 = arith.constant 0 : i32
      %dma_start3A_67 = arith.constant 0 : i32
      %dma_start3A_68 = tpu.memref_slice %arg8[%dma_start3A_66, %dma_start3A_67] : memref<125x128xf32, #tpu.memory_space<vmem>> -> memref<15x128xf32, #tpu.memory_space<vmem>>
      tpu.enqueue_dma source(%dma_start3A_68 : memref<15x128xf32, #tpu.memory_space<vmem>>) target(%dma_start3A_65 : memref<15x128xf32, #tpu.memory_space<vmem_shared>>) target_semaphore(%run_scoped3A_58 : memref<!tpu.dma_semaphore, #tpu.memory_space<semaphore_mem>>)
      %dma_wait3A = arith.constant 0 : i32
      %dma_wait3A_69 = arith.constant 0 : i32
      %dma_wait3A_70 = tpu.memref_slice %arg8[%dma_wait3A, %dma_wait3A_69] : memref<125x128xf32, #tpu.memory_space<vmem>> -> memref<15x128xf32, #tpu.memory_space<vmem>>
      %dma_wait3A_71 = arith.constant 0 : i32
      %dma_wait3A_72 = tpu.memref_slice %arg12[%add3A_31, %dma_wait3A_71] : memref<10240x128xf32, #tpu.memory_space<vmem_shared>> -> memref<15x128xf32, #tpu.memory_space<vmem_shared>>
      %dma_wait3A_73 = arith.constant 0 : i32
      %dma_wait3A_74 = tpu.memref_slice %arg12[%add3A_31, %dma_wait3A_73] : memref<10240x128xf32, #tpu.memory_space<vmem_shared>> -> memref<15x128xf32, #tpu.memory_space<vmem_shared>>
      %dma_wait3A_75 = arith.constant 0 : i32
      %dma_wait3A_76 = arith.constant 0 : i32
      %dma_wait3A_77 = tpu.memref_slice %arg8[%dma_wait3A_75, %dma_wait3A_76] : memref<125x128xf32, #tpu.memory_space<vmem>> -> memref<15x128xf32, #tpu.memory_space<vmem>>
      tpu.wait_dma2 semaphore(%run_scoped3A_58 : memref<!tpu.dma_semaphore, #tpu.memory_space<semaphore_mem>>) src(%dma_wait3A_77 : memref<15x128xf32, #tpu.memory_space<vmem>>) dst(%dma_wait3A_74 : memref<15x128xf32, #tpu.memory_space<vmem_shared>>)
      tpu.yield
    }) : () -> ()
    %barrier3A = arith.constant 0 : index
    tpu.barrier barrier_id(%barrier3A)
    %dma_start3A = arith.constant 0 : i32
    %dma_start3A_32 = arith.constant 0 : i32
    %dma_start3A_33 = tpu.memref_slice %arg6[%dma_start3A, %dma_start3A_32] : memref<40x125xi32, #tpu.memory_space<vmem>> -> memref<1x125xi32, #tpu.memory_space<vmem>>
    %dma_start3A_34 = tpu.memref_squeeze %dma_start3A_33 : memref<1x125xi32, #tpu.memory_space<vmem>> -> memref<125xi32, #tpu.memory_space<vmem>>
    %dma_start3A_35 = arith.constant 0 : i32
    %dma_start3A_36 = arith.constant 0 : i32
    %dma_start3A_37 = tpu.memref_slice %arg2[%dma_start3A_35, %dma_start3A_36] : memref<10240x128xf32, #tpu.memory_space<hbm>> -> memref<10240x128xf32, #tpu.memory_space<hbm>>
    tpu.enqueue_indirect_dma source(%dma_start3A_37 : memref<10240x128xf32, #tpu.memory_space<hbm>>) target(%arg8 : memref<125x128xf32, #tpu.memory_space<vmem>>) offsets(%dma_start3A_34 : memref<125xi32, #tpu.memory_space<vmem>>) semaphore(%arg10 : memref<!tpu.dma_semaphore, #tpu.memory_space<semaphore_mem>>)
    %scan3A_38 = arith.constant 0 : i32
    %scan3A_39 = arith.constant 0 : i32
    %scan3A_40 = arith.constant 19 : i32
    %scan3A_41 = arith.addi %scan3A_39, %scan3A_40 : i32
    %scan3A_42 = arith.constant 1 : i32
    %scan3A_43 = scf.for %scan3A_58 = %scan3A_39 to %scan3A_41 step %scan3A_42 iter_args(%scan3A_59 = %scan3A_38) -> (i32)  : i32 {
      %mul3A_60 = arith.constant 2 : i32
      %mul3A_61 = arith.muli %mul3A_60, %scan3A_58 : i32
      %add3A_62 = arith.constant 1 : i32
      %add3A_63 = arith.addi %mul3A_61, %add3A_62 : i32
      %dma_start3A_64 = arith.constant 0 : i32
      %dma_start3A_65 = tpu.memref_slice %arg6[%add3A_63, %dma_start3A_64] : memref<40x125xi32, #tpu.memory_space<vmem>> -> memref<1x125xi32, #tpu.memory_space<vmem>>
      %dma_start3A_66 = tpu.memref_squeeze %dma_start3A_65 : memref<1x125xi32, #tpu.memory_space<vmem>> -> memref<125xi32, #tpu.memory_space<vmem>>
      %dma_start3A_67 = arith.constant 0 : i32
      %dma_start3A_68 = arith.constant 0 : i32
      %dma_start3A_69 = tpu.memref_slice %arg2[%dma_start3A_67, %dma_start3A_68] : memref<10240x128xf32, #tpu.memory_space<hbm>> -> memref<10240x128xf32, #tpu.memory_space<hbm>>
      tpu.enqueue_indirect_dma source(%dma_start3A_69 : memref<10240x128xf32, #tpu.memory_space<hbm>>) target(%arg9 : memref<125x128xf32, #tpu.memory_space<vmem>>) offsets(%dma_start3A_66 : memref<125xi32, #tpu.memory_space<vmem>>) semaphore(%arg11 : memref<!tpu.dma_semaphore, #tpu.memory_space<semaphore_mem>>)
      tpu.wait_dma2 semaphore(%arg10 : memref<!tpu.dma_semaphore, #tpu.memory_space<semaphore_mem>>) src(%arg2 : memref<10240x128xf32, #tpu.memory_space<hbm>>) dst(%arg8 : memref<125x128xf32, #tpu.memory_space<vmem>>)
      "tpu.region"() ({
        %run_scoped3A_81 = tpu.sem_alloc : memref<!tpu.dma_semaphore, #tpu.memory_space<semaphore_mem>>
        %dma_start3A_82 = arith.constant 0 : i32
        %dma_start3A_83 = tpu.memref_slice %arg7[%mul3A_61, %dma_start3A_82] : memref<40x125xi32, #tpu.memory_space<vmem>> -> memref<1x125xi32, #tpu.memory_space<vmem>>
        %dma_start3A_84 = tpu.memref_squeeze %dma_start3A_83 : memref<1x125xi32, #tpu.memory_space<vmem>> -> memref<125xi32, #tpu.memory_space<vmem>>
        %dma_start3A_85 = arith.constant 0 : i32
        %dma_start3A_86 = arith.constant 0 : i32
        %dma_start3A_87 = tpu.memref_slice %arg12[%dma_start3A_85, %dma_start3A_86] : memref<10240x128xf32, #tpu.memory_space<vmem_shared>> -> memref<10240x128xf32, #tpu.memory_space<vmem_shared>>
        tpu.enqueue_indirect_dma source(%arg8 : memref<125x128xf32, #tpu.memory_space<vmem>>) target(%dma_start3A_87 : memref<10240x128xf32, #tpu.memory_space<vmem_shared>>) offsets(%dma_start3A_84 : memref<125xi32, #tpu.memory_space<vmem>>) semaphore(%run_scoped3A_81 : memref<!tpu.dma_semaphore, #tpu.memory_space<semaphore_mem>>) {add = true}
        %dma_wait3A = arith.constant 0 : i32
        %dma_wait3A_88 = tpu.memref_slice %arg7[%mul3A_61, %dma_wait3A] : memref<40x125xi32, #tpu.memory_space<vmem>> -> memref<1x125xi32, #tpu.memory_space<vmem>>
        %dma_wait3A_89 = tpu.memref_squeeze %dma_wait3A_88 : memref<1x125xi32, #tpu.memory_space<vmem>> -> memref<125xi32, #tpu.memory_space<vmem>>
        %dma_wait3A_90 = arith.constant 0 : i32
        %dma_wait3A_91 = arith.constant 0 : i32
        %dma_wait3A_92 = tpu.memref_slice %arg12[%dma_wait3A_90, %dma_wait3A_91] : memref<10240x128xf32, #tpu.memory_space<vmem_shared>> -> memref<10240x128xf32, #tpu.memory_space<vmem_shared>>
        tpu.wait_indirect_dma semaphore(%run_scoped3A_81 : memref<!tpu.dma_semaphore, #tpu.memory_space<semaphore_mem>>) src(%arg8 : memref<125x128xf32, #tpu.memory_space<vmem>>) dst(%dma_wait3A_92 : memref<10240x128xf32, #tpu.memory_space<vmem_shared>>)
        tpu.yield
      }) : () -> ()
      %add3A_70 = arith.constant 2 : i32
      %add3A_71 = arith.addi %mul3A_61, %add3A_70 : i32
      %dma_start3A_72 = arith.constant 0 : i32
      %dma_start3A_73 = tpu.memref_slice %arg6[%add3A_71, %dma_start3A_72] : memref<40x125xi32, #tpu.memory_space<vmem>> -> memref<1x125xi32, #tpu.memory_space<vmem>>
      %dma_start3A_74 = tpu.memref_squeeze %dma_start3A_73 : memref<1x125xi32, #tpu.memory_space<vmem>> -> memref<125xi32, #tpu.memory_space<vmem>>
      %dma_start3A_75 = arith.constant 0 : i32
      %dma_start3A_76 = arith.constant 0 : i32
      %dma_start3A_77 = tpu.memref_slice %arg2[%dma_start3A_75, %dma_start3A_76] : memref<10240x128xf32, #tpu.memory_space<hbm>> -> memref<10240x128xf32, #tpu.memory_space<hbm>>
      tpu.enqueue_indirect_dma source(%dma_start3A_77 : memref<10240x128xf32, #tpu.memory_space<hbm>>) target(%arg8 : memref<125x128xf32, #tpu.memory_space<vmem>>) offsets(%dma_start3A_74 : memref<125xi32, #tpu.memory_space<vmem>>) semaphore(%arg10 : memref<!tpu.dma_semaphore, #tpu.memory_space<semaphore_mem>>)
      tpu.wait_dma2 semaphore(%arg11 : memref<!tpu.dma_semaphore, #tpu.memory_space<semaphore_mem>>) src(%arg2 : memref<10240x128xf32, #tpu.memory_space<hbm>>) dst(%arg9 : memref<125x128xf32, #tpu.memory_space<vmem>>)
      %add3A_78 = arith.constant 1 : i32
      %add3A_79 = arith.addi %mul3A_61, %add3A_78 : i32
      "tpu.region"() ({
        %run_scoped3A_81 = tpu.sem_alloc : memref<!tpu.dma_semaphore, #tpu.memory_space<semaphore_mem>>
        %dma_start3A_82 = arith.constant 0 : i32
        %dma_start3A_83 = tpu.memref_slice %arg7[%add3A_79, %dma_start3A_82] : memref<40x125xi32, #tpu.memory_space<vmem>> -> memref<1x125xi32, #tpu.memory_space<vmem>>
        %dma_start3A_84 = tpu.memref_squeeze %dma_start3A_83 : memref<1x125xi32, #tpu.memory_space<vmem>> -> memref<125xi32, #tpu.memory_space<vmem>>
        %dma_start3A_85 = arith.constant 0 : i32
        %dma_start3A_86 = arith.constant 0 : i32
        %dma_start3A_87 = tpu.memref_slice %arg12[%dma_start3A_85, %dma_start3A_86] : memref<10240x128xf32, #tpu.memory_space<vmem_shared>> -> memref<10240x128xf32, #tpu.memory_space<vmem_shared>>
        tpu.enqueue_indirect_dma source(%arg9 : memref<125x128xf32, #tpu.memory_space<vmem>>) target(%dma_start3A_87 : memref<10240x128xf32, #tpu.memory_space<vmem_shared>>) offsets(%dma_start3A_84 : memref<125xi32, #tpu.memory_space<vmem>>) semaphore(%run_scoped3A_81 : memref<!tpu.dma_semaphore, #tpu.memory_space<semaphore_mem>>) {add = true}
        %dma_wait3A = arith.constant 0 : i32
        %dma_wait3A_88 = tpu.memref_slice %arg7[%add3A_79, %dma_wait3A] : memref<40x125xi32, #tpu.memory_space<vmem>> -> memref<1x125xi32, #tpu.memory_space<vmem>>
        %dma_wait3A_89 = tpu.memref_squeeze %dma_wait3A_88 : memref<1x125xi32, #tpu.memory_space<vmem>> -> memref<125xi32, #tpu.memory_space<vmem>>
        %dma_wait3A_90 = arith.constant 0 : i32
        %dma_wait3A_91 = arith.constant 0 : i32
        %dma_wait3A_92 = tpu.memref_slice %arg12[%dma_wait3A_90, %dma_wait3A_91] : memref<10240x128xf32, #tpu.memory_space<vmem_shared>> -> memref<10240x128xf32, #tpu.memory_space<vmem_shared>>
        tpu.wait_indirect_dma semaphore(%run_scoped3A_81 : memref<!tpu.dma_semaphore, #tpu.memory_space<semaphore_mem>>) src(%arg9 : memref<125x128xf32, #tpu.memory_space<vmem>>) dst(%dma_wait3A_92 : memref<10240x128xf32, #tpu.memory_space<vmem_shared>>)
        tpu.yield
      }) : () -> ()
      %scan3A_80 = arith.constant 0 : i32
      scf.yield %scan3A_80 : i32
    }
    %scan3A_44 = arith.constant 19 : i32
    %dma_start3A_45 = arith.constant 39 : i32
    %dma_start3A_46 = arith.constant 0 : i32
    %dma_start3A_47 = tpu.memref_slice %arg6[%dma_start3A_45, %dma_start3A_46] : memref<40x125xi32, #tpu.memory_space<vmem>> -> memref<1x125xi32, #tpu.memory_space<vmem>>
    %dma_start3A_48 = tpu.memref_squeeze %dma_start3A_47 : memref<1x125xi32, #tpu.memory_space<vmem>> -> memref<125xi32, #tpu.memory_space<vmem>>
    %dma_start3A_49 = arith.constant 0 : i32
    %dma_start3A_50 = arith.constant 0 : i32
    %dma_start3A_51 = tpu.memref_slice %arg2[%dma_start3A_49, %dma_start3A_50] : memref<10240x128xf32, #tpu.memory_space<hbm>> -> memref<10240x128xf32, #tpu.memory_space<hbm>>
    tpu.enqueue_indirect_dma source(%dma_start3A_51 : memref<10240x128xf32, #tpu.memory_space<hbm>>) target(%arg9 : memref<125x128xf32, #tpu.memory_space<vmem>>) offsets(%dma_start3A_48 : memref<125xi32, #tpu.memory_space<vmem>>) semaphore(%arg11 : memref<!tpu.dma_semaphore, #tpu.memory_space<semaphore_mem>>)
    tpu.wait_dma2 semaphore(%arg10 : memref<!tpu.dma_semaphore, #tpu.memory_space<semaphore_mem>>) src(%arg2 : memref<10240x128xf32, #tpu.memory_space<hbm>>) dst(%arg8 : memref<125x128xf32, #tpu.memory_space<vmem>>)
    %run_scoped3A = arith.constant 38 : i32
    "tpu.region"() ({
      %run_scoped3A_58 = tpu.sem_alloc : memref<!tpu.dma_semaphore, #tpu.memory_space<semaphore_mem>>
      %dma_start3A_59 = arith.constant 0 : i32
      %dma_start3A_60 = tpu.memref_slice %arg7[%run_scoped3A, %dma_start3A_59] : memref<40x125xi32, #tpu.memory_space<vmem>> -> memref<1x125xi32, #tpu.memory_space<vmem>>
      %dma_start3A_61 = tpu.memref_squeeze %dma_start3A_60 : memref<1x125xi32, #tpu.memory_space<vmem>> -> memref<125xi32, #tpu.memory_space<vmem>>
      %dma_start3A_62 = arith.constant 0 : i32
      %dma_start3A_63 = arith.constant 0 : i32
      %dma_start3A_64 = tpu.memref_slice %arg12[%dma_start3A_62, %dma_start3A_63] : memref<10240x128xf32, #tpu.memory_space<vmem_shared>> -> memref<10240x128xf32, #tpu.memory_space<vmem_shared>>
      tpu.enqueue_indirect_dma source(%arg8 : memref<125x128xf32, #tpu.memory_space<vmem>>) target(%dma_start3A_64 : memref<10240x128xf32, #tpu.memory_space<vmem_shared>>) offsets(%dma_start3A_61 : memref<125xi32, #tpu.memory_space<vmem>>) semaphore(%run_scoped3A_58 : memref<!tpu.dma_semaphore, #tpu.memory_space<semaphore_mem>>) {add = true}
      %dma_wait3A = arith.constant 0 : i32
      %dma_wait3A_65 = tpu.memref_slice %arg7[%run_scoped3A, %dma_wait3A] : memref<40x125xi32, #tpu.memory_space<vmem>> -> memref<1x125xi32, #tpu.memory_space<vmem>>
      %dma_wait3A_66 = tpu.memref_squeeze %dma_wait3A_65 : memref<1x125xi32, #tpu.memory_space<vmem>> -> memref<125xi32, #tpu.memory_space<vmem>>
      %dma_wait3A_67 = arith.constant 0 : i32
      %dma_wait3A_68 = arith.constant 0 : i32
      %dma_wait3A_69 = tpu.memref_slice %arg12[%dma_wait3A_67, %dma_wait3A_68] : memref<10240x128xf32, #tpu.memory_space<vmem_shared>> -> memref<10240x128xf32, #tpu.memory_space<vmem_shared>>
      tpu.wait_indirect_dma semaphore(%run_scoped3A_58 : memref<!tpu.dma_semaphore, #tpu.memory_space<semaphore_mem>>) src(%arg8 : memref<125x128xf32, #tpu.memory_space<vmem>>) dst(%dma_wait3A_69 : memref<10240x128xf32, #tpu.memory_space<vmem_shared>>)
      tpu.yield
    }) : () -> ()
    tpu.wait_dma2 semaphore(%arg11 : memref<!tpu.dma_semaphore, #tpu.memory_space<semaphore_mem>>) src(%arg2 : memref<10240x128xf32, #tpu.memory_space<hbm>>) dst(%arg9 : memref<125x128xf32, #tpu.memory_space<vmem>>)
    %run_scoped3A_52 = arith.constant 39 : i32
    "tpu.region"() ({
      %run_scoped3A_58 = tpu.sem_alloc : memref<!tpu.dma_semaphore, #tpu.memory_space<semaphore_mem>>
      %dma_start3A_59 = arith.constant 0 : i32
      %dma_start3A_60 = tpu.memref_slice %arg7[%run_scoped3A_52, %dma_start3A_59] : memref<40x125xi32, #tpu.memory_space<vmem>> -> memref<1x125xi32, #tpu.memory_space<vmem>>
      %dma_start3A_61 = tpu.memref_squeeze %dma_start3A_60 : memref<1x125xi32, #tpu.memory_space<vmem>> -> memref<125xi32, #tpu.memory_space<vmem>>
      %dma_start3A_62 = arith.constant 0 : i32
      %dma_start3A_63 = arith.constant 0 : i32
      %dma_start3A_64 = tpu.memref_slice %arg12[%dma_start3A_62, %dma_start3A_63] : memref<10240x128xf32, #tpu.memory_space<vmem_shared>> -> memref<10240x128xf32, #tpu.memory_space<vmem_shared>>
      tpu.enqueue_indirect_dma source(%arg9 : memref<125x128xf32, #tpu.memory_space<vmem>>) target(%dma_start3A_64 : memref<10240x128xf32, #tpu.memory_space<vmem_shared>>) offsets(%dma_start3A_61 : memref<125xi32, #tpu.memory_space<vmem>>) semaphore(%run_scoped3A_58 : memref<!tpu.dma_semaphore, #tpu.memory_space<semaphore_mem>>) {add = true}
      %dma_wait3A = arith.constant 0 : i32
      %dma_wait3A_65 = tpu.memref_slice %arg7[%run_scoped3A_52, %dma_wait3A] : memref<40x125xi32, #tpu.memory_space<vmem>> -> memref<1x125xi32, #tpu.memory_space<vmem>>
      %dma_wait3A_66 = tpu.memref_squeeze %dma_wait3A_65 : memref<1x125xi32, #tpu.memory_space<vmem>> -> memref<125xi32, #tpu.memory_space<vmem>>
      %dma_wait3A_67 = arith.constant 0 : i32
      %dma_wait3A_68 = arith.constant 0 : i32
      %dma_wait3A_69 = tpu.memref_slice %arg12[%dma_wait3A_67, %dma_wait3A_68] : memref<10240x128xf32, #tpu.memory_space<vmem_shared>> -> memref<10240x128xf32, #tpu.memory_space<vmem_shared>>
      tpu.wait_indirect_dma semaphore(%run_scoped3A_58 : memref<!tpu.dma_semaphore, #tpu.memory_space<semaphore_mem>>) src(%arg9 : memref<125x128xf32, #tpu.memory_space<vmem>>) dst(%dma_wait3A_69 : memref<10240x128xf32, #tpu.memory_space<vmem_shared>>)
      tpu.yield
    }) : () -> ()
    %barrier3A_53 = arith.constant 0 : index
    tpu.barrier barrier_id(%barrier3A_53)
    %mul3A_54 = arith.constant 640 : i32
    %mul3A_55 = arith.muli %arg1, %mul3A_54 : i32
    %mul3A_56 = arith.constant 640 : i32
    %mul3A_57 = arith.muli %arg1, %mul3A_56 : i32
    "tpu.region"() ({
      %run_scoped3A_58 = tpu.sem_alloc : memref<!tpu.dma_semaphore, #tpu.memory_space<semaphore_mem>>
      %dma_start3A_59 = arith.constant 0 : i32
      %dma_start3A_60 = tpu.memref_slice %arg5[%arg0, %mul3A_57, %dma_start3A_59] : memref<2x10240x128xf32, #tpu.memory_space<hbm>> -> memref<1x640x128xf32, #tpu.memory_space<hbm>>
      %dma_start3A_61 = tpu.memref_squeeze %dma_start3A_60 : memref<1x640x128xf32, #tpu.memory_space<hbm>> -> memref<640x128xf32, #tpu.memory_space<hbm>>
      %dma_start3A_62 = arith.constant 0 : i32
      %dma_start3A_63 = tpu.memref_slice %arg12[%mul3A_55, %dma_start3A_62] : memref<10240x128xf32, #tpu.memory_space<vmem_shared>> -> memref<640x128xf32, #tpu.memory_space<vmem_shared>>
      tpu.enqueue_dma source(%dma_start3A_63 : memref<640x128xf32, #tpu.memory_space<vmem_shared>>) target(%dma_start3A_61 : memref<640x128xf32, #tpu.memory_space<hbm>>) target_semaphore(%run_scoped3A_58 : memref<!tpu.dma_semaphore, #tpu.memory_space<semaphore_mem>>)
      %dma_wait3A = arith.constant 0 : i32
      %dma_wait3A_64 = tpu.memref_slice %arg5[%arg0, %mul3A_57, %dma_wait3A] : memref<2x10240x128xf32, #tpu.memory_space<hbm>> -> memref<1x640x128xf32, #tpu.memory_space<hbm>>
      %dma_wait3A_65 = tpu.memref_squeeze %dma_wait3A_64 : memref<1x640x128xf32, #tpu.memory_space<hbm>> -> memref<640x128xf32, #tpu.memory_space<hbm>>
      %dma_wait3A_66 = arith.constant 0 : i32
      %dma_wait3A_67 = tpu.memref_slice %arg12[%mul3A_55, %dma_wait3A_66] : memref<10240x128xf32, #tpu.memory_space<vmem_shared>> -> memref<640x128xf32, #tpu.memory_space<vmem_shared>>
      tpu.wait_dma2 semaphore(%run_scoped3A_58 : memref<!tpu.dma_semaphore, #tpu.memory_space<semaphore_mem>>) src(%dma_wait3A_67 : memref<640x128xf32, #tpu.memory_space<vmem_shared>>) dst(%dma_wait3A_65 : memref<640x128xf32, #tpu.memory_space<hbm>>)
      tpu.yield
    }) : () -> ()
    return
  }
}

module attributes {stable_mosaic.version = 14 : i64} {
  func.func @_layer0_body(%arg0: i32, %arg1: memref<2x512x128xf32, #tpu.memory_space<vmem>>, %arg2: memref<512x128xf32, #tpu.memory_space<vmem>>, %arg3: memref<128x256xf32, #tpu.memory_space<vmem>>, %arg4: memref<128x256xf32, #tpu.memory_space<vmem>>, %arg5: memref<1x256xf32, #tpu.memory_space<vmem>>, %arg6: memref<2x512x128xf32, #tpu.memory_space<vmem>>) attributes {dimension_semantics = [#tpu.dimension_semantics<arbitrary>], iteration_bounds = array<i64: 20>, scalar_prefetch = 0 : i64, scratch_operands = 0 : i64, tpu.core_type = #tpu.core_type<tc>, window_params = [{transform_indices = @transform_0, window_bounds = array<i64: 2, 512, 128>}, {transform_indices = @transform_1, window_bounds = array<i64: 512, 128>}, {pipeline_mode = #tpu.pipeline_mode<synchronous>, transform_indices = @transform_2, window_bounds = array<i64: 128, 256>}, {pipeline_mode = #tpu.pipeline_mode<synchronous>, transform_indices = @transform_3, window_bounds = array<i64: 128, 256>}, {pipeline_mode = #tpu.pipeline_mode<synchronous>, transform_indices = @transform_4, window_bounds = array<i64: 1, 256>}, {transform_indices = @transform_5, window_bounds = array<i64: 2, 512, 128>}]} {
    %get3A = arith.constant 0 : index
    %get3A_0 = arith.constant 0 : index
    %get3A_1 = arith.constant 0 : index
    %get3A_2 = vector.load %arg1[%get3A, %get3A_0, %get3A_1] : memref<2x512x128xf32, #tpu.memory_space<vmem>>, vector<1x512x128xf32>
    %get3A_3 = vector.shape_cast %get3A_2 : vector<1x512x128xf32> to vector<512x128xf32>
    %get3A_4 = arith.constant 1 : index
    %get3A_5 = arith.constant 0 : index
    %get3A_6 = arith.constant 0 : index
    %get3A_7 = vector.load %arg1[%get3A_4, %get3A_5, %get3A_6] : memref<2x512x128xf32, #tpu.memory_space<vmem>>, vector<1x512x128xf32>
    %get3A_8 = vector.shape_cast %get3A_7 : vector<1x512x128xf32> to vector<512x128xf32>
    %add3A = arith.addf %get3A_3, %get3A_8 : vector<512x128xf32>
    %slice3A = vector.extract_strided_slice %add3A {offsets = [0, 2], sizes = [512, 1], strides = [1, 1]} : vector<512x128xf32> to vector<512x1xf32>
    %max3A = arith.constant 1.000000e+00 : f32
    %max3A_9 = vector.broadcast %max3A : f32 to vector<512x1xf32>
    %max3A_10 = arith.maximumf %slice3A, %max3A_9 : vector<512x1xf32>
    %div3A = arith.constant 1.000000e+00 : f32
    %div3A_11 = vector.broadcast %div3A : f32 to vector<512x1xf32>
    %div3A_12 = arith.divf %div3A_11, %max3A_10 : vector<512x1xf32>
    %mul3A = vector.broadcast %div3A_12 : vector<512x1xf32> to vector<512x128xf32>
    %mul3A_13 = arith.mulf %add3A, %mul3A : vector<512x128xf32>
    %get3A_14 = arith.constant 0 : index
    %get3A_15 = arith.constant 0 : index
    %get3A_16 = vector.load %arg3[%get3A_14, %get3A_15] : memref<128x256xf32, #tpu.memory_space<vmem>>, vector<128x256xf32>
    %dot_general3A = arith.constant dense<0.000000e+00> : vector<512x256xf32>
    %dot_general3A_17 = tpu.matmul %mul3A_13, %get3A_16, %dot_general3A {dimension_numbers = #tpu.dot_dimension_numbers<[1], [0], [0], [1], [0, 0, 1, 1], [], []>, transpose_lhs_hint = false} : vector<512x128xf32>, vector<128x256xf32>, vector<512x256xf32> -> vector<512x256xf32>
    %get3A_18 = arith.constant 0 : index
    %get3A_19 = arith.constant 0 : index
    %get3A_20 = vector.load %arg2[%get3A_18, %get3A_19] : memref<512x128xf32, #tpu.memory_space<vmem>>, vector<512x128xf32>
    %get3A_21 = arith.constant 0 : index
    %get3A_22 = arith.constant 0 : index
    %get3A_23 = vector.load %arg4[%get3A_21, %get3A_22] : memref<128x256xf32, #tpu.memory_space<vmem>>, vector<128x256xf32>
    %dot_general3A_24 = arith.constant dense<0.000000e+00> : vector<512x256xf32>
    %dot_general3A_25 = tpu.matmul %get3A_20, %get3A_23, %dot_general3A_24 {dimension_numbers = #tpu.dot_dimension_numbers<[1], [0], [0], [1], [0, 0, 1, 1], [], []>, transpose_lhs_hint = false} : vector<512x128xf32>, vector<128x256xf32>, vector<512x256xf32> -> vector<512x256xf32>
    %add3A_26 = arith.addf %dot_general3A_17, %dot_general3A_25 : vector<512x256xf32>
    %get3A_27 = arith.constant 0 : index
    %get3A_28 = arith.constant 0 : index
    %get3A_29 = vector.load %arg5[%get3A_27, %get3A_28] : memref<1x256xf32, #tpu.memory_space<vmem>>, vector<1x256xf32>
    %add3A_30 = vector.broadcast %get3A_29 : vector<1x256xf32> to vector<512x256xf32>
    %add3A_31 = arith.addf %add3A_26, %add3A_30 : vector<512x256xf32>
    %max3A_32 = arith.constant 0.000000e+00 : f32
    %max3A_33 = vector.broadcast %max3A_32 : f32 to vector<512x256xf32>
    %max3A_34 = arith.maximumf %add3A_31, %max3A_33 : vector<512x256xf32>
    %slice3A_35 = vector.extract_strided_slice %max3A_34 {offsets = [0, 0], sizes = [512, 128], strides = [1, 1]} : vector<512x256xf32> to vector<512x128xf32>
    %swap3A = arith.constant 0 : index
    %swap3A_36 = arith.constant 0 : index
    %swap3A_37 = arith.constant 0 : index
    %swap3A_38 = vector.load %arg6[%swap3A, %swap3A_36, %swap3A_37] : memref<2x512x128xf32, #tpu.memory_space<vmem>>, vector<1x512x128xf32>
    %swap3A_39 = vector.shape_cast %swap3A_38 : vector<1x512x128xf32> to vector<512x128xf32>
    %swap3A_40 = vector.shape_cast %slice3A_35 : vector<512x128xf32> to vector<1x512x128xf32>
    tpu.vector_store %arg6[%swap3A, %swap3A_36, %swap3A_37], %swap3A_40 {strides = array<i32>} : memref<2x512x128xf32, #tpu.memory_space<vmem>>, vector<1x512x128xf32>,
    %slice3A_41 = vector.extract_strided_slice %max3A_34 {offsets = [0, 128], sizes = [512, 128], strides = [1, 1]} : vector<512x256xf32> to vector<512x128xf32>
    %swap3A_42 = arith.constant 1 : index
    %swap3A_43 = arith.constant 0 : index
    %swap3A_44 = arith.constant 0 : index
    %swap3A_45 = vector.load %arg6[%swap3A_42, %swap3A_43, %swap3A_44] : memref<2x512x128xf32, #tpu.memory_space<vmem>>, vector<1x512x128xf32>
    %swap3A_46 = vector.shape_cast %swap3A_45 : vector<1x512x128xf32> to vector<512x128xf32>
    %swap3A_47 = vector.shape_cast %slice3A_41 : vector<512x128xf32> to vector<1x512x128xf32>
    tpu.vector_store %arg6[%swap3A_42, %swap3A_43, %swap3A_44], %swap3A_47 {strides = array<i32>} : memref<2x512x128xf32, #tpu.memory_space<vmem>>, vector<1x512x128xf32>,
    return
  }
  func.func @transform_0(%arg0: i32) -> (i32, i32, i32) {
    %c0_i32 = arith.constant 0 : i32
    %c0_i32_0 = arith.constant 0 : i32
    %c0_i32_1 = arith.constant 0 : i32
    return %c0_i32, %arg0, %c0_i32_0 : i32, i32, i32
  }
  func.func @transform_1(%arg0: i32) -> (i32, i32) {
    %c0_i32 = arith.constant 0 : i32
    %c0_i32_0 = arith.constant 0 : i32
    return %arg0, %c0_i32 : i32, i32
  }
  func.func @transform_2(%arg0: i32) -> (i32, i32) {
    %c0_i32 = arith.constant 0 : i32
    %c0_i32_0 = arith.constant 0 : i32
    %c0_i32_1 = arith.constant 0 : i32
    return %c0_i32, %c0_i32_0 : i32, i32
  }
  func.func @transform_3(%arg0: i32) -> (i32, i32) {
    %c0_i32 = arith.constant 0 : i32
    %c0_i32_0 = arith.constant 0 : i32
    %c0_i32_1 = arith.constant 0 : i32
    return %c0_i32, %c0_i32_0 : i32, i32
  }
  func.func @transform_4(%arg0: i32) -> (i32, i32) {
    %c0_i32 = arith.constant 0 : i32
    %c0_i32_0 = arith.constant 0 : i32
    %c0_i32_1 = arith.constant 0 : i32
    return %c0_i32, %c0_i32_0 : i32, i32
  }
  func.func @transform_5(%arg0: i32) -> (i32, i32, i32) {
    %c0_i32 = arith.constant 0 : i32
    %c0_i32_0 = arith.constant 0 : i32
    %c0_i32_1 = arith.constant 0 : i32
    return %c0_i32, %arg0, %c0_i32_0 : i32, i32, i32
  }
}

module attributes {stable_mosaic.version = 14 : i64} {
  func.func @_layer1_body(%arg0: i32, %arg1: memref<2x512x128xf32, #tpu.memory_space<vmem>>, %arg2: memref<2x512x128xf32, #tpu.memory_space<vmem>>, %arg3: memref<2x512x128xf32, #tpu.memory_space<vmem>>, %arg4: memref<256x256xf32, #tpu.memory_space<vmem>>, %arg5: memref<256x256xf32, #tpu.memory_space<vmem>>, %arg6: memref<1x256xf32, #tpu.memory_space<vmem>>, %arg7: memref<2x512x128xf32, #tpu.memory_space<vmem>>) attributes {dimension_semantics = [#tpu.dimension_semantics<arbitrary>], iteration_bounds = array<i64: 20>, scalar_prefetch = 0 : i64, scratch_operands = 0 : i64, tpu.core_type = #tpu.core_type<tc>, window_params = [{transform_indices = @transform_0, window_bounds = array<i64: 2, 512, 128>}, {transform_indices = @transform_1, window_bounds = array<i64: 2, 512, 128>}, {transform_indices = @transform_2, window_bounds = array<i64: 2, 512, 128>}, {pipeline_mode = #tpu.pipeline_mode<synchronous>, transform_indices = @transform_3, window_bounds = array<i64: 256, 256>}, {pipeline_mode = #tpu.pipeline_mode<synchronous>, transform_indices = @transform_4, window_bounds = array<i64: 256, 256>}, {pipeline_mode = #tpu.pipeline_mode<synchronous>, transform_indices = @transform_5, window_bounds = array<i64: 1, 256>}, {transform_indices = @transform_6, window_bounds = array<i64: 2, 512, 128>}]} {
    %get3A = arith.constant 0 : index
    %get3A_0 = arith.constant 0 : index
    %get3A_1 = arith.constant 0 : index
    %get3A_2 = vector.load %arg1[%get3A, %get3A_0, %get3A_1] : memref<2x512x128xf32, #tpu.memory_space<vmem>>, vector<1x512x128xf32>
    %get3A_3 = vector.shape_cast %get3A_2 : vector<1x512x128xf32> to vector<512x128xf32>
    %get3A_4 = arith.constant 1 : index
    %get3A_5 = arith.constant 0 : index
    %get3A_6 = arith.constant 0 : index
    %get3A_7 = vector.load %arg1[%get3A_4, %get3A_5, %get3A_6] : memref<2x512x128xf32, #tpu.memory_space<vmem>>, vector<1x512x128xf32>
    %get3A_8 = vector.shape_cast %get3A_7 : vector<1x512x128xf32> to vector<512x128xf32>
    %concatenate3A = tpu.concatenate %get3A_3, %get3A_8 in 1 : vector<512x128xf32>, vector<512x128xf32> -> vector<512x256xf32>
    %get3A_9 = arith.constant 0 : index
    %get3A_10 = arith.constant 0 : index
    %get3A_11 = arith.constant 0 : index
    %get3A_12 = vector.load %arg2[%get3A_9, %get3A_10, %get3A_11] : memref<2x512x128xf32, #tpu.memory_space<vmem>>, vector<1x512x128xf32>
    %get3A_13 = vector.shape_cast %get3A_12 : vector<1x512x128xf32> to vector<512x128xf32>
    %get3A_14 = arith.constant 1 : index
    %get3A_15 = arith.constant 0 : index
    %get3A_16 = arith.constant 0 : index
    %get3A_17 = vector.load %arg2[%get3A_14, %get3A_15, %get3A_16] : memref<2x512x128xf32, #tpu.memory_space<vmem>>, vector<1x512x128xf32>
    %get3A_18 = vector.shape_cast %get3A_17 : vector<1x512x128xf32> to vector<512x128xf32>
    %concatenate3A_19 = tpu.concatenate %get3A_13, %get3A_18 in 1 : vector<512x128xf32>, vector<512x128xf32> -> vector<512x256xf32>
    %get3A_20 = arith.constant 0 : index
    %get3A_21 = arith.constant 0 : index
    %get3A_22 = arith.constant 0 : index
    %get3A_23 = vector.load %arg3[%get3A_20, %get3A_21, %get3A_22] : memref<2x512x128xf32, #tpu.memory_space<vmem>>, vector<1x512x128xf32>
    %get3A_24 = vector.shape_cast %get3A_23 : vector<1x512x128xf32> to vector<512x128xf32>
    %slice3A = vector.extract_strided_slice %get3A_24 {offsets = [0, 2], sizes = [512, 1], strides = [1, 1]} : vector<512x128xf32> to vector<512x1xf32>
    %get3A_25 = arith.constant 1 : index
    %get3A_26 = arith.constant 0 : index
    %get3A_27 = arith.constant 0 : index
    %get3A_28 = vector.load %arg3[%get3A_25, %get3A_26, %get3A_27] : memref<2x512x128xf32, #tpu.memory_space<vmem>>, vector<1x512x128xf32>
    %get3A_29 = vector.shape_cast %get3A_28 : vector<1x512x128xf32> to vector<512x128xf32>
    %slice3A_30 = vector.extract_strided_slice %get3A_29 {offsets = [0, 2], sizes = [512, 1], strides = [1, 1]} : vector<512x128xf32> to vector<512x1xf32>
    %add3A = arith.addf %slice3A, %slice3A_30 : vector<512x1xf32>
    %max3A = arith.constant 1.000000e+00 : f32
    %max3A_31 = vector.broadcast %max3A : f32 to vector<512x1xf32>
    %max3A_32 = arith.maximumf %add3A, %max3A_31 : vector<512x1xf32>
    %div3A = arith.constant 1.000000e+00 : f32
    %div3A_33 = vector.broadcast %div3A : f32 to vector<512x1xf32>
    %div3A_34 = arith.divf %div3A_33, %max3A_32 : vector<512x1xf32>
    %mul3A = vector.broadcast %div3A_34 : vector<512x1xf32> to vector<512x256xf32>
    %mul3A_35 = arith.mulf %concatenate3A, %mul3A : vector<512x256xf32>
    %get3A_36 = arith.constant 0 : index
    %get3A_37 = arith.constant 0 : index
    %get3A_38 = vector.load %arg4[%get3A_36, %get3A_37] : memref<256x256xf32, #tpu.memory_space<vmem>>, vector<256x256xf32>
    %dot_general3A = arith.constant dense<0.000000e+00> : vector<512x256xf32>
    %dot_general3A_39 = tpu.matmul %mul3A_35, %get3A_38, %dot_general3A {dimension_numbers = #tpu.dot_dimension_numbers<[1], [0], [0], [1], [0, 0, 1, 1], [], []>, transpose_lhs_hint = false} : vector<512x256xf32>, vector<256x256xf32>, vector<512x256xf32> -> vector<512x256xf32>
    %get3A_40 = arith.constant 0 : index
    %get3A_41 = arith.constant 0 : index
    %get3A_42 = vector.load %arg5[%get3A_40, %get3A_41] : memref<256x256xf32, #tpu.memory_space<vmem>>, vector<256x256xf32>
    %dot_general3A_43 = arith.constant dense<0.000000e+00> : vector<512x256xf32>
    %dot_general3A_44 = tpu.matmul %concatenate3A_19, %get3A_42, %dot_general3A_43 {dimension_numbers = #tpu.dot_dimension_numbers<[1], [0], [0], [1], [0, 0, 1, 1], [], []>, transpose_lhs_hint = false} : vector<512x256xf32>, vector<256x256xf32>, vector<512x256xf32> -> vector<512x256xf32>
    %add3A_45 = arith.addf %dot_general3A_39, %dot_general3A_44 : vector<512x256xf32>
    %get3A_46 = arith.constant 0 : index
    %get3A_47 = arith.constant 0 : index
    %get3A_48 = vector.load %arg6[%get3A_46, %get3A_47] : memref<1x256xf32, #tpu.memory_space<vmem>>, vector<1x256xf32>
    %add3A_49 = vector.broadcast %get3A_48 : vector<1x256xf32> to vector<512x256xf32>
    %add3A_50 = arith.addf %add3A_45, %add3A_49 : vector<512x256xf32>
    %max3A_51 = arith.constant 0.000000e+00 : f32
    %max3A_52 = vector.broadcast %max3A_51 : f32 to vector<512x256xf32>
    %max3A_53 = arith.maximumf %add3A_50, %max3A_52 : vector<512x256xf32>
    %slice3A_54 = vector.extract_strided_slice %max3A_53 {offsets = [0, 0], sizes = [512, 128], strides = [1, 1]} : vector<512x256xf32> to vector<512x128xf32>
    %swap3A = arith.constant 0 : index
    %swap3A_55 = arith.constant 0 : index
    %swap3A_56 = arith.constant 0 : index
    %swap3A_57 = vector.load %arg7[%swap3A, %swap3A_55, %swap3A_56] : memref<2x512x128xf32, #tpu.memory_space<vmem>>, vector<1x512x128xf32>
    %swap3A_58 = vector.shape_cast %swap3A_57 : vector<1x512x128xf32> to vector<512x128xf32>
    %swap3A_59 = vector.shape_cast %slice3A_54 : vector<512x128xf32> to vector<1x512x128xf32>
    tpu.vector_store %arg7[%swap3A, %swap3A_55, %swap3A_56], %swap3A_59 {strides = array<i32>} : memref<2x512x128xf32, #tpu.memory_space<vmem>>, vector<1x512x128xf32>,
    %slice3A_60 = vector.extract_strided_slice %max3A_53 {offsets = [0, 128], sizes = [512, 128], strides = [1, 1]} : vector<512x256xf32> to vector<512x128xf32>
    %swap3A_61 = arith.constant 1 : index
    %swap3A_62 = arith.constant 0 : index
    %swap3A_63 = arith.constant 0 : index
    %swap3A_64 = vector.load %arg7[%swap3A_61, %swap3A_62, %swap3A_63] : memref<2x512x128xf32, #tpu.memory_space<vmem>>, vector<1x512x128xf32>
    %swap3A_65 = vector.shape_cast %swap3A_64 : vector<1x512x128xf32> to vector<512x128xf32>
    %swap3A_66 = vector.shape_cast %slice3A_60 : vector<512x128xf32> to vector<1x512x128xf32>
    tpu.vector_store %arg7[%swap3A_61, %swap3A_62, %swap3A_63], %swap3A_66 {strides = array<i32>} : memref<2x512x128xf32, #tpu.memory_space<vmem>>, vector<1x512x128xf32>,
    return
  }
  func.func @transform_0(%arg0: i32) -> (i32, i32, i32) {
    %c0_i32 = arith.constant 0 : i32
    %c0_i32_0 = arith.constant 0 : i32
    %c0_i32_1 = arith.constant 0 : i32
    return %c0_i32, %arg0, %c0_i32_0 : i32, i32, i32
  }
  func.func @transform_1(%arg0: i32) -> (i32, i32, i32) {
    %c0_i32 = arith.constant 0 : i32
    %c0_i32_0 = arith.constant 0 : i32
    %c0_i32_1 = arith.constant 0 : i32
    return %c0_i32, %arg0, %c0_i32_0 : i32, i32, i32
  }
  func.func @transform_2(%arg0: i32) -> (i32, i32, i32) {
    %c0_i32 = arith.constant 0 : i32
    %c0_i32_0 = arith.constant 0 : i32
    %c0_i32_1 = arith.constant 0 : i32
    return %c0_i32, %arg0, %c0_i32_0 : i32, i32, i32
  }
  func.func @transform_3(%arg0: i32) -> (i32, i32) {
    %c0_i32 = arith.constant 0 : i32
    %c0_i32_0 = arith.constant 0 : i32
    %c0_i32_1 = arith.constant 0 : i32
    return %c0_i32, %c0_i32_0 : i32, i32
  }
  func.func @transform_4(%arg0: i32) -> (i32, i32) {
    %c0_i32 = arith.constant 0 : i32
    %c0_i32_0 = arith.constant 0 : i32
    %c0_i32_1 = arith.constant 0 : i32
    return %c0_i32, %c0_i32_0 : i32, i32
  }
  func.func @transform_5(%arg0: i32) -> (i32, i32) {
    %c0_i32 = arith.constant 0 : i32
    %c0_i32_0 = arith.constant 0 : i32
    %c0_i32_1 = arith.constant 0 : i32
    return %c0_i32, %c0_i32_0 : i32, i32
  }
  func.func @transform_6(%arg0: i32) -> (i32, i32, i32) {
    %c0_i32 = arith.constant 0 : i32
    %c0_i32_0 = arith.constant 0 : i32
    %c0_i32_1 = arith.constant 0 : i32
    return %c0_i32, %arg0, %c0_i32_0 : i32, i32, i32
  }
}

module attributes {stable_mosaic.version = 14 : i64} {
  func.func @_final_body(%arg0: i32, %arg1: memref<2x512x128xf32, #tpu.memory_space<vmem>>, %arg2: memref<2x512x128xf32, #tpu.memory_space<vmem>>, %arg3: memref<2x512x128xf32, #tpu.memory_space<vmem>>, %arg4: memref<1x1x512xi32, #tpu.memory_space<vmem>>, %arg5: memref<256x256xf32, #tpu.memory_space<vmem>>, %arg6: memref<256x256xf32, #tpu.memory_space<vmem>>, %arg7: memref<1x256xf32, #tpu.memory_space<vmem>>, %arg8: memref<64x256xf32, #tpu.memory_space<vmem>>, %arg9: memref<64x256xf32, #tpu.memory_space<vmem>>, %arg10: memref<64x1xf32, #tpu.memory_space<vmem>>) attributes {dimension_semantics = [#tpu.dimension_semantics<arbitrary>], iteration_bounds = array<i64: 20>, scalar_prefetch = 0 : i64, scratch_operands = 2 : i64, tpu.core_type = #tpu.core_type<tc>, window_params = [{transform_indices = @transform_0, window_bounds = array<i64: 2, 512, 128>}, {transform_indices = @transform_1, window_bounds = array<i64: 2, 512, 128>}, {transform_indices = @transform_2, window_bounds = array<i64: 2, 512, 128>}, {transform_indices = @transform_3, window_bounds = array<i64: 1, 1, 512>}, {pipeline_mode = #tpu.pipeline_mode<synchronous>, transform_indices = @transform_4, window_bounds = array<i64: 256, 256>}, {pipeline_mode = #tpu.pipeline_mode<synchronous>, transform_indices = @transform_5, window_bounds = array<i64: 256, 256>}, {pipeline_mode = #tpu.pipeline_mode<synchronous>, transform_indices = @transform_6, window_bounds = array<i64: 1, 256>}, {pipeline_mode = #tpu.pipeline_mode<synchronous>, transform_indices = @transform_7, window_bounds = array<i64: 64, 256>}]} {
    %eq3A = arith.constant 0 : i32
    %eq3A_0 = arith.cmpi eq, %arg0, %eq3A : i32
    %convert_element_type3A = arith.extui %eq3A_0 : i1 to i32
    %cond3A = arith.constant 0 : i32
    %cond3A_1 = arith.cmpi ne, %convert_element_type3A, %cond3A : i32
    scf.if %cond3A_1 {
      %broadcast_in_dim3A_84 = arith.constant 0.000000e+00 : f32
      %broadcast_in_dim3A_85 = vector.broadcast %broadcast_in_dim3A_84 : f32 to vector<64x256xf32>
      %swap3A_86 = arith.constant 0 : index
      %swap3A_87 = arith.constant 0 : index
      %swap3A_88 = vector.load %arg9[%swap3A_86, %swap3A_87] : memref<64x256xf32, #tpu.memory_space<vmem>>, vector<64x256xf32>
      tpu.vector_store %arg9[%swap3A_86, %swap3A_87], %broadcast_in_dim3A_85 {strides = array<i32>} : memref<64x256xf32, #tpu.memory_space<vmem>>, vector<64x256xf32>,
      %broadcast_in_dim3A_89 = arith.constant 0.000000e+00 : f32
      %broadcast_in_dim3A_90 = vector.broadcast %broadcast_in_dim3A_89 : f32 to vector<64x1xf32>
      %swap3A_91 = arith.constant 0 : index
      %swap3A_92 = arith.constant 0 : index
      %swap3A_93 = vector.load %arg10[%swap3A_91, %swap3A_92] : memref<64x1xf32, #tpu.memory_space<vmem>>, vector<64x1xf32>
      tpu.vector_store %arg10[%swap3A_91, %swap3A_92], %broadcast_in_dim3A_90 {strides = array<i32>} : memref<64x1xf32, #tpu.memory_space<vmem>>, vector<64x1xf32>,
    } else {
    }
    %get3A = arith.constant 0 : index
    %get3A_2 = arith.constant 0 : index
    %get3A_3 = arith.constant 0 : index
    %get3A_4 = vector.load %arg1[%get3A, %get3A_2, %get3A_3] : memref<2x512x128xf32, #tpu.memory_space<vmem>>, vector<1x512x128xf32>
    %get3A_5 = vector.shape_cast %get3A_4 : vector<1x512x128xf32> to vector<512x128xf32>
    %get3A_6 = arith.constant 1 : index
    %get3A_7 = arith.constant 0 : index
    %get3A_8 = arith.constant 0 : index
    %get3A_9 = vector.load %arg1[%get3A_6, %get3A_7, %get3A_8] : memref<2x512x128xf32, #tpu.memory_space<vmem>>, vector<1x512x128xf32>
    %get3A_10 = vector.shape_cast %get3A_9 : vector<1x512x128xf32> to vector<512x128xf32>
    %concatenate3A = tpu.concatenate %get3A_5, %get3A_10 in 1 : vector<512x128xf32>, vector<512x128xf32> -> vector<512x256xf32>
    %get3A_11 = arith.constant 0 : index
    %get3A_12 = arith.constant 0 : index
    %get3A_13 = arith.constant 0 : index
    %get3A_14 = vector.load %arg2[%get3A_11, %get3A_12, %get3A_13] : memref<2x512x128xf32, #tpu.memory_space<vmem>>, vector<1x512x128xf32>
    %get3A_15 = vector.shape_cast %get3A_14 : vector<1x512x128xf32> to vector<512x128xf32>
    %get3A_16 = arith.constant 1 : index
    %get3A_17 = arith.constant 0 : index
    %get3A_18 = arith.constant 0 : index
    %get3A_19 = vector.load %arg2[%get3A_16, %get3A_17, %get3A_18] : memref<2x512x128xf32, #tpu.memory_space<vmem>>, vector<1x512x128xf32>
    %get3A_20 = vector.shape_cast %get3A_19 : vector<1x512x128xf32> to vector<512x128xf32>
    %concatenate3A_21 = tpu.concatenate %get3A_15, %get3A_20 in 1 : vector<512x128xf32>, vector<512x128xf32> -> vector<512x256xf32>
    %get3A_22 = arith.constant 0 : index
    %get3A_23 = arith.constant 0 : index
    %get3A_24 = arith.constant 0 : index
    %get3A_25 = vector.load %arg3[%get3A_22, %get3A_23, %get3A_24] : memref<2x512x128xf32, #tpu.memory_space<vmem>>, vector<1x512x128xf32>
    %get3A_26 = vector.shape_cast %get3A_25 : vector<1x512x128xf32> to vector<512x128xf32>
    %slice3A = vector.extract_strided_slice %get3A_26 {offsets = [0, 2], sizes = [512, 1], strides = [1, 1]} : vector<512x128xf32> to vector<512x1xf32>
    %get3A_27 = arith.constant 1 : index
    %get3A_28 = arith.constant 0 : index
    %get3A_29 = arith.constant 0 : index
    %get3A_30 = vector.load %arg3[%get3A_27, %get3A_28, %get3A_29] : memref<2x512x128xf32, #tpu.memory_space<vmem>>, vector<1x512x128xf32>
    %get3A_31 = vector.shape_cast %get3A_30 : vector<1x512x128xf32> to vector<512x128xf32>
    %slice3A_32 = vector.extract_strided_slice %get3A_31 {offsets = [0, 2], sizes = [512, 1], strides = [1, 1]} : vector<512x128xf32> to vector<512x1xf32>
    %add3A = arith.addf %slice3A, %slice3A_32 : vector<512x1xf32>
    %max3A = arith.constant 1.000000e+00 : f32
    %max3A_33 = vector.broadcast %max3A : f32 to vector<512x1xf32>
    %max3A_34 = arith.maximumf %add3A, %max3A_33 : vector<512x1xf32>
    %div3A = arith.constant 1.000000e+00 : f32
    %div3A_35 = vector.broadcast %div3A : f32 to vector<512x1xf32>
    %div3A_36 = arith.divf %div3A_35, %max3A_34 : vector<512x1xf32>
    %mul3A = vector.broadcast %div3A_36 : vector<512x1xf32> to vector<512x256xf32>
    %mul3A_37 = arith.mulf %concatenate3A, %mul3A : vector<512x256xf32>
    %get3A_38 = arith.constant 0 : index
    %get3A_39 = arith.constant 0 : index
    %get3A_40 = vector.load %arg5[%get3A_38, %get3A_39] : memref<256x256xf32, #tpu.memory_space<vmem>>, vector<256x256xf32>
    %dot_general3A = arith.constant dense<0.000000e+00> : vector<512x256xf32>
    %dot_general3A_41 = tpu.matmul %mul3A_37, %get3A_40, %dot_general3A {dimension_numbers = #tpu.dot_dimension_numbers<[1], [0], [0], [1], [0, 0, 1, 1], [], []>, transpose_lhs_hint = false} : vector<512x256xf32>, vector<256x256xf32>, vector<512x256xf32> -> vector<512x256xf32>
    %get3A_42 = arith.constant 0 : index
    %get3A_43 = arith.constant 0 : index
    %get3A_44 = vector.load %arg6[%get3A_42, %get3A_43] : memref<256x256xf32, #tpu.memory_space<vmem>>, vector<256x256xf32>
    %dot_general3A_45 = arith.constant dense<0.000000e+00> : vector<512x256xf32>
    %dot_general3A_46 = tpu.matmul %concatenate3A_21, %get3A_44, %dot_general3A_45 {dimension_numbers = #tpu.dot_dimension_numbers<[1], [0], [0], [1], [0, 0, 1, 1], [], []>, transpose_lhs_hint = false} : vector<512x256xf32>, vector<256x256xf32>, vector<512x256xf32> -> vector<512x256xf32>
    %add3A_47 = arith.addf %dot_general3A_41, %dot_general3A_46 : vector<512x256xf32>
    %get3A_48 = arith.constant 0 : index
    %get3A_49 = arith.constant 0 : index
    %get3A_50 = vector.load %arg7[%get3A_48, %get3A_49] : memref<1x256xf32, #tpu.memory_space<vmem>>, vector<1x256xf32>
    %add3A_51 = vector.broadcast %get3A_50 : vector<1x256xf32> to vector<512x256xf32>
    %add3A_52 = arith.addf %add3A_47, %add3A_51 : vector<512x256xf32>
    %get3A_53 = arith.constant 0 : index
    %get3A_54 = arith.constant 0 : index
    %get3A_55 = arith.constant 0 : index
    %get3A_56 = vector.load %arg4[%get3A_53, %get3A_54, %get3A_55] : memref<1x1x512xi32, #tpu.memory_space<vmem>>, vector<1x1x512xi32>
    %get3A_57 = vector.shape_cast %get3A_56 : vector<1x1x512xi32> to vector<512xi32>
    %iota3A = tpu.iota {dimensions = array<i32: 0>} : vector<64x512xi32>
    %broadcast_in_dim3A = vector.shape_cast %get3A_57 : vector<512xi32> to vector<1x512xi32>
    %eq3A_58 = vector.broadcast %broadcast_in_dim3A : vector<1x512xi32> to vector<64x512xi32>
    %eq3A_59 = arith.cmpi eq, %iota3A, %eq3A_58 : vector<64x512xi32>
    %convert_element_type3A_60 = arith.extui %eq3A_59 : vector<64x512xi1> to vector<64x512xi32>
    %convert_element_type3A_61 = arith.sitofp %convert_element_type3A_60 : vector<64x512xi32> to vector<64x512xf32>
    %get3A_62 = arith.constant 0 : index
    %get3A_63 = arith.constant 0 : index
    %get3A_64 = vector.load %arg9[%get3A_62, %get3A_63] : memref<64x256xf32, #tpu.memory_space<vmem>>, vector<64x256xf32>
    %dot_general3A_65 = arith.constant dense<0.000000e+00> : vector<64x256xf32>
    %dot_general3A_66 = tpu.matmul %convert_element_type3A_61, %add3A_52, %dot_general3A_65 {dimension_numbers = #tpu.dot_dimension_numbers<[1], [0], [0], [1], [0, 0, 1, 1], [], []>, transpose_lhs_hint = false} : vector<64x512xf32>, vector<512x256xf32>, vector<64x256xf32> -> vector<64x256xf32>
    %add3A_67 = arith.addf %get3A_64, %dot_general3A_66 : vector<64x256xf32>
    %swap3A = arith.constant 0 : index
    %swap3A_68 = arith.constant 0 : index
    %swap3A_69 = vector.load %arg9[%swap3A, %swap3A_68] : memref<64x256xf32, #tpu.memory_space<vmem>>, vector<64x256xf32>
    tpu.vector_store %arg9[%swap3A, %swap3A_68], %add3A_67 {strides = array<i32>} : memref<64x256xf32, #tpu.memory_space<vmem>>, vector<64x256xf32>,
    %get3A_70 = arith.constant 0 : index
    %get3A_71 = arith.constant 0 : index
    %get3A_72 = vector.load %arg10[%get3A_70, %get3A_71] : memref<64x1xf32, #tpu.memory_space<vmem>>, vector<64x1xf32>
    %reduce_sum3A = arith.constant dense<0.000000e+00> : vector<64xf32>
    %reduce_sum3A_73 = vector.multi_reduction <add>, %convert_element_type3A_61, %reduce_sum3A [1] : vector<64x512xf32> to vector<64xf32>
    %broadcast_in_dim3A_74 = vector.shape_cast %reduce_sum3A_73 : vector<64xf32> to vector<64x1xf32>
    %add3A_75 = arith.addf %get3A_72, %broadcast_in_dim3A_74 : vector<64x1xf32>
    %swap3A_76 = arith.constant 0 : index
    %swap3A_77 = arith.constant 0 : index
    %swap3A_78 = vector.load %arg10[%swap3A_76, %swap3A_77] : memref<64x1xf32, #tpu.memory_space<vmem>>, vector<64x1xf32>
    tpu.vector_store %arg10[%swap3A_76, %swap3A_77], %add3A_75 {strides = array<i32>} : memref<64x1xf32, #tpu.memory_space<vmem>>, vector<64x1xf32>,
    %eq3A_79 = arith.constant 19 : i32
    %eq3A_80 = arith.cmpi eq, %arg0, %eq3A_79 : i32
    %convert_element_type3A_81 = arith.extui %eq3A_80 : i1 to i32
    %cond3A_82 = arith.constant 0 : i32
    %cond3A_83 = arith.cmpi ne, %convert_element_type3A_81, %cond3A_82 : i32
    scf.if %cond3A_83 {
      %get3A_84 = arith.constant 0 : index
      %get3A_85 = arith.constant 0 : index
      %get3A_86 = vector.load %arg9[%get3A_84, %get3A_85] : memref<64x256xf32, #tpu.memory_space<vmem>>, vector<64x256xf32>
      %get3A_87 = arith.constant 0 : index
      %get3A_88 = arith.constant 0 : index
      %get3A_89 = vector.load %arg10[%get3A_87, %get3A_88] : memref<64x1xf32, #tpu.memory_space<vmem>>, vector<64x1xf32>
      %max3A_90 = arith.constant 1.000000e+00 : f32
      %max3A_91 = vector.broadcast %max3A_90 : f32 to vector<64x1xf32>
      %max3A_92 = arith.maximumf %get3A_89, %max3A_91 : vector<64x1xf32>
      %div3A_93 = vector.broadcast %max3A_92 : vector<64x1xf32> to vector<64x256xf32>
      %div3A_94 = arith.divf %get3A_86, %div3A_93 : vector<64x256xf32>
      %swap3A_95 = arith.constant 0 : index
      %swap3A_96 = arith.constant 0 : index
      %swap3A_97 = vector.load %arg8[%swap3A_95, %swap3A_96] : memref<64x256xf32, #tpu.memory_space<vmem>>, vector<64x256xf32>
      tpu.vector_store %arg8[%swap3A_95, %swap3A_96], %div3A_94 {strides = array<i32>} : memref<64x256xf32, #tpu.memory_space<vmem>>, vector<64x256xf32>,
    } else {
    }
    return
  }
  func.func @transform_0(%arg0: i32) -> (i32, i32, i32) {
    %c0_i32 = arith.constant 0 : i32
    %c0_i32_0 = arith.constant 0 : i32
    %c0_i32_1 = arith.constant 0 : i32
    return %c0_i32, %arg0, %c0_i32_0 : i32, i32, i32
  }
  func.func @transform_1(%arg0: i32) -> (i32, i32, i32) {
    %c0_i32 = arith.constant 0 : i32
    %c0_i32_0 = arith.constant 0 : i32
    %c0_i32_1 = arith.constant 0 : i32
    return %c0_i32, %arg0, %c0_i32_0 : i32, i32, i32
  }
  func.func @transform_2(%arg0: i32) -> (i32, i32, i32) {
    %c0_i32 = arith.constant 0 : i32
    %c0_i32_0 = arith.constant 0 : i32
    %c0_i32_1 = arith.constant 0 : i32
    return %c0_i32, %arg0, %c0_i32_0 : i32, i32, i32
  }
  func.func @transform_3(%arg0: i32) -> (i32, i32, i32) {
    %c0_i32 = arith.constant 0 : i32
    %c0_i32_0 = arith.constant 0 : i32
    %c0_i32_1 = arith.constant 0 : i32
    return %arg0, %c0_i32, %c0_i32_0 : i32, i32, i32
  }
  func.func @transform_4(%arg0: i32) -> (i32, i32) {
    %c0_i32 = arith.constant 0 : i32
    %c0_i32_0 = arith.constant 0 : i32
    %c0_i32_1 = arith.constant 0 : i32
    return %c0_i32, %c0_i32_0 : i32, i32
  }
  func.func @transform_5(%arg0: i32) -> (i32, i32) {
    %c0_i32 = arith.constant 0 : i32
    %c0_i32_0 = arith.constant 0 : i32
    %c0_i32_1 = arith.constant 0 : i32
    return %c0_i32, %c0_i32_0 : i32, i32
  }
  func.func @transform_6(%arg0: i32) -> (i32, i32) {
    %c0_i32 = arith.constant 0 : i32
    %c0_i32_0 = arith.constant 0 : i32
    %c0_i32_1 = arith.constant 0 : i32
    return %c0_i32, %c0_i32_0 : i32, i32
  }
  func.func @transform_7(%arg0: i32) -> (i32, i32) {
    %c0_i32 = arith.constant 0 : i32
    %c0_i32_0 = arith.constant 0 : i32
    %c0_i32_1 = arith.constant 0 : i32
    return %c0_i32, %c0_i32_0 : i32, i32
  }
}

</mosaic_0001>

<sc_bundles>
// kernel: kernel.11.cloned.1.call-start
scs
__scs_entry_jumppad:
0x0: {  	(pc) =	sbr.rel $0x88, $3  }
0x1: {  	(tag) =	ssettag $0x0;
	lr =	simm.s32 $0x1  }
0x2: {  	[smem:$0x3F95] =	sst lr;
	_ =	strace $0xD0000000  }
0x3: {  	_ = 	snop  }
0x4: {  	_ = 	snop  }
0x5: {  	_ = 	snop  }
0x6: {  	_ = 	snop  }
0x7: {  	_ = 	snop  }
__scs_overlays_trampoline_lowered:
0x8: {  	[smem:$0x3FA4] =	sst s0  }
0x9: {  	[smem:$0x3FA5] =	sst s1  }
0xa: {  	[smem:$0x3FA6] =	sst s2  }
0xb: {  	[smem:$0x3FA7] =	sst s3  }
0xc: {  	[smem:$0x3FA8] =	sst s4  }
0xd: {  	[smem:$0x3FA9] =	sst s5  }
0xe: {  	[smem:$0x3FAA] =	sst s6  }
0xf: {  	[smem:$0x3FAB] =	sst s7  }
0x10: {  	[smem:$0x3FAC] =	sst s8  }
0x11: {  	[smem:$0x3FAD] =	sst s9;
	s0 =	simm.s32 @!p0 $0x0  }
0x12: {  	s1 =	sld [smem:$0x3F93];
	s0 =	simm.s32 @p0 $0x1  }
0x13: {  	[smem:$0x3FAE] =	sst s0;
	s0 =	simm.s32 @!p1 $0x0  }
0x14: {  	s2 =	sld [smem:$0x3F92];
	s0 =	simm.s32 @p1 $0x1  }
0x15: {  	[smem:$0x3FAF] =	sst s0;
	s0 =	simm.s32 @!p2 $0x0  }
0x16: {  	s3 =	sld [smem:$0x3FDB];
	s0 =	simm.s32 @p2 $0x1  }
0x17: {  	s4 =	simm.s32 $0x1BF5;
	[smem:$0x3FB1] =	sst s0  }
0x18: {  	s0 =	sld [smem:$0x3F94];
	_ =	swait.ge [sflag:s4], $0x0  }
0x19: {  	s7 =	sld [smem:$0x3F95]  }
0x1a: {  	s8 =	sadd.s32 $0xFFFFE003, lr  }
0x1b: {  	s9 =	sadd.s32 $0xFFFFFEF7, lr;
	s5 =	simm.s32 $0xFFFFFFFF;
	p2 =	slt.u32 s8, $0xFFFFF086  }
0x1c: {  	p1 =	slt.u32 s9, $0xF7A;
	s5 =	simm.s32 @!p2 $0x0  }
0x1d: {  	s5 =	simm.s32 @p1 $0x1;
	p0 =	seq.s32 s7, s2  }
0x1e: {  	s7 =	smul.u32 @!p0 $0xF7A, s2;
	p2 =	seq.s32 @!p0 s5, $0x0  }
0x1f: {  	s9 =	smul.u32 $0xF7A, s1;
	s8 =	simm.s32 @!p0 $0x1BF5;
	p2 =	por !p2, p0  }
0x20: {  	[sflag:s8] =	ssyncset.s32 @!p0 $0xFFFFF086;
	s6 =	sadd.s32 @!p0 s3, s7;
	s7 =	simm.s32 @!p0 $0x108  }
0x21: {  	s3 =	sadd.s32 s3, s9;
	s6 =	sadd.s32 @!p0 $0x88, s6;
	s7 =	simm.s32 @p2 $0x1082  }
0x22: {  	[simem:s7], [sflag:s8] =	dma.local @!p0 [hbm:s6], $0xF7A  }
0x23: {  	s9 =	sor.u32 $0xD0000000, s2;
	s6 =	simm.s32 $0x108;
	_ =	swait.ge @!p0 [sflag:s8], $0x0  }
0x24: {  	s3 =	sadd.s32 $0x88, s3;
	s6 =	simm.s32 @!p1 $0x1082;
	[sflag:s4] =	ssyncset.s32 $0xFFFFF086  }
0x25: {  	[simem:s6], [sflag:s4] =	dma.local [hbm:s3], $0xF7A  }
0x26: {  	[smem:$0x3F95] =	sst s1;
	(tag) =	ssettag s2;
	_ =	strace s9  }
0x27: {  	s1 =	sld [smem:$0x3FA5]  }
0x28: {  	s2 =	sld [smem:$0x3FA6]  }
0x29: {  	s4 =	sld [smem:$0x3FA8]  }
0x2a: {  	p0 =	seq.s32 s5, $0x0;
	s5 =	sld [smem:$0x3FA9]  }
0x2b: {  	s6 =	sld [smem:$0x3FAA]  }
0x2c: {  	s7 =	sld [smem:$0x3FAB]  }
0x2d: {  	s3 =	simm.s32 $0x108;
	s8 =	sld [smem:$0x3FAC]  }
0x2e: {  	s3 =	simm.s32 @!p0 $0x1082;
	s9 =	sld [smem:$0x3FAD]  }
0x2f: {  	lr =	sadd.s32 s0, s3;
	s0 =	sld [smem:$0x3FA4]  }
0x30: {  	s3 =	sld [smem:$0x3FA7]  }
0x31: {  	[smem:$0x3FB0] =	sst s10  }
0x32: {  	s10 =	sld [smem:$0x3FAE];
	_ =	sdelay $0x3  }
0x33: {  	p0 =	seq.s32 s10, $0x1;
	s10 =	sld [smem:$0x3FB0];
	_ =	sdelay $0x3  }
0x34: {  	[smem:$0x3FB0] =	sst s10  }
0x35: {  	s10 =	sld [smem:$0x3FAF];
	_ =	sdelay $0x3  }
0x36: {  	p1 =	seq.s32 s10, $0x1;
	s10 =	sld [smem:$0x3FB0];
	_ =	sdelay $0x3  }
0x37: {  	[smem:$0x3FB0] =	sst s10  }
0x38: {  	s10 =	sld [smem:$0x3FB1]  }
0x39: {  	_ = 	snop;
	(pc) =	sbr.ind lr, $3  }
0x3a: {  	_ = 	snop  }
0x3b: {  	_ = 	snop  }
0x3c: {  	p2 =	seq.s32 s10, $0x1;
	s10 =	sld [smem:$0x3FB0]  }
0x3d: {  	_ =	shalt  }
0x3e: {  	_ =	shalt  }
0x3f: {  	_ =	shalt  }
0x40: {  	_ =	shalt  }
0x41: {  	_ =	shalt  }
0x42: {  	_ =	shalt  }
0x43: {  	_ =	shalt  }
0x44: {  	_ =	shalt  }
0x45: {  	_ =	shalt  }
0x46: {  	_ =	shalt  }
0x47: {  	_ =	shalt  }
0x48: {  	_ =	shalt  }
0x49: {  	_ =	shalt  }
0x4a: {  	_ =	shalt  }
0x4b: {  	_ =	shalt  }
0x4c: {  	_ =	shalt  }
0x4d: {  	_ =	shalt  }
0x4e: {  	_ =	shalt  }
0x4f: {  	_ =	shalt  }
0x50: {  	_ =	shalt  }
0x51: {  	_ =	shalt  }
0x52: {  	_ =	shalt  }
0x53: {  	_ =	shalt  }
0x54: {  	_ =	shalt  }
0x55: {  	_ =	shalt  }
0x56: {  	_ =	shalt  }
0x57: {  	_ =	shalt  }
0x58: {  	_ =	shalt  }
0x59: {  	_ =	shalt  }
0x5a: {  	_ =	shalt  }
0x5b: {  	_ =	shalt  }
0x5c: {  	_ =	shalt  }
0x5d: {  	_ =	shalt  }
0x5e: {  	_ =	shalt  }
0x5f: {  	_ =	shalt  }
0x60: {  	_ =	shalt  }
0x61: {  	_ =	shalt  }
0x62: {  	_ =	shalt  }
0x63: {  	_ =	shalt  }
0x64: {  	_ =	shalt  }
0x65: {  	_ =	shalt  }
0x66: {  	_ =	shalt  }
0x67: {  	_ =	shalt  }
0x68: {  	_ =	shalt  }
0x69: {  	_ =	shalt  }
0x6a: {  	_ =	shalt  }
0x6b: {  	_ =	shalt  }
0x6c: {  	_ =	shalt  }
0x6d: {  	_ =	shalt  }
0x6e: {  	_ =	shalt  }
0x6f: {  	_ =	shalt  }
0x70: {  	_ =	shalt  }
0x71: {  	_ =	shalt  }
0x72: {  	_ =	shalt  }
0x73: {  	_ =	shalt  }
0x74: {  	_ =	shalt  }
0x75: {  	_ =	shalt  }
0x76: {  	_ =	shalt  }
0x77: {  	_ =	shalt  }
0x78: {  	_ =	shalt  }
0x79: {  	_ =	shalt  }
0x7a: {  	_ =	shalt  }
0x7b: {  	_ =	shalt  }
0x7c: {  	_ =	shalt  }
0x7d: {  	_ =	shalt  }
0x7e: {  	_ =	shalt  }
0x7f: {  	_ =	shalt  }
0x80: {  	_ =	shalt  }
0x81: {  	_ =	shalt  }
0x82: {  	_ =	shalt  }
0x83: {  	_ =	shalt  }
0x84: {  	_ =	shalt  }
0x85: {  	_ =	shalt  }
0x86: {  	_ =	shalt  }
0x87: {  	_ =	shalt  }
.Lfunc_end0:
.L_simem_size_0:
called_computation.1_lowered:
.L_overlay_start_0:
0x88: {  	s2 =	sld [smem:$0x3FD9]  }
0x89: {  	s3 =	sld [smem:$0x3FFE];
	_ =	sdelay $0x1  }
0x8a: {  	s1 =	srdreg.scid  }
0x8b: {  	s0 =	sand.u32 $0x1, s1  }
0x8c: {  	s16 =	sshll.u32 s0, $0xA;
	s2 =	sadd.s32 s3, s2  }
0x8d: {  	s2 =	sadd.s32 s2, s16  }
0x8e: {  	[smem:$0x3FBC] =	sst s2  }
0x8f: {  	_ = 	snop  }
0x90: {  	(tm) =	ssettm $0x1  }
0x91: {  	s17 =	sld [smem:$0x3FFB];
	_ =	sdelay $0x3  }
0x92: {  	_ =	strace s17  }
0x93: {  	s2 =	sld [smem:$0x3FFC];
	_ =	sdelay $0x3  }
0x94: {  	_ =	strace s2  }
0x95: {  	s2 =	sld [smem:$0x3FFD];
	_ =	sdelay $0x3  }
0x96: {  	_ =	strace s2  }
0x97: {  	_ =	strace $0x8FFFFFFF  }
0x98: {  	s18 =	sld [smem:$0x3FDB];
	_ =	sdelay $0x1  }
0x99: {  	s19 =	simm.s32 $_scs_section_size  }
0x9a: {  	s4 =	simm.s32 $_size__tile_overlayer_lowered;
	s5 =	simm.s32 $_tile_overlayer_lowered  }
0x9b: {  	s22 =	simm.s32 $0x1BFF;
	s21 =	sshll.u32 s5, $0x1;
	s2 =	sadd.s32 s19, s18  }
0x9c: {  	s6 =	simm.s32 $0x0;
	s20 =	sshll.u32 s4, $0x1;
	s4 =	sadd.s32 s21, s2  }
0x9d: {  	[timem:s6], [sflag:s22] =	dma.local [hbm:s4], s20  }
0x9e: {  	_ =	swait.ge [sflag:s22], s20  }
0x9f: {  	s3 =	ssub.s32 $0x0, s20;
	[sflag:s22] =	ssyncset.done $0x0  }
0xa0: {  	[sflag:s22] =	ssyncadd.s32 s3;
	_ =	sdelay $0x1  }
0xa1: {  	s23 =	simm.s32 $0x1B8B  }
0xa2: {  	_ =	swait.ge [sflag:s23], $0x1  }
0xa3: {  	[sflag:s23] =	ssyncset.done $0x0  }
0xa4: {  	s25 =	simm.s32 $0x1B8E;
	s24 =	sld [smem:$0x3FFE];
	[sflag:s23] =	ssyncadd.s32 $0xFFFFFFFF  }
0xa5: {  	s26 =	simm.s32 $execute0_lowered;
	[smem:$0x3FD2] =	sst s25  }
0xa6: {  	s4 =	sshll.u32 s26, $0x1;
	_ =	strace $0x80000049;
	[dreg:$0x1] =	wrdreg $0xFFFFFFFF  }
0xa7: {  	s28 =	simm.s32 $_size_execute0_lowered;
	s2 =	sadd.s32 s2, s4;
	[dreg:$0x0] =	wrdreg $0x0  }
0xa8: {  	s4 =	sshll.u32 s28, $0x1;
	[dreg:$0x2] =	wrdreg s2  }
0xa9: {  	[dreg:$0x3] =	wrdreg s4  }
0xaa: {  	[dreg:$0x4] =	wrdreg $0xC0  }
0xab: {  	_ =	task [dreg:s6], $0x5FFFF  }
0xac: {  	[dreg:$0x1] =	wrdreg $0xFFFFFFFF  }
0xad: {  	[dreg:$0x0] =	wrdreg $0x60  }
0xae: {  	[dreg:$0x2] =	wrdreg s24  }
0xaf: {  	[dreg:$0x3] =	wrdreg $0xB7800  }
0xb0: {  	[dreg:$0x4] =	wrdreg $0x9  }
0xb1: {  	_ =	task.clear_ibuf [dreg:s6], $0x5FFFF;
	_ =	strace $0x90000049  }
0xb2: {  	s29 =	simm.s32 $0x9;
	_ =	strace $0x8000004B  }
0xb3: {  	_ =	swait.ge [sflag:s29], $0x1  }
0xb4: {  	[sflag:s29] =	ssyncadd.s32 $0xFFFFFFFF  }
0xb5: {  	_ =	strace $0x9000004B  }
0xb6: {  	_ =	sfence  }
0xb7: {  	s30 =	sld [smem:$0x0];
	_ =	sdelay $0x2  }
0xb8: {  	s31 =	sshll.u32 s1, $0xD;
	s1 =	sshrl.u32 s1, $0x2  }
0xb9: {  	s3 =	sand.u32 $0x4000, s31;
	s1 =	sadd.s32 s1, s30  }
0xba: {  	s0 =	sor.u32 s3, s0;
	s1 =	sshll.u32 s1, $0x11  }
0xbb: {  	s0 =	sor.u32 s1, s0  }
0xbc: {  	s0 =	sadd.s32 $0x8F2B, s0  }
0xbd: {  	[sflag:s0] =	ssyncadd.remote.s32 $0x1  }
0xbe: {  	_ =	sfence.sel $0xFFFF  }
0xbf: {  	[dreg:$0x0] =	wrdreg $0xFFFFFFFF;
	(pc) =	sbr.abs _section_cstart, $3  }
0xc0: {  	[dreg:$0x1] =	wrdreg $0xFFFFFFFF  }
0xc1: {  	_ =	task.clear_ibuf [dreg:s6], $0x2FFFF;
	_ =	strace $0x9FFFFFFF  }
0xc2: {  	(tm) =	ssettm $0x7FFFFFFF  }
0xc3: {  	_ =	shalt  }
tec
execute0_lowered:
.L_overlay_start_1:
0x0: {  	(tag) =	ssettag $0x1  }
0x1: {  	s4 =	rddreg [dreg:$0x0]  }
0x2: {  	s2 =	rddreg [dreg:$0x1]  }
0x3: {  	s0 =	stileid.u32;
	s3 =	simm.s32 $0x0;
	s5 =	srdreg.scid  }
0x4: {  	s17 =	simm.s32 $0x80;
	s18 =	simm.s32 $0x400;
	s19 =	simm.s32 $0x3  }
0x5: {  	s20 =	simm.s32 $0x2780;
	s21 =	simm.s32 $0x6780;
	s22 =	simm.s32 $0x50  }
0x6: {  	s23 =	simm.s32 $0x8F80;
	s24 =	simm.s32 $0x1;
	s25 =	simm.s32 $0x2  }
0x7: {  	s28 =	simm.s32 $0x0;
	s6 =	sshrl.u32 s0, $0x3;
	s9 =	smul.u32 $0x14000, s0  }
0x8: {  	s5 =	sand.u32 $0x1, s5;
	s7 =	sshll.u32 s0, $0x7;
	s30 =	smul.u32 $0x50000, s0  }
0x9: {  	[smem:$0x7FF] =	sst s3;
	s29 =	sshll.u32 s0, $0xB;
	s6 =	smul.u32 $0x13C00, s6  }
0xa: {  	s8 =	smul.u32 $0x140000, s5;
	s7 =	sand.u32 $0x380, s7;
	s5 =	ssub.s32 $0x2, s5  }
0xb: {  	_ =	strace $0x8000004A;
	s10 =	sshrl.u32 s5, $0x1;
	s31 =	sshrl.u32 s30, $0x2  }
0xc: {  	s6 =	sor.u32 s7, s6;
	s26 =	sshrl.u32 s8, $0x3;
	s8 =	sadd.s32 s9, s8  }
0xd: {  	s7 =	sadd.s32 s29, s4;
	s16 =	ssub.s32 s5, s10;
	s6 =	sshrl.u32 s6, $0x3  }
0xe: {  	s14 =	sadd.s32 s26, s4;
	s8 =	sshrl.u32 s8, $0x3;
	s5 =	sadd.s32 $0x84C00, s7  }
0xf: {  	s16 =	smax.u32 s16, $0x1;
	s26 =	simm.s32 $0x6580;
	s6 =	sadd.s32 s6, s4  }
0x10: {  	s15 =	sadd.s32 s8, s4;
	s4 =	sadd.s32 $0x8CC00, s6;
	s6 =	sadd.s32 s31, s2  }
0x11: {  	s14 =	sadd.s32 $0x91C00, s14;
	s15 =	sadd.s32 $0xE1C00, s15;
	s7 =	sadd.s32 $0x2800, s6  }
0x12: {  	s8 =	sadd.s32 $0x5000, s6;
	s9 =	sadd.s32 $0x7800, s6;
	s10 =	sadd.s32 $0xA000, s6  }
0x13: {  	v0 =	vimm.f32 $0.0e+00;
	s11 =	sadd.s32 $0xC800, s6;
	s12 =	sadd.s32 $0xF000, s6;
	s13 =	sadd.s32 $0x11800, s6  }
.LBB2_1:
0x14: {  	[tilespmem:s3], [sflag:$0x3] =	stream.strided.gather [hbm4b:s4+s17], $0x2780, s18, s17, $0x38;
	[tilespmem:$0x1F780] =	vst v63  }
0x15: {  	_ =	swait.ge [sflag:s19], $0x2780  }
0x16: {  	[sflag:s19] =	ssyncset.done $0x0  }
0x17: {  	[sflag:s19] =	ssyncadd.s32 $0xFFFFD880  }
0x18: {  	[tilespmem:s20], [sflag:$0x3] =	stream.linear.gather [hbm4b:s5+s3], $0x3E80, $0x38;
	[tilespmem:$0x1F780] =	vst v63  }
0x19: {  	_ =	swait.ge [sflag:s19], $0x3E80  }
0x1a: {  	[sflag:s19] =	ssyncset.done $0x0  }
0x1b: {  	s29 =	simm.s32 $0x0;
	s30 =	simm.s32 $0x200;
	[sflag:s19] =	ssyncadd.s32 $0xFFFFC180  }
.LBB2_2:
0x1c: {  	p0 =	sne.s32 s30, $0x9E00;
	[tilespmem:s29+$0x67F0] =	vst v0  }
0x1d: {  	[tilespmem:s29+$0x6780] =	vst v0  }
0x1e: {  	[tilespmem:s29+$0x6790] =	vst v0  }
.Ltmp0:
0x1f: {  	[tilespmem:s29+$0x67A0] =	vst v0;
	(pc) =	sbr.rel @p0 .LBB2_2-.Ltmp0, $4  }
0x20: {  	[tilespmem:s29+$0x67B0] =	vst v0  }
0x21: {  	[tilespmem:s29+$0x67C0] =	vst v0  }
0x22: {  	[tilespmem:s29+$0x67D0] =	vst v0  }
0x23: {  	[tilespmem:s29+$0x67E0] =	vst v0;
	s29 =	sshra.s32 s30, $0x2;
	s30 =	sadd.s32 $0x200, s30  }
0x24: {  	[tilespmem:s29+$0x67F0] =	vst v0  }
0x25: {  	[tilespmem:s29+$0x6780] =	vst v0  }
0x26: {  	[tilespmem:s29+$0x6790] =	vst v0  }
0x27: {  	[tilespmem:s29+$0x67A0] =	vst v0  }
0x28: {  	[tilespmem:s29+$0x67B0] =	vst v0  }
0x29: {  	[tilespmem:s29+$0x67C0] =	vst v0  }
0x2a: {  	[tilespmem:s29+$0x67D0] =	vst v0  }
0x2b: {  	[tilespmem:s29+$0x67E0] =	vst v0  }
0x2c: {  	[spmem:s6] =	stream.linear.scatter [tilespmem:s21], [sflag:$0x3], $0x2800, $0x38;
	[tilespmem:$0x1F780] =	vst v63  }
0x2d: {  	_ =	swait.ge [sflag:s19], $0x2800  }
0x2e: {  	[sflag:s19] =	ssyncset.done $0x0  }
0x2f: {  	[sflag:s19] =	ssyncadd.s32 $0xFFFFD800  }
0x30: {  	[spmem:s7] =	stream.linear.scatter [tilespmem:s21], [sflag:$0x3], $0x2800, $0x38;
	[tilespmem:$0x1F780] =	vst v63  }
0x31: {  	_ =	swait.ge [sflag:s19], $0x2800  }
0x32: {  	[sflag:s19] =	ssyncset.done $0x0  }
0x33: {  	[sflag:s19] =	ssyncadd.s32 $0xFFFFD800  }
0x34: {  	[spmem:s8] =	stream.linear.scatter [tilespmem:s21], [sflag:$0x3], $0x2800, $0x38;
	[tilespmem:$0x1F780] =	vst v63  }
0x35: {  	_ =	swait.ge [sflag:s19], $0x2800  }
0x36: {  	[sflag:s19] =	ssyncset.done $0x0  }
0x37: {  	[sflag:s19] =	ssyncadd.s32 $0xFFFFD800  }
0x38: {  	[spmem:s9] =	stream.linear.scatter [tilespmem:s21], [sflag:$0x3], $0x2800, $0x38;
	[tilespmem:$0x1F780] =	vst v63  }
0x39: {  	_ =	swait.ge [sflag:s19], $0x2800  }
0x3a: {  	[sflag:s19] =	ssyncset.done $0x0  }
0x3b: {  	[sflag:s19] =	ssyncadd.s32 $0xFFFFD800  }
0x3c: {  	[spmem:s10] =	stream.linear.scatter [tilespmem:s21], [sflag:$0x3], $0x2800, $0x38;
	[tilespmem:$0x1F780] =	vst v63  }
0x3d: {  	_ =	swait.ge [sflag:s19], $0x2800  }
0x3e: {  	[sflag:s19] =	ssyncset.done $0x0  }
0x3f: {  	[sflag:s19] =	ssyncadd.s32 $0xFFFFD800  }
0x40: {  	[spmem:s11] =	stream.linear.scatter [tilespmem:s21], [sflag:$0x3], $0x2800, $0x38;
	[tilespmem:$0x1F780] =	vst v63  }
0x41: {  	_ =	swait.ge [sflag:s19], $0x2800  }
0x42: {  	[sflag:s19] =	ssyncset.done $0x0  }
0x43: {  	[sflag:s19] =	ssyncadd.s32 $0xFFFFD800  }
0x44: {  	[spmem:s12] =	stream.linear.scatter [tilespmem:s21], [sflag:$0x3], $0x2800, $0x38;
	[tilespmem:$0x1F780] =	vst v63  }
0x45: {  	_ =	swait.ge [sflag:s19], $0x2800  }
0x46: {  	[sflag:s19] =	ssyncset.done $0x0  }
0x47: {  	[sflag:s19] =	ssyncadd.s32 $0xFFFFD800  }
0x48: {  	[spmem:s13] =	stream.linear.scatter [tilespmem:s21], [sflag:$0x3], $0x2800, $0x38;
	[tilespmem:$0x1F780] =	vst v63  }
0x49: {  	_ =	swait.ge [sflag:s19], $0x2800  }
0x4a: {  	[sflag:s19] =	ssyncset.done $0x0  }
0x4b: {  	[sflag:s19] =	ssyncadd.s32 $0xFFFFD800  }
0x4c: {  	s29 =	simm.s32 $0x0;
	[bflag:$0x0] =	sbarrier.arrive $0xFFFF  }
0x4d: {  	[tilespmem:s21], [sflag:$0x1] =	stream.indirect.gather [hbm4b:s14+s22], $0x80, s29, s22, $0xb8;
	[tilespmem:$0x1F780] =	vst v63  }
0x4e: {  	s29 =	simm.s32 $0x50  }
0x4f: {  	[tilespmem:s23], [sflag:$0x2] =	stream.indirect.gather [hbm4b:s14+s22], $0x80, s29, s22, $0xb8;
	[tilespmem:$0x1F780] =	vst v63  }
0x50: {  	_ =	swait.ge [sflag:s24], $0x2800  }
0x51: {  	[sflag:s24] =	ssyncset.done $0x0  }
0x52: {  	s29 =	simm.s32 $0x2780;
	[sflag:s24] =	ssyncadd.s32 $0xFFFFD800  }
0x53: {  	[spmem:s2] =	stream.indirect.scatter.add.f32 [tilespmem:s21], [sflag:$0x3], $0x80, s29, s22, $0xb8;
	[tilespmem:$0x1F780] =	vst v63  }
0x54: {  	_ =	swait.ge [sflag:s19], $0x2800  }
0x55: {  	[sflag:s19] =	ssyncset.done $0x0  }
0x56: {  	s29 =	simm.s32 $0xA0;
	[sflag:s19] =	ssyncadd.s32 $0xFFFFD800  }
0x57: {  	[tilespmem:s21], [sflag:$0x1] =	stream.indirect.gather [hbm4b:s14+s22], $0x80, s29, s22, $0xb8;
	[tilespmem:$0x1F780] =	vst v63  }
0x58: {  	_ =	swait.ge [sflag:s25], $0x2800  }
0x59: {  	[sflag:s25] =	ssyncset.done $0x0  }
0x5a: {  	s29 =	simm.s32 $0x2800;
	[sflag:s25] =	ssyncadd.s32 $0xFFFFD800  }
0x5b: {  	[spmem:s2] =	stream.indirect.scatter.add.f32 [tilespmem:s23], [sflag:$0x3], $0x80, s29, s22, $0xb8;
	[tilespmem:$0x1F780] =	vst v63  }
0x5c: {  	s30 =	simm.s32 $0x400;
	_ =	swait.ge [sflag:s19], $0x2800  }
0x5d: {  	s31 =	simm.s32 $0x800;
	s29 =	simm.s32 $0x140;
	[sflag:s19] =	ssyncset.done $0x0  }
.LBB2_4:
0x5e: {  	p0 =	sne.s32 s31, $0xF400;
	s0 =	sadd.s32 $0xFFFFFFB0, s29;
	[sflag:s19] =	ssyncadd.s32 $0xFFFFD800  }
0x5f: {  	[tilespmem:s23], [sflag:$0x2] =	stream.indirect.gather [hbm4b:s14+s22], $0x80, s0, s22, $0xb8;
	[tilespmem:$0x1F780] =	vst v63  }
0x60: {  	s0 =	smov.u32 s31;
	s31 =	sadd.s32 $0x400, s31;
	_ =	swait.ge [sflag:s24], $0x2800  }
0x61: {  	s1 =	sshra.s32 s30, $0x2;
	s30 =	smov.u32 s0;
	[sflag:s24] =	ssyncset.done $0x0  }
0x62: {  	s0 =	sadd.s32 $0x2780, s1;
	[sflag:s24] =	ssyncadd.s32 $0xFFFFD800  }
0x63: {  	[spmem:s2] =	stream.indirect.scatter.add.f32 [tilespmem:s21], [sflag:$0x3], $0x80, s0, s22, $0xb8;
	[tilespmem:$0x1F780] =	vst v63  }
0x64: {  	_ =	swait.ge [sflag:s19], $0x2800  }
0x65: {  	[sflag:s19] =	ssyncset.done $0x0  }
0x66: {  	[sflag:s19] =	ssyncadd.s32 $0xFFFFD800  }
0x67: {  	[tilespmem:s21], [sflag:$0x1] =	stream.indirect.gather [hbm4b:s14+s22], $0x80, s29, s22, $0xb8;
	[tilespmem:$0x1F780] =	vst v63  }
0x68: {  	_ =	swait.ge [sflag:s25], $0x2800  }
.Ltmp1:
0x69: {  	[sflag:s25] =	ssyncset.done $0x0;
	(pc) =	sbr.rel @p0 .LBB2_4-.Ltmp1, $4  }
0x6a: {  	s0 =	sadd.s32 $0x2800, s1;
	[sflag:s25] =	ssyncadd.s32 $0xFFFFD800  }
0x6b: {  	[spmem:s2] =	stream.indirect.scatter.add.f32 [tilespmem:s23], [sflag:$0x3], $0x80, s0, s22, $0xb8;
	[tilespmem:$0x1F780] =	vst v63  }
0x6c: {  	_ =	swait.ge [sflag:s19], $0x2800  }
0x6d: {  	s29 =	sadd.s32 $0xA0, s29;
	[sflag:s19] =	ssyncset.done $0x0  }
0x6e: {  	s0 =	sadd.s32 $0xFFFFFFB0, s29;
	[sflag:s19] =	ssyncadd.s32 $0xFFFFD800  }
0x6f: {  	[tilespmem:s23], [sflag:$0x2] =	stream.indirect.gather [hbm4b:s14+s22], $0x80, s0, s22, $0xb8;
	[tilespmem:$0x1F780] =	vst v63  }
0x70: {  	_ =	swait.ge [sflag:s24], $0x2800  }
0x71: {  	s31 =	sshra.s32 s30, $0x2;
	[sflag:s24] =	ssyncset.done $0x0  }
0x72: {  	s1 =	sadd.s32 $0x2780, s31;
	[sflag:s24] =	ssyncadd.s32 $0xFFFFD800  }
0x73: {  	[spmem:s2] =	stream.indirect.scatter.add.f32 [tilespmem:s21], [sflag:$0x3], $0x80, s1, s22, $0xb8;
	[tilespmem:$0x1F780] =	vst v63  }
0x74: {  	_ =	swait.ge [sflag:s19], $0x2800  }
0x75: {  	[sflag:s19] =	ssyncset.done $0x0  }
0x76: {  	[sflag:s19] =	ssyncadd.s32 $0xFFFFD800  }
0x77: {  	[tilespmem:s21], [sflag:$0x1] =	stream.indirect.gather [hbm4b:s14+s22], $0x80, s29, s22, $0xb8;
	[tilespmem:$0x1F780] =	vst v63  }
0x78: {  	_ =	swait.ge [sflag:s25], $0x2800  }
0x79: {  	[sflag:s25] =	ssyncset.done $0x0  }
0x7a: {  	s0 =	sadd.s32 $0x2800, s31;
	[sflag:s25] =	ssyncadd.s32 $0xFFFFD800  }
0x7b: {  	[spmem:s2] =	stream.indirect.scatter.add.f32 [tilespmem:s23], [sflag:$0x3], $0x80, s0, s22, $0xb8;
	[tilespmem:$0x1F780] =	vst v63  }
0x7c: {  	_ =	swait.ge [sflag:s19], $0x2800  }
0x7d: {  	[sflag:s19] =	ssyncset.done $0x0  }
0x7e: {  	[sflag:s19] =	ssyncadd.s32 $0xFFFFD800  }
0x7f: {  	_ =	swait.ge [sflag:s24], $0x2800  }
0x80: {  	[sflag:s24] =	ssyncset.done $0x0  }
0x81: {  	[sflag:s24] =	ssyncadd.s32 $0xFFFFD800  }
0x82: {  	[spmem:s2] =	stream.indirect.scatter.add.f32 [tilespmem:s21], [sflag:$0x3], $0x80, s26, s22, $0xb8;
	[tilespmem:$0x1F780] =	vst v63  }
0x83: {  	s30 =	stileid.u32;
	_ =	swait.ge [sflag:s19], $0x2800  }
0x84: {  	s28 =	sadd.s32 $0x1, s28;
	s31 =	sshrl.u32 s6, $0x3;
	[sflag:s19] =	ssyncset.done $0x0  }
0x85: {  	p0 =	sne.s32 s28, s16;
	s0 =	sshll.u32 s30, $0x6;
	[sflag:s19] =	ssyncadd.s32 $0xFFFFD800  }
.Ltmp2:
0x86: {  	s0 =	sor.u32 $0x1C03, s0;
	[bflag:$0x0] =	sbarrier.arrive $0xFFFF;
	(pc) =	sbr.rel @p0 .LBB2_1-.Ltmp2, $4  }
0x87: {  	[hbm:s15], [sflag:s0] =	dma.local [spmem:s31], $0x2800  }
0x88: {  	_ =	swait.ge [sflag:s19], $0x2800  }
0x89: {  	[sflag:s19] =	ssyncset.done $0x0  }
0x8a: {  	[sflag:s19] =	ssyncadd.s32 $0xFFFFD800  }
0x8b: {  	_ =	sfence.sel $0x180000  }
0x8c: {  	[bflag:$0x0] =	sbarrier.arrive $0xFFFF  }
0x8d: {  	_ =	strace $0x9000004A  }
0x8e: {  	s0 =	stileid.u32;
	[bflag:$0x2] =	sbarrier.arrive $0xFFFF  }
0x8f: {  	p0 =	sne.s32 s0, $0x0;
	s0 =	rddreg [dreg:$0x2]  }
0x90: {  	s0 =	sadd.s32 @!p0 $0x100000, s0  }
0x91: {  	[sflag:s0] =	ssyncadd.tile.s32 @!p0 $0x1;
	_ =	shalt  }
.Lfunc_end2:
_tile_overlayer_lowered:
.L_overlay_start_2:
0x92: {  	(tag) =	ssettag $0x2  }
0x93: {  	s0 =	rddreg [dreg:$0x0];
	s2 =	stileid.u32  }
0x94: {  	s1 =	rddreg [dreg:$0x1];
	p0 =	sne.s32 s2, $0x0  }
0x95: {  	s3 =	rddreg [dreg:$0x2];
	[bflag:$0x3] =	sbarrier.arrive $0xFFFF;
	s2 =	simm.s32 @!p0 $0x1C03  }
0x96: {  	[timem:s3], [sflag:s2] =	dma.local @!p0 [hbm:s0], s1  }
0x97: {  	s0 =	simm.s32 @!p0 $0x3  }
0x98: {  	_ =	swait.ge @!p0 [sflag:s0], s1  }
0x99: {  	s1 =	ssub.s32 @!p0 $0x0, s1;
	[sflag:s0] =	ssyncset.done @!p0 $0x0  }
0x9a: {  	[sflag:s0] =	ssyncadd.s32 @!p0 s1  }
0x9b: {  	[bflag:$0x3] =	sbarrier.arrive $0xFFFF  }
0x9c: {  	_ =	shalt  }

// kernel: kernel.14.cloned.1.call-start
scs
__scs_entry_jumppad:
0x0: {  	(pc) =	sbr.rel $0x88, $3  }
0x1: {  	(tag) =	ssettag $0x0;
	lr =	simm.s32 $0x1  }
0x2: {  	[smem:$0x3F95] =	sst lr;
	_ =	strace $0xD0000000  }
0x3: {  	_ = 	snop  }
0x4: {  	_ = 	snop  }
0x5: {  	_ = 	snop  }
0x6: {  	_ = 	snop  }
0x7: {  	_ = 	snop  }
__scs_overlays_trampoline_lowered:
0x8: {  	[smem:$0x3FA4] =	sst s0  }
0x9: {  	[smem:$0x3FA5] =	sst s1  }
0xa: {  	[smem:$0x3FA6] =	sst s2  }
0xb: {  	[smem:$0x3FA7] =	sst s3  }
0xc: {  	[smem:$0x3FA8] =	sst s4  }
0xd: {  	[smem:$0x3FA9] =	sst s5  }
0xe: {  	[smem:$0x3FAA] =	sst s6  }
0xf: {  	[smem:$0x3FAB] =	sst s7  }
0x10: {  	[smem:$0x3FAC] =	sst s8  }
0x11: {  	[smem:$0x3FAD] =	sst s9;
	s0 =	simm.s32 @!p0 $0x0  }
0x12: {  	s1 =	sld [smem:$0x3F93];
	s0 =	simm.s32 @p0 $0x1  }
0x13: {  	[smem:$0x3FAE] =	sst s0;
	s0 =	simm.s32 @!p1 $0x0  }
0x14: {  	s2 =	sld [smem:$0x3F92];
	s0 =	simm.s32 @p1 $0x1  }
0x15: {  	[smem:$0x3FAF] =	sst s0;
	s0 =	simm.s32 @!p2 $0x0  }
0x16: {  	s3 =	sld [smem:$0x3FDB];
	s0 =	simm.s32 @p2 $0x1  }
0x17: {  	s4 =	simm.s32 $0x1BF5;
	[smem:$0x3FB1] =	sst s0  }
0x18: {  	s0 =	sld [smem:$0x3F94];
	_ =	swait.ge [sflag:s4], $0x0  }
0x19: {  	s7 =	sld [smem:$0x3F95]  }
0x1a: {  	s8 =	sadd.s32 $0xFFFFE003, lr  }
0x1b: {  	s9 =	sadd.s32 $0xFFFFFEF7, lr;
	s5 =	simm.s32 $0xFFFFFFFF;
	p2 =	slt.u32 s8, $0xFFFFF086  }
0x1c: {  	p1 =	slt.u32 s9, $0xF7A;
	s5 =	simm.s32 @!p2 $0x0  }
0x1d: {  	s5 =	simm.s32 @p1 $0x1;
	p0 =	seq.s32 s7, s2  }
0x1e: {  	s7 =	smul.u32 @!p0 $0xF7A, s2;
	p2 =	seq.s32 @!p0 s5, $0x0  }
0x1f: {  	s9 =	smul.u32 $0xF7A, s1;
	s8 =	simm.s32 @!p0 $0x1BF5;
	p2 =	por !p2, p0  }
0x20: {  	[sflag:s8] =	ssyncset.s32 @!p0 $0xFFFFF086;
	s6 =	sadd.s32 @!p0 s3, s7;
	s7 =	simm.s32 @!p0 $0x108  }
0x21: {  	s3 =	sadd.s32 s3, s9;
	s6 =	sadd.s32 @!p0 $0x88, s6;
	s7 =	simm.s32 @p2 $0x1082  }
0x22: {  	[simem:s7], [sflag:s8] =	dma.local @!p0 [hbm:s6], $0xF7A  }
0x23: {  	s9 =	sor.u32 $0xD0000000, s2;
	s6 =	simm.s32 $0x108;
	_ =	swait.ge @!p0 [sflag:s8], $0x0  }
0x24: {  	s3 =	sadd.s32 $0x88, s3;
	s6 =	simm.s32 @!p1 $0x1082;
	[sflag:s4] =	ssyncset.s32 $0xFFFFF086  }
0x25: {  	[simem:s6], [sflag:s4] =	dma.local [hbm:s3], $0xF7A  }
0x26: {  	[smem:$0x3F95] =	sst s1;
	(tag) =	ssettag s2;
	_ =	strace s9  }
0x27: {  	s1 =	sld [smem:$0x3FA5]  }
0x28: {  	s2 =	sld [smem:$0x3FA6]  }
0x29: {  	s4 =	sld [smem:$0x3FA8]  }
0x2a: {  	p0 =	seq.s32 s5, $0x0;
	s5 =	sld [smem:$0x3FA9]  }
0x2b: {  	s6 =	sld [smem:$0x3FAA]  }
0x2c: {  	s7 =	sld [smem:$0x3FAB]  }
0x2d: {  	s3 =	simm.s32 $0x108;
	s8 =	sld [smem:$0x3FAC]  }
0x2e: {  	s3 =	simm.s32 @!p0 $0x1082;
	s9 =	sld [smem:$0x3FAD]  }
0x2f: {  	lr =	sadd.s32 s0, s3;
	s0 =	sld [smem:$0x3FA4]  }
0x30: {  	s3 =	sld [smem:$0x3FA7]  }
0x31: {  	[smem:$0x3FB0] =	sst s10  }
0x32: {  	s10 =	sld [smem:$0x3FAE];
	_ =	sdelay $0x3  }
0x33: {  	p0 =	seq.s32 s10, $0x1;
	s10 =	sld [smem:$0x3FB0];
	_ =	sdelay $0x3  }
0x34: {  	[smem:$0x3FB0] =	sst s10  }
0x35: {  	s10 =	sld [smem:$0x3FAF];
	_ =	sdelay $0x3  }
0x36: {  	p1 =	seq.s32 s10, $0x1;
	s10 =	sld [smem:$0x3FB0];
	_ =	sdelay $0x3  }
0x37: {  	[smem:$0x3FB0] =	sst s10  }
0x38: {  	s10 =	sld [smem:$0x3FB1]  }
0x39: {  	_ = 	snop;
	(pc) =	sbr.ind lr, $3  }
0x3a: {  	_ = 	snop  }
0x3b: {  	_ = 	snop  }
0x3c: {  	p2 =	seq.s32 s10, $0x1;
	s10 =	sld [smem:$0x3FB0]  }
0x3d: {  	_ =	shalt  }
0x3e: {  	_ =	shalt  }
0x3f: {  	_ =	shalt  }
0x40: {  	_ =	shalt  }
0x41: {  	_ =	shalt  }
0x42: {  	_ =	shalt  }
0x43: {  	_ =	shalt  }
0x44: {  	_ =	shalt  }
0x45: {  	_ =	shalt  }
0x46: {  	_ =	shalt  }
0x47: {  	_ =	shalt  }
0x48: {  	_ =	shalt  }
0x49: {  	_ =	shalt  }
0x4a: {  	_ =	shalt  }
0x4b: {  	_ =	shalt  }
0x4c: {  	_ =	shalt  }
0x4d: {  	_ =	shalt  }
0x4e: {  	_ =	shalt  }
0x4f: {  	_ =	shalt  }
0x50: {  	_ =	shalt  }
0x51: {  	_ =	shalt  }
0x52: {  	_ =	shalt  }
0x53: {  	_ =	shalt  }
0x54: {  	_ =	shalt  }
0x55: {  	_ =	shalt  }
0x56: {  	_ =	shalt  }
0x57: {  	_ =	shalt  }
0x58: {  	_ =	shalt  }
0x59: {  	_ =	shalt  }
0x5a: {  	_ =	shalt  }
0x5b: {  	_ =	shalt  }
0x5c: {  	_ =	shalt  }
0x5d: {  	_ =	shalt  }
0x5e: {  	_ =	shalt  }
0x5f: {  	_ =	shalt  }
0x60: {  	_ =	shalt  }
0x61: {  	_ =	shalt  }
0x62: {  	_ =	shalt  }
0x63: {  	_ =	shalt  }
0x64: {  	_ =	shalt  }
0x65: {  	_ =	shalt  }
0x66: {  	_ =	shalt  }
0x67: {  	_ =	shalt  }
0x68: {  	_ =	shalt  }
0x69: {  	_ =	shalt  }
0x6a: {  	_ =	shalt  }
0x6b: {  	_ =	shalt  }
0x6c: {  	_ =	shalt  }
0x6d: {  	_ =	shalt  }
0x6e: {  	_ =	shalt  }
0x6f: {  	_ =	shalt  }
0x70: {  	_ =	shalt  }
0x71: {  	_ =	shalt  }
0x72: {  	_ =	shalt  }
0x73: {  	_ =	shalt  }
0x74: {  	_ =	shalt  }
0x75: {  	_ =	shalt  }
0x76: {  	_ =	shalt  }
0x77: {  	_ =	shalt  }
0x78: {  	_ =	shalt  }
0x79: {  	_ =	shalt  }
0x7a: {  	_ =	shalt  }
0x7b: {  	_ =	shalt  }
0x7c: {  	_ =	shalt  }
0x7d: {  	_ =	shalt  }
0x7e: {  	_ =	shalt  }
0x7f: {  	_ =	shalt  }
0x80: {  	_ =	shalt  }
0x81: {  	_ =	shalt  }
0x82: {  	_ =	shalt  }
0x83: {  	_ =	shalt  }
0x84: {  	_ =	shalt  }
0x85: {  	_ =	shalt  }
0x86: {  	_ =	shalt  }
0x87: {  	_ =	shalt  }
.Lfunc_end0:
.L_simem_size_0:
called_computation.2_lowered:
.L_overlay_start_0:
0x88: {  	s2 =	sld [smem:$0x3FD9]  }
0x89: {  	s3 =	sld [smem:$0x3FFE];
	_ =	sdelay $0x1  }
0x8a: {  	s1 =	srdreg.scid  }
0x8b: {  	s0 =	sand.u32 $0x1, s1  }
0x8c: {  	s16 =	sshll.u32 s0, $0xA;
	s2 =	sadd.s32 s3, s2  }
0x8d: {  	s2 =	sadd.s32 s2, s16  }
0x8e: {  	[smem:$0x3FBC] =	sst s2  }
0x8f: {  	_ = 	snop  }
0x90: {  	(tm) =	ssettm $0x1  }
0x91: {  	s17 =	sld [smem:$0x3FFB];
	_ =	sdelay $0x3  }
0x92: {  	_ =	strace s17  }
0x93: {  	s2 =	sld [smem:$0x3FFC];
	_ =	sdelay $0x3  }
0x94: {  	_ =	strace s2  }
0x95: {  	s2 =	sld [smem:$0x3FFD];
	_ =	sdelay $0x3  }
0x96: {  	_ =	strace s2  }
0x97: {  	_ =	strace $0x8FFFFFFF  }
0x98: {  	s18 =	sld [smem:$0x3FDB];
	_ =	sdelay $0x1  }
0x99: {  	s19 =	simm.s32 $_scs_section_size  }
0x9a: {  	s4 =	simm.s32 $_size__tile_overlayer_lowered;
	s5 =	simm.s32 $_tile_overlayer_lowered  }
0x9b: {  	s22 =	simm.s32 $0x1BFF;
	s21 =	sshll.u32 s5, $0x1;
	s2 =	sadd.s32 s19, s18  }
0x9c: {  	s6 =	simm.s32 $0x0;
	s20 =	sshll.u32 s4, $0x1;
	s4 =	sadd.s32 s21, s2  }
0x9d: {  	[timem:s6], [sflag:s22] =	dma.local [hbm:s4], s20  }
0x9e: {  	_ =	swait.ge [sflag:s22], s20  }
0x9f: {  	s3 =	ssub.s32 $0x0, s20;
	[sflag:s22] =	ssyncset.done $0x0  }
0xa0: {  	[sflag:s22] =	ssyncadd.s32 s3;
	_ =	sdelay $0x1  }
0xa1: {  	s23 =	simm.s32 $0x1B8B  }
0xa2: {  	_ =	swait.ge [sflag:s23], $0x1  }
0xa3: {  	[sflag:s23] =	ssyncset.done $0x0  }
0xa4: {  	s25 =	simm.s32 $0x1B8E;
	s24 =	sld [smem:$0x3FFE];
	[sflag:s23] =	ssyncadd.s32 $0xFFFFFFFF  }
0xa5: {  	s26 =	simm.s32 $execute0_lowered;
	[smem:$0x3FD2] =	sst s25  }
0xa6: {  	s4 =	sshll.u32 s26, $0x1;
	_ =	strace $0x8000004C;
	[dreg:$0x1] =	wrdreg $0xFFFFFFFF  }
0xa7: {  	s28 =	simm.s32 $_size_execute0_lowered;
	s2 =	sadd.s32 s2, s4;
	[dreg:$0x0] =	wrdreg $0x0  }
0xa8: {  	s4 =	sshll.u32 s28, $0x1;
	[dreg:$0x2] =	wrdreg s2  }
0xa9: {  	[dreg:$0x3] =	wrdreg s4  }
0xaa: {  	[dreg:$0x4] =	wrdreg $0xC0  }
0xab: {  	_ =	task [dreg:s6], $0x5FFFF  }
0xac: {  	[dreg:$0x1] =	wrdreg $0xFFFFFFFF  }
0xad: {  	[dreg:$0x0] =	wrdreg $0x60  }
0xae: {  	[dreg:$0x2] =	wrdreg s24  }
0xaf: {  	[dreg:$0x3] =	wrdreg $0xB7800  }
0xb0: {  	[dreg:$0x4] =	wrdreg $0x9  }
0xb1: {  	_ =	task.clear_ibuf [dreg:s6], $0x5FFFF;
	_ =	strace $0x9000004C  }
0xb2: {  	s29 =	simm.s32 $0x9;
	_ =	strace $0x8000004E  }
0xb3: {  	_ =	swait.ge [sflag:s29], $0x1  }
0xb4: {  	[sflag:s29] =	ssyncadd.s32 $0xFFFFFFFF  }
0xb5: {  	_ =	strace $0x9000004E  }
0xb6: {  	_ =	sfence  }
0xb7: {  	s30 =	sld [smem:$0x0];
	_ =	sdelay $0x2  }
0xb8: {  	s31 =	sshll.u32 s1, $0xD;
	s1 =	sshrl.u32 s1, $0x2  }
0xb9: {  	s3 =	sand.u32 $0x4000, s31;
	s1 =	sadd.s32 s1, s30  }
0xba: {  	s0 =	sor.u32 s3, s0;
	s1 =	sshll.u32 s1, $0x11  }
0xbb: {  	s0 =	sor.u32 s1, s0  }
0xbc: {  	s0 =	sadd.s32 $0x8F2B, s0  }
0xbd: {  	[sflag:s0] =	ssyncadd.remote.s32 $0x1  }
0xbe: {  	_ =	sfence.sel $0xFFFF  }
0xbf: {  	[dreg:$0x0] =	wrdreg $0xFFFFFFFF;
	(pc) =	sbr.abs _section_cstart, $3  }
0xc0: {  	[dreg:$0x1] =	wrdreg $0xFFFFFFFF  }
0xc1: {  	_ =	task.clear_ibuf [dreg:s6], $0x2FFFF;
	_ =	strace $0x9FFFFFFF  }
0xc2: {  	(tm) =	ssettm $0x7FFFFFFF  }
0xc3: {  	_ =	shalt  }
tec
execute0_lowered:
.L_overlay_start_1:
0x0: {  	(tag) =	ssettag $0x1  }
0x1: {  	s4 =	rddreg [dreg:$0x0]  }
0x2: {  	s2 =	rddreg [dreg:$0x1]  }
0x3: {  	s0 =	stileid.u32;
	s3 =	simm.s32 $0x0;
	s5 =	srdreg.scid  }
0x4: {  	s17 =	simm.s32 $0x80;
	s18 =	simm.s32 $0x400;
	s19 =	simm.s32 $0x3  }
0x5: {  	s20 =	simm.s32 $0x2780;
	s21 =	simm.s32 $0x6780;
	s22 =	simm.s32 $0x50  }
0x6: {  	s23 =	simm.s32 $0x8F80;
	s24 =	simm.s32 $0x1;
	s25 =	simm.s32 $0x2  }
0x7: {  	s28 =	simm.s32 $0x0;
	s6 =	sshrl.u32 s0, $0x3;
	s9 =	smul.u32 $0x14000, s0  }
0x8: {  	s5 =	sand.u32 $0x1, s5;
	s7 =	sshll.u32 s0, $0x7;
	s30 =	smul.u32 $0x50000, s0  }
0x9: {  	[smem:$0x7FF] =	sst s3;
	s29 =	sshll.u32 s0, $0xB;
	s6 =	smul.u32 $0x13C00, s6  }
0xa: {  	s8 =	smul.u32 $0x140000, s5;
	s7 =	sand.u32 $0x380, s7;
	s5 =	ssub.s32 $0x2, s5  }
0xb: {  	_ =	strace $0x8000004D;
	s10 =	sshrl.u32 s5, $0x1;
	s31 =	sshrl.u32 s30, $0x2  }
0xc: {  	s6 =	sor.u32 s7, s6;
	s26 =	sshrl.u32 s8, $0x3;
	s8 =	sadd.s32 s9, s8  }
0xd: {  	s7 =	sadd.s32 s29, s4;
	s16 =	ssub.s32 s5, s10;
	s6 =	sshrl.u32 s6, $0x3  }
0xe: {  	s14 =	sadd.s32 s26, s4;
	s8 =	sshrl.u32 s8, $0x3;
	s5 =	sadd.s32 $0x84C00, s7  }
0xf: {  	s16 =	smax.u32 s16, $0x1;
	s26 =	simm.s32 $0x6580;
	s6 =	sadd.s32 s6, s4  }
0x10: {  	s15 =	sadd.s32 s8, s4;
	s4 =	sadd.s32 $0x8CC00, s6;
	s6 =	sadd.s32 s31, s2  }
0x11: {  	s14 =	sadd.s32 $0x91C00, s14;
	s15 =	sadd.s32 $0xE1C00, s15;
	s7 =	sadd.s32 $0x2800, s6  }
0x12: {  	s8 =	sadd.s32 $0x5000, s6;
	s9 =	sadd.s32 $0x7800, s6;
	s10 =	sadd.s32 $0xA000, s6  }
0x13: {  	v0 =	vimm.f32 $0.0e+00;
	s11 =	sadd.s32 $0xC800, s6;
	s12 =	sadd.s32 $0xF000, s6;
	s13 =	sadd.s32 $0x11800, s6  }
.LBB2_1:
0x14: {  	[tilespmem:s3], [sflag:$0x3] =	stream.strided.gather [hbm4b:s4+s17], $0x2780, s18, s17, $0x38;
	[tilespmem:$0x1F780] =	vst v63  }
0x15: {  	_ =	swait.ge [sflag:s19], $0x2780  }
0x16: {  	[sflag:s19] =	ssyncset.done $0x0  }
0x17: {  	[sflag:s19] =	ssyncadd.s32 $0xFFFFD880  }
0x18: {  	[tilespmem:s20], [sflag:$0x3] =	stream.linear.gather [hbm4b:s5+s3], $0x3E80, $0x38;
	[tilespmem:$0x1F780] =	vst v63  }
0x19: {  	_ =	swait.ge [sflag:s19], $0x3E80  }
0x1a: {  	[sflag:s19] =	ssyncset.done $0x0  }
0x1b: {  	s29 =	simm.s32 $0x0;
	s30 =	simm.s32 $0x200;
	[sflag:s19] =	ssyncadd.s32 $0xFFFFC180  }
.LBB2_2:
0x1c: {  	p0 =	sne.s32 s30, $0x9E00;
	[tilespmem:s29+$0x67F0] =	vst v0  }
0x1d: {  	[tilespmem:s29+$0x6780] =	vst v0  }
0x1e: {  	[tilespmem:s29+$0x6790] =	vst v0  }
.Ltmp0:
0x1f: {  	[tilespmem:s29+$0x67A0] =	vst v0;
	(pc) =	sbr.rel @p0 .LBB2_2-.Ltmp0, $4  }
0x20: {  	[tilespmem:s29+$0x67B0] =	vst v0  }
0x21: {  	[tilespmem:s29+$0x67C0] =	vst v0  }
0x22: {  	[tilespmem:s29+$0x67D0] =	vst v0  }
0x23: {  	[tilespmem:s29+$0x67E0] =	vst v0;
	s29 =	sshra.s32 s30, $0x2;
	s30 =	sadd.s32 $0x200, s30  }
0x24: {  	[tilespmem:s29+$0x67F0] =	vst v0  }
0x25: {  	[tilespmem:s29+$0x6780] =	vst v0  }
0x26: {  	[tilespmem:s29+$0x6790] =	vst v0  }
0x27: {  	[tilespmem:s29+$0x67A0] =	vst v0  }
0x28: {  	[tilespmem:s29+$0x67B0] =	vst v0  }
0x29: {  	[tilespmem:s29+$0x67C0] =	vst v0  }
0x2a: {  	[tilespmem:s29+$0x67D0] =	vst v0  }
0x2b: {  	[tilespmem:s29+$0x67E0] =	vst v0  }
0x2c: {  	[spmem:s6] =	stream.linear.scatter [tilespmem:s21], [sflag:$0x3], $0x2800, $0x38;
	[tilespmem:$0x1F780] =	vst v63  }
0x2d: {  	_ =	swait.ge [sflag:s19], $0x2800  }
0x2e: {  	[sflag:s19] =	ssyncset.done $0x0  }
0x2f: {  	[sflag:s19] =	ssyncadd.s32 $0xFFFFD800  }
0x30: {  	[spmem:s7] =	stream.linear.scatter [tilespmem:s21], [sflag:$0x3], $0x2800, $0x38;
	[tilespmem:$0x1F780] =	vst v63  }
0x31: {  	_ =	swait.ge [sflag:s19], $0x2800  }
0x32: {  	[sflag:s19] =	ssyncset.done $0x0  }
0x33: {  	[sflag:s19] =	ssyncadd.s32 $0xFFFFD800  }
0x34: {  	[spmem:s8] =	stream.linear.scatter [tilespmem:s21], [sflag:$0x3], $0x2800, $0x38;
	[tilespmem:$0x1F780] =	vst v63  }
0x35: {  	_ =	swait.ge [sflag:s19], $0x2800  }
0x36: {  	[sflag:s19] =	ssyncset.done $0x0  }
0x37: {  	[sflag:s19] =	ssyncadd.s32 $0xFFFFD800  }
0x38: {  	[spmem:s9] =	stream.linear.scatter [tilespmem:s21], [sflag:$0x3], $0x2800, $0x38;
	[tilespmem:$0x1F780] =	vst v63  }
0x39: {  	_ =	swait.ge [sflag:s19], $0x2800  }
0x3a: {  	[sflag:s19] =	ssyncset.done $0x0  }
0x3b: {  	[sflag:s19] =	ssyncadd.s32 $0xFFFFD800  }
0x3c: {  	[spmem:s10] =	stream.linear.scatter [tilespmem:s21], [sflag:$0x3], $0x2800, $0x38;
	[tilespmem:$0x1F780] =	vst v63  }
0x3d: {  	_ =	swait.ge [sflag:s19], $0x2800  }
0x3e: {  	[sflag:s19] =	ssyncset.done $0x0  }
0x3f: {  	[sflag:s19] =	ssyncadd.s32 $0xFFFFD800  }
0x40: {  	[spmem:s11] =	stream.linear.scatter [tilespmem:s21], [sflag:$0x3], $0x2800, $0x38;
	[tilespmem:$0x1F780] =	vst v63  }
0x41: {  	_ =	swait.ge [sflag:s19], $0x2800  }
0x42: {  	[sflag:s19] =	ssyncset.done $0x0  }
0x43: {  	[sflag:s19] =	ssyncadd.s32 $0xFFFFD800  }
0x44: {  	[spmem:s12] =	stream.linear.scatter [tilespmem:s21], [sflag:$0x3], $0x2800, $0x38;
	[tilespmem:$0x1F780] =	vst v63  }
0x45: {  	_ =	swait.ge [sflag:s19], $0x2800  }
0x46: {  	[sflag:s19] =	ssyncset.done $0x0  }
0x47: {  	[sflag:s19] =	ssyncadd.s32 $0xFFFFD800  }
0x48: {  	[spmem:s13] =	stream.linear.scatter [tilespmem:s21], [sflag:$0x3], $0x2800, $0x38;
	[tilespmem:$0x1F780] =	vst v63  }
0x49: {  	_ =	swait.ge [sflag:s19], $0x2800  }
0x4a: {  	[sflag:s19] =	ssyncset.done $0x0  }
0x4b: {  	[sflag:s19] =	ssyncadd.s32 $0xFFFFD800  }
0x4c: {  	s29 =	simm.s32 $0x0;
	[bflag:$0x0] =	sbarrier.arrive $0xFFFF  }
0x4d: {  	[tilespmem:s21], [sflag:$0x1] =	stream.indirect.gather [hbm4b:s14+s22], $0x80, s29, s22, $0xb8;
	[tilespmem:$0x1F780] =	vst v63  }
0x4e: {  	s29 =	simm.s32 $0x50  }
0x4f: {  	[tilespmem:s23], [sflag:$0x2] =	stream.indirect.gather [hbm4b:s14+s22], $0x80, s29, s22, $0xb8;
	[tilespmem:$0x1F780] =	vst v63  }
0x50: {  	_ =	swait.ge [sflag:s24], $0x2800  }
0x51: {  	[sflag:s24] =	ssyncset.done $0x0  }
0x52: {  	s29 =	simm.s32 $0x2780;
	[sflag:s24] =	ssyncadd.s32 $0xFFFFD800  }
0x53: {  	[spmem:s2] =	stream.indirect.scatter.add.f32 [tilespmem:s21], [sflag:$0x3], $0x80, s29, s22, $0xb8;
	[tilespmem:$0x1F780] =	vst v63  }
0x54: {  	_ =	swait.ge [sflag:s19], $0x2800  }
0x55: {  	[sflag:s19] =	ssyncset.done $0x0  }
0x56: {  	s29 =	simm.s32 $0xA0;
	[sflag:s19] =	ssyncadd.s32 $0xFFFFD800  }
0x57: {  	[tilespmem:s21], [sflag:$0x1] =	stream.indirect.gather [hbm4b:s14+s22], $0x80, s29, s22, $0xb8;
	[tilespmem:$0x1F780] =	vst v63  }
0x58: {  	_ =	swait.ge [sflag:s25], $0x2800  }
0x59: {  	[sflag:s25] =	ssyncset.done $0x0  }
0x5a: {  	s29 =	simm.s32 $0x2800;
	[sflag:s25] =	ssyncadd.s32 $0xFFFFD800  }
0x5b: {  	[spmem:s2] =	stream.indirect.scatter.add.f32 [tilespmem:s23], [sflag:$0x3], $0x80, s29, s22, $0xb8;
	[tilespmem:$0x1F780] =	vst v63  }
0x5c: {  	s30 =	simm.s32 $0x400;
	_ =	swait.ge [sflag:s19], $0x2800  }
0x5d: {  	s31 =	simm.s32 $0x800;
	s29 =	simm.s32 $0x140;
	[sflag:s19] =	ssyncset.done $0x0  }
.LBB2_4:
0x5e: {  	p0 =	sne.s32 s31, $0xF400;
	s0 =	sadd.s32 $0xFFFFFFB0, s29;
	[sflag:s19] =	ssyncadd.s32 $0xFFFFD800  }
0x5f: {  	[tilespmem:s23], [sflag:$0x2] =	stream.indirect.gather [hbm4b:s14+s22], $0x80, s0, s22, $0xb8;
	[tilespmem:$0x1F780] =	vst v63  }
0x60: {  	s0 =	smov.u32 s31;
	s31 =	sadd.s32 $0x400, s31;
	_ =	swait.ge [sflag:s24], $0x2800  }
0x61: {  	s1 =	sshra.s32 s30, $0x2;
	s30 =	smov.u32 s0;
	[sflag:s24] =	ssyncset.done $0x0  }
0x62: {  	s0 =	sadd.s32 $0x2780, s1;
	[sflag:s24] =	ssyncadd.s32 $0xFFFFD800  }
0x63: {  	[spmem:s2] =	stream.indirect.scatter.add.f32 [tilespmem:s21], [sflag:$0x3], $0x80, s0, s22, $0xb8;
	[tilespmem:$0x1F780] =	vst v63  }
0x64: {  	_ =	swait.ge [sflag:s19], $0x2800  }
0x65: {  	[sflag:s19] =	ssyncset.done $0x0  }
0x66: {  	[sflag:s19] =	ssyncadd.s32 $0xFFFFD800  }
0x67: {  	[tilespmem:s21], [sflag:$0x1] =	stream.indirect.gather [hbm4b:s14+s22], $0x80, s29, s22, $0xb8;
	[tilespmem:$0x1F780] =	vst v63  }
0x68: {  	_ =	swait.ge [sflag:s25], $0x2800  }
.Ltmp1:
0x69: {  	[sflag:s25] =	ssyncset.done $0x0;
	(pc) =	sbr.rel @p0 .LBB2_4-.Ltmp1, $4  }
0x6a: {  	s0 =	sadd.s32 $0x2800, s1;
	[sflag:s25] =	ssyncadd.s32 $0xFFFFD800  }
0x6b: {  	[spmem:s2] =	stream.indirect.scatter.add.f32 [tilespmem:s23], [sflag:$0x3], $0x80, s0, s22, $0xb8;
	[tilespmem:$0x1F780] =	vst v63  }
0x6c: {  	_ =	swait.ge [sflag:s19], $0x2800  }
0x6d: {  	s29 =	sadd.s32 $0xA0, s29;
	[sflag:s19] =	ssyncset.done $0x0  }
0x6e: {  	s0 =	sadd.s32 $0xFFFFFFB0, s29;
	[sflag:s19] =	ssyncadd.s32 $0xFFFFD800  }
0x6f: {  	[tilespmem:s23], [sflag:$0x2] =	stream.indirect.gather [hbm4b:s14+s22], $0x80, s0, s22, $0xb8;
	[tilespmem:$0x1F780] =	vst v63  }
0x70: {  	_ =	swait.ge [sflag:s24], $0x2800  }
0x71: {  	s31 =	sshra.s32 s30, $0x2;
	[sflag:s24] =	ssyncset.done $0x0  }
0x72: {  	s1 =	sadd.s32 $0x2780, s31;
	[sflag:s24] =	ssyncadd.s32 $0xFFFFD800  }
0x73: {  	[spmem:s2] =	stream.indirect.scatter.add.f32 [tilespmem:s21], [sflag:$0x3], $0x80, s1, s22, $0xb8;
	[tilespmem:$0x1F780] =	vst v63  }
0x74: {  	_ =	swait.ge [sflag:s19], $0x2800  }
0x75: {  	[sflag:s19] =	ssyncset.done $0x0  }
0x76: {  	[sflag:s19] =	ssyncadd.s32 $0xFFFFD800  }
0x77: {  	[tilespmem:s21], [sflag:$0x1] =	stream.indirect.gather [hbm4b:s14+s22], $0x80, s29, s22, $0xb8;
	[tilespmem:$0x1F780] =	vst v63  }
0x78: {  	_ =	swait.ge [sflag:s25], $0x2800  }
0x79: {  	[sflag:s25] =	ssyncset.done $0x0  }
0x7a: {  	s0 =	sadd.s32 $0x2800, s31;
	[sflag:s25] =	ssyncadd.s32 $0xFFFFD800  }
0x7b: {  	[spmem:s2] =	stream.indirect.scatter.add.f32 [tilespmem:s23], [sflag:$0x3], $0x80, s0, s22, $0xb8;
	[tilespmem:$0x1F780] =	vst v63  }
0x7c: {  	_ =	swait.ge [sflag:s19], $0x2800  }
0x7d: {  	[sflag:s19] =	ssyncset.done $0x0  }
0x7e: {  	[sflag:s19] =	ssyncadd.s32 $0xFFFFD800  }
0x7f: {  	_ =	swait.ge [sflag:s24], $0x2800  }
0x80: {  	[sflag:s24] =	ssyncset.done $0x0  }
0x81: {  	[sflag:s24] =	ssyncadd.s32 $0xFFFFD800  }
0x82: {  	[spmem:s2] =	stream.indirect.scatter.add.f32 [tilespmem:s21], [sflag:$0x3], $0x80, s26, s22, $0xb8;
	[tilespmem:$0x1F780] =	vst v63  }
0x83: {  	s30 =	stileid.u32;
	_ =	swait.ge [sflag:s19], $0x2800  }
0x84: {  	s28 =	sadd.s32 $0x1, s28;
	s31 =	sshrl.u32 s6, $0x3;
	[sflag:s19] =	ssyncset.done $0x0  }
0x85: {  	p0 =	sne.s32 s28, s16;
	s0 =	sshll.u32 s30, $0x6;
	[sflag:s19] =	ssyncadd.s32 $0xFFFFD800  }
.Ltmp2:
0x86: {  	s0 =	sor.u32 $0x1C03, s0;
	[bflag:$0x0] =	sbarrier.arrive $0xFFFF;
	(pc) =	sbr.rel @p0 .LBB2_1-.Ltmp2, $4  }
0x87: {  	[hbm:s15], [sflag:s0] =	dma.local [spmem:s31], $0x2800  }
0x88: {  	_ =	swait.ge [sflag:s19], $0x2800  }
0x89: {  	[sflag:s19] =	ssyncset.done $0x0  }
0x8a: {  	[sflag:s19] =	ssyncadd.s32 $0xFFFFD800  }
0x8b: {  	_ =	sfence.sel $0x180000  }
0x8c: {  	[bflag:$0x0] =	sbarrier.arrive $0xFFFF  }
0x8d: {  	_ =	strace $0x9000004D  }
0x8e: {  	s0 =	stileid.u32;
	[bflag:$0x2] =	sbarrier.arrive $0xFFFF  }
0x8f: {  	p0 =	sne.s32 s0, $0x0;
	s0 =	rddreg [dreg:$0x2]  }
0x90: {  	s0 =	sadd.s32 @!p0 $0x100000, s0  }
0x91: {  	[sflag:s0] =	ssyncadd.tile.s32 @!p0 $0x1;
	_ =	shalt  }
.Lfunc_end2:
_tile_overlayer_lowered:
.L_overlay_start_2:
0x92: {  	(tag) =	ssettag $0x2  }
0x93: {  	s0 =	rddreg [dreg:$0x0];
	s2 =	stileid.u32  }
0x94: {  	s1 =	rddreg [dreg:$0x1];
	p0 =	sne.s32 s2, $0x0  }
0x95: {  	s3 =	rddreg [dreg:$0x2];
	[bflag:$0x3] =	sbarrier.arrive $0xFFFF;
	s2 =	simm.s32 @!p0 $0x1C03  }
0x96: {  	[timem:s3], [sflag:s2] =	dma.local @!p0 [hbm:s0], s1  }
0x97: {  	s0 =	simm.s32 @!p0 $0x3  }
0x98: {  	_ =	swait.ge @!p0 [sflag:s0], s1  }
0x99: {  	s1 =	ssub.s32 @!p0 $0x0, s1;
	[sflag:s0] =	ssyncset.done @!p0 $0x0  }
0x9a: {  	[sflag:s0] =	ssyncadd.s32 @!p0 s1  }
0x9b: {  	[bflag:$0x3] =	sbarrier.arrive $0xFFFF  }
0x9c: {  	_ =	shalt  }

// kernel: kernel.8.cloned.1.call-start
scs
__scs_entry_jumppad:
0x0: {  	(pc) =	sbr.rel $0x88, $3  }
0x1: {  	(tag) =	ssettag $0x0;
	lr =	simm.s32 $0x1  }
0x2: {  	[smem:$0x3F95] =	sst lr;
	_ =	strace $0xD0000000  }
0x3: {  	_ = 	snop  }
0x4: {  	_ = 	snop  }
0x5: {  	_ = 	snop  }
0x6: {  	_ = 	snop  }
0x7: {  	_ = 	snop  }
__scs_overlays_trampoline_lowered:
0x8: {  	[smem:$0x3FA4] =	sst s0  }
0x9: {  	[smem:$0x3FA5] =	sst s1  }
0xa: {  	[smem:$0x3FA6] =	sst s2  }
0xb: {  	[smem:$0x3FA7] =	sst s3  }
0xc: {  	[smem:$0x3FA8] =	sst s4  }
0xd: {  	[smem:$0x3FA9] =	sst s5  }
0xe: {  	[smem:$0x3FAA] =	sst s6  }
0xf: {  	[smem:$0x3FAB] =	sst s7  }
0x10: {  	[smem:$0x3FAC] =	sst s8  }
0x11: {  	[smem:$0x3FAD] =	sst s9;
	s0 =	simm.s32 @!p0 $0x0  }
0x12: {  	s1 =	sld [smem:$0x3F93];
	s0 =	simm.s32 @p0 $0x1  }
0x13: {  	[smem:$0x3FAE] =	sst s0;
	s0 =	simm.s32 @!p1 $0x0  }
0x14: {  	s2 =	sld [smem:$0x3F92];
	s0 =	simm.s32 @p1 $0x1  }
0x15: {  	[smem:$0x3FAF] =	sst s0;
	s0 =	simm.s32 @!p2 $0x0  }
0x16: {  	s3 =	sld [smem:$0x3FDB];
	s0 =	simm.s32 @p2 $0x1  }
0x17: {  	s4 =	simm.s32 $0x1BF5;
	[smem:$0x3FB1] =	sst s0  }
0x18: {  	s0 =	sld [smem:$0x3F94];
	_ =	swait.ge [sflag:s4], $0x0  }
0x19: {  	s7 =	sld [smem:$0x3F95]  }
0x1a: {  	s8 =	sadd.s32 $0xFFFFE003, lr  }
0x1b: {  	s9 =	sadd.s32 $0xFFFFFEF7, lr;
	s5 =	simm.s32 $0xFFFFFFFF;
	p2 =	slt.u32 s8, $0xFFFFF086  }
0x1c: {  	p1 =	slt.u32 s9, $0xF7A;
	s5 =	simm.s32 @!p2 $0x0  }
0x1d: {  	s5 =	simm.s32 @p1 $0x1;
	p0 =	seq.s32 s7, s2  }
0x1e: {  	s7 =	smul.u32 @!p0 $0xF7A, s2;
	p2 =	seq.s32 @!p0 s5, $0x0  }
0x1f: {  	s9 =	smul.u32 $0xF7A, s1;
	s8 =	simm.s32 @!p0 $0x1BF5;
	p2 =	por !p2, p0  }
0x20: {  	[sflag:s8] =	ssyncset.s32 @!p0 $0xFFFFF086;
	s6 =	sadd.s32 @!p0 s3, s7;
	s7 =	simm.s32 @!p0 $0x108  }
0x21: {  	s3 =	sadd.s32 s3, s9;
	s6 =	sadd.s32 @!p0 $0x88, s6;
	s7 =	simm.s32 @p2 $0x1082  }
0x22: {  	[simem:s7], [sflag:s8] =	dma.local @!p0 [hbm:s6], $0xF7A  }
0x23: {  	s9 =	sor.u32 $0xD0000000, s2;
	s6 =	simm.s32 $0x108;
	_ =	swait.ge @!p0 [sflag:s8], $0x0  }
0x24: {  	s3 =	sadd.s32 $0x88, s3;
	s6 =	simm.s32 @!p1 $0x1082;
	[sflag:s4] =	ssyncset.s32 $0xFFFFF086  }
0x25: {  	[simem:s6], [sflag:s4] =	dma.local [hbm:s3], $0xF7A  }
0x26: {  	[smem:$0x3F95] =	sst s1;
	(tag) =	ssettag s2;
	_ =	strace s9  }
0x27: {  	s1 =	sld [smem:$0x3FA5]  }
0x28: {  	s2 =	sld [smem:$0x3FA6]  }
0x29: {  	s4 =	sld [smem:$0x3FA8]  }
0x2a: {  	p0 =	seq.s32 s5, $0x0;
	s5 =	sld [smem:$0x3FA9]  }
0x2b: {  	s6 =	sld [smem:$0x3FAA]  }
0x2c: {  	s7 =	sld [smem:$0x3FAB]  }
0x2d: {  	s3 =	simm.s32 $0x108;
	s8 =	sld [smem:$0x3FAC]  }
0x2e: {  	s3 =	simm.s32 @!p0 $0x1082;
	s9 =	sld [smem:$0x3FAD]  }
0x2f: {  	lr =	sadd.s32 s0, s3;
	s0 =	sld [smem:$0x3FA4]  }
0x30: {  	s3 =	sld [smem:$0x3FA7]  }
0x31: {  	[smem:$0x3FB0] =	sst s10  }
0x32: {  	s10 =	sld [smem:$0x3FAE];
	_ =	sdelay $0x3  }
0x33: {  	p0 =	seq.s32 s10, $0x1;
	s10 =	sld [smem:$0x3FB0];
	_ =	sdelay $0x3  }
0x34: {  	[smem:$0x3FB0] =	sst s10  }
0x35: {  	s10 =	sld [smem:$0x3FAF];
	_ =	sdelay $0x3  }
0x36: {  	p1 =	seq.s32 s10, $0x1;
	s10 =	sld [smem:$0x3FB0];
	_ =	sdelay $0x3  }
0x37: {  	[smem:$0x3FB0] =	sst s10  }
0x38: {  	s10 =	sld [smem:$0x3FB1]  }
0x39: {  	_ = 	snop;
	(pc) =	sbr.ind lr, $3  }
0x3a: {  	_ = 	snop  }
0x3b: {  	_ = 	snop  }
0x3c: {  	p2 =	seq.s32 s10, $0x1;
	s10 =	sld [smem:$0x3FB0]  }
0x3d: {  	_ =	shalt  }
0x3e: {  	_ =	shalt  }
0x3f: {  	_ =	shalt  }
0x40: {  	_ =	shalt  }
0x41: {  	_ =	shalt  }
0x42: {  	_ =	shalt  }
0x43: {  	_ =	shalt  }
0x44: {  	_ =	shalt  }
0x45: {  	_ =	shalt  }
0x46: {  	_ =	shalt  }
0x47: {  	_ =	shalt  }
0x48: {  	_ =	shalt  }
0x49: {  	_ =	shalt  }
0x4a: {  	_ =	shalt  }
0x4b: {  	_ =	shalt  }
0x4c: {  	_ =	shalt  }
0x4d: {  	_ =	shalt  }
0x4e: {  	_ =	shalt  }
0x4f: {  	_ =	shalt  }
0x50: {  	_ =	shalt  }
0x51: {  	_ =	shalt  }
0x52: {  	_ =	shalt  }
0x53: {  	_ =	shalt  }
0x54: {  	_ =	shalt  }
0x55: {  	_ =	shalt  }
0x56: {  	_ =	shalt  }
0x57: {  	_ =	shalt  }
0x58: {  	_ =	shalt  }
0x59: {  	_ =	shalt  }
0x5a: {  	_ =	shalt  }
0x5b: {  	_ =	shalt  }
0x5c: {  	_ =	shalt  }
0x5d: {  	_ =	shalt  }
0x5e: {  	_ =	shalt  }
0x5f: {  	_ =	shalt  }
0x60: {  	_ =	shalt  }
0x61: {  	_ =	shalt  }
0x62: {  	_ =	shalt  }
0x63: {  	_ =	shalt  }
0x64: {  	_ =	shalt  }
0x65: {  	_ =	shalt  }
0x66: {  	_ =	shalt  }
0x67: {  	_ =	shalt  }
0x68: {  	_ =	shalt  }
0x69: {  	_ =	shalt  }
0x6a: {  	_ =	shalt  }
0x6b: {  	_ =	shalt  }
0x6c: {  	_ =	shalt  }
0x6d: {  	_ =	shalt  }
0x6e: {  	_ =	shalt  }
0x6f: {  	_ =	shalt  }
0x70: {  	_ =	shalt  }
0x71: {  	_ =	shalt  }
0x72: {  	_ =	shalt  }
0x73: {  	_ =	shalt  }
0x74: {  	_ =	shalt  }
0x75: {  	_ =	shalt  }
0x76: {  	_ =	shalt  }
0x77: {  	_ =	shalt  }
0x78: {  	_ =	shalt  }
0x79: {  	_ =	shalt  }
0x7a: {  	_ =	shalt  }
0x7b: {  	_ =	shalt  }
0x7c: {  	_ =	shalt  }
0x7d: {  	_ =	shalt  }
0x7e: {  	_ =	shalt  }
0x7f: {  	_ =	shalt  }
0x80: {  	_ =	shalt  }
0x81: {  	_ =	shalt  }
0x82: {  	_ =	shalt  }
0x83: {  	_ =	shalt  }
0x84: {  	_ =	shalt  }
0x85: {  	_ =	shalt  }
0x86: {  	_ =	shalt  }
0x87: {  	_ =	shalt  }
.Lfunc_end0:
.L_simem_size_0:
called_computation_lowered:
.L_overlay_start_0:
0x88: {  	s2 =	sld [smem:$0x3FD9]  }
0x89: {  	s3 =	sld [smem:$0x3FFE];
	_ =	sdelay $0x1  }
0x8a: {  	s1 =	srdreg.scid  }
0x8b: {  	s0 =	sand.u32 $0x1, s1  }
0x8c: {  	s16 =	sshll.u32 s0, $0xA;
	s2 =	sadd.s32 s3, s2  }
0x8d: {  	s2 =	sadd.s32 s2, s16  }
0x8e: {  	[smem:$0x3FBC] =	sst s2  }
0x8f: {  	_ = 	snop  }
0x90: {  	(tm) =	ssettm $0x1  }
0x91: {  	s17 =	sld [smem:$0x3FFB];
	_ =	sdelay $0x3  }
0x92: {  	_ =	strace s17  }
0x93: {  	s2 =	sld [smem:$0x3FFC];
	_ =	sdelay $0x3  }
0x94: {  	_ =	strace s2  }
0x95: {  	s2 =	sld [smem:$0x3FFD];
	_ =	sdelay $0x3  }
0x96: {  	_ =	strace s2  }
0x97: {  	_ =	strace $0x8FFFFFFF  }
0x98: {  	s18 =	sld [smem:$0x3FDB];
	_ =	sdelay $0x1  }
0x99: {  	s19 =	simm.s32 $_scs_section_size  }
0x9a: {  	s4 =	simm.s32 $_size__tile_overlayer_lowered;
	s5 =	simm.s32 $_tile_overlayer_lowered  }
0x9b: {  	s22 =	simm.s32 $0x1BFF;
	s21 =	sshll.u32 s5, $0x1;
	s2 =	sadd.s32 s19, s18  }
0x9c: {  	s6 =	simm.s32 $0x0;
	s20 =	sshll.u32 s4, $0x1;
	s4 =	sadd.s32 s21, s2  }
0x9d: {  	[timem:s6], [sflag:s22] =	dma.local [hbm:s4], s20  }
0x9e: {  	_ =	swait.ge [sflag:s22], s20  }
0x9f: {  	s3 =	ssub.s32 $0x0, s20;
	[sflag:s22] =	ssyncset.done $0x0  }
0xa0: {  	[sflag:s22] =	ssyncadd.s32 s3;
	_ =	sdelay $0x1  }
0xa1: {  	s23 =	simm.s32 $0x1B8B  }
0xa2: {  	_ =	swait.ge [sflag:s23], $0x1  }
0xa3: {  	[sflag:s23] =	ssyncset.done $0x0  }
0xa4: {  	s25 =	simm.s32 $0x1B8E;
	s24 =	sld [smem:$0x3FFE];
	[sflag:s23] =	ssyncadd.s32 $0xFFFFFFFF  }
0xa5: {  	s26 =	simm.s32 $execute0_lowered;
	[smem:$0x3FD2] =	sst s25  }
0xa6: {  	s4 =	sshll.u32 s26, $0x1;
	_ =	strace $0x80000046;
	[dreg:$0x1] =	wrdreg $0xFFFFFFFF  }
0xa7: {  	s28 =	simm.s32 $_size_execute0_lowered;
	s2 =	sadd.s32 s2, s4;
	[dreg:$0x0] =	wrdreg $0x0  }
0xa8: {  	s4 =	sshll.u32 s28, $0x1;
	[dreg:$0x2] =	wrdreg s2  }
0xa9: {  	[dreg:$0x3] =	wrdreg s4  }
0xaa: {  	[dreg:$0x4] =	wrdreg $0xC0  }
0xab: {  	_ =	task [dreg:s6], $0x5FFFF  }
0xac: {  	[dreg:$0x1] =	wrdreg $0xFFFFFFFF  }
0xad: {  	[dreg:$0x0] =	wrdreg $0x60  }
0xae: {  	[dreg:$0x2] =	wrdreg s24  }
0xaf: {  	[dreg:$0x3] =	wrdreg $0xA8000  }
0xb0: {  	[dreg:$0x4] =	wrdreg $0x9  }
0xb1: {  	_ =	task.clear_ibuf [dreg:s6], $0x5FFFF;
	_ =	strace $0x90000046  }
0xb2: {  	s29 =	simm.s32 $0x9;
	_ =	strace $0x80000048  }
0xb3: {  	_ =	swait.ge [sflag:s29], $0x1  }
0xb4: {  	[sflag:s29] =	ssyncadd.s32 $0xFFFFFFFF  }
0xb5: {  	_ =	strace $0x90000048  }
0xb6: {  	_ =	sfence  }
0xb7: {  	s30 =	sld [smem:$0x0];
	_ =	sdelay $0x2  }
0xb8: {  	s31 =	sshll.u32 s1, $0xD;
	s1 =	sshrl.u32 s1, $0x2  }
0xb9: {  	s3 =	sand.u32 $0x4000, s31;
	s1 =	sadd.s32 s1, s30  }
0xba: {  	s0 =	sor.u32 s3, s0;
	s1 =	sshll.u32 s1, $0x11  }
0xbb: {  	s0 =	sor.u32 s1, s0  }
0xbc: {  	s0 =	sadd.s32 $0x8F2B, s0  }
0xbd: {  	[sflag:s0] =	ssyncadd.remote.s32 $0x1  }
0xbe: {  	_ =	sfence.sel $0xFFFF  }
0xbf: {  	[dreg:$0x0] =	wrdreg $0xFFFFFFFF;
	(pc) =	sbr.abs _section_cstart, $3  }
0xc0: {  	[dreg:$0x1] =	wrdreg $0xFFFFFFFF  }
0xc1: {  	_ =	task.clear_ibuf [dreg:s6], $0x2FFFF;
	_ =	strace $0x9FFFFFFF  }
0xc2: {  	(tm) =	ssettm $0x7FFFFFFF  }
0xc3: {  	_ =	shalt  }
tec
execute0_lowered:
.L_overlay_start_1:
0x0: {  	(tag) =	ssettag $0x1  }
0x1: {  	s5 =	rddreg [dreg:$0x0]  }
0x2: {  	s1 =	rddreg [dreg:$0x1];
	s2 =	srdreg.scid  }
0x3: {  	s0 =	rddreg [dreg:$0x2];
	s3 =	simm.s32 $0x0;
	s15 =	simm.s32 $0x3  }
0x4: {  	s16 =	simm.s32 $0x1400;
	s17 =	simm.s32 $0x2800;
	s18 =	simm.s32 $0x7D  }
0x5: {  	s19 =	simm.s32 $0x6800;
	s20 =	simm.s32 $0x1;
	s21 =	simm.s32 $0x2  }
0x6: {  	s22 =	simm.s32 $0x1380;
	s23 =	simm.s32 $0x2700;
	s24 =	simm.s32 $0x2780  }
0x7: {  	s25 =	simm.s32 $0x0;
	s6 =	sand.u32 $0x1, s2;
	s2 =	stileid.u32  }
0x8: {  	[smem:$0x7FF] =	sst s3;
	s4 =	sshll.u32 s6, $0x4;
	s7 =	smul.u32 $0x140000, s6  }
0x9: {  	s9 =	smul.u32 $0x14000, s2;
	_ =	strace $0x80000047;
	s6 =	ssub.s32 $0x2, s6  }
0xa: {  	s30 =	smul.u32 $0x50000, s2;
	s8 =	sor.u32 s2, s4;
	s4 =	sadd.s32 $0xCC00, s5  }
0xb: {  	s10 =	sshrl.u32 s6, $0x1;
	s8 =	smul.u32 $0x280, s8;
	s7 =	sadd.s32 s9, s7  }
0xc: {  	s14 =	ssub.s32 s6, s10;
	s31 =	sshrl.u32 s30, $0x2;
	s7 =	sshrl.u32 s7, $0x3  }
0xd: {  	s14 =	smax.u32 s14, $0x1;
	s8 =	sadd.s32 s8, s5;
	s13 =	sadd.s32 s7, s5  }
0xe: {  	s7 =	sadd.s32 s31, s1;
	s5 =	sadd.s32 $0x2C00, s8;
	s6 =	sadd.s32 $0x7C00, s8  }
0xf: {  	s8 =	sadd.s32 $0x3E80, s7;
	s9 =	sadd.s32 $0x7D00, s7;
	s10 =	sadd.s32 $0xBB80, s7  }
0x10: {  	v0 =	vimm.f32 $0.0e+00;
	s11 =	sadd.s32 $0xFA00, s7;
	s12 =	sadd.s32 $0x13880, s7;
	s13 =	sadd.s32 $0x34C00, s13  }
.LBB2_1:
0x11: {  	[tilespmem:s3], [sflag:$0x3] =	stream.linear.gather [hbm4b:s5+s3], $0x1400, $0x38;
	[tilespmem:$0x1E800] =	vst v63  }
0x12: {  	_ =	swait.ge [sflag:s15], $0x1400  }
0x13: {  	[sflag:s15] =	ssyncset.done $0x0  }
0x14: {  	[sflag:s15] =	ssyncadd.s32 $0xFFFFEC00  }
0x15: {  	[tilespmem:s16], [sflag:$0x3] =	stream.linear.gather [hbm4b:s6+s3], $0x1400, $0x38;
	[tilespmem:$0x1E800] =	vst v63  }
0x16: {  	_ =	swait.ge [sflag:s15], $0x1400  }
0x17: {  	[sflag:s15] =	ssyncset.done $0x0  }
0x18: {  	s26 =	simm.s32 $0x0;
	s28 =	simm.s32 $0x200;
	[sflag:s15] =	ssyncadd.s32 $0xFFFFEC00  }
.LBB2_2:
0x19: {  	p0 =	sne.s32 s28, $0xF800;
	[tilespmem:s26+$0x2870] =	vst v0  }
0x1a: {  	[tilespmem:s26+$0x2800] =	vst v0  }
0x1b: {  	[tilespmem:s26+$0x2810] =	vst v0  }
.Ltmp0:
0x1c: {  	[tilespmem:s26+$0x2820] =	vst v0;
	(pc) =	sbr.rel @p0 .LBB2_2-.Ltmp0, $4  }
0x1d: {  	[tilespmem:s26+$0x2830] =	vst v0  }
0x1e: {  	[tilespmem:s26+$0x2840] =	vst v0  }
0x1f: {  	[tilespmem:s26+$0x2850] =	vst v0  }
0x20: {  	[tilespmem:s26+$0x2860] =	vst v0;
	s26 =	sshra.s32 s28, $0x2;
	s28 =	sadd.s32 $0x200, s28  }
0x21: {  	[tilespmem:s26+$0x2870] =	vst v0  }
0x22: {  	[tilespmem:s26+$0x2800] =	vst v0  }
0x23: {  	[tilespmem:s26+$0x2810] =	vst v0  }
0x24: {  	[tilespmem:s26+$0x2820] =	vst v0  }
0x25: {  	[tilespmem:s26+$0x2830] =	vst v0  }
0x26: {  	[tilespmem:s26+$0x2840] =	vst v0  }
0x27: {  	[tilespmem:s26+$0x2850] =	vst v0  }
0x28: {  	[tilespmem:s26+$0x2860] =	vst v0  }
0x29: {  	[spmem:s7] =	stream.linear.scatter [tilespmem:s17], [sflag:$0x3], $0x3E80, $0x38;
	[tilespmem:$0x1E800] =	vst v63  }
0x2a: {  	_ =	swait.ge [sflag:s15], $0x3E80  }
0x2b: {  	[sflag:s15] =	ssyncset.done $0x0  }
0x2c: {  	[sflag:s15] =	ssyncadd.s32 $0xFFFFC180  }
0x2d: {  	[spmem:s8] =	stream.linear.scatter [tilespmem:s17], [sflag:$0x3], $0x3E80, $0x38;
	[tilespmem:$0x1E800] =	vst v63  }
0x2e: {  	_ =	swait.ge [sflag:s15], $0x3E80  }
0x2f: {  	[sflag:s15] =	ssyncset.done $0x0  }
0x30: {  	[sflag:s15] =	ssyncadd.s32 $0xFFFFC180  }
0x31: {  	[spmem:s9] =	stream.linear.scatter [tilespmem:s17], [sflag:$0x3], $0x3E80, $0x38;
	[tilespmem:$0x1E800] =	vst v63  }
0x32: {  	_ =	swait.ge [sflag:s15], $0x3E80  }
0x33: {  	[sflag:s15] =	ssyncset.done $0x0  }
0x34: {  	[sflag:s15] =	ssyncadd.s32 $0xFFFFC180  }
0x35: {  	[spmem:s10] =	stream.linear.scatter [tilespmem:s17], [sflag:$0x3], $0x3E80, $0x38;
	[tilespmem:$0x1E800] =	vst v63  }
0x36: {  	_ =	swait.ge [sflag:s15], $0x3E80  }
0x37: {  	[sflag:s15] =	ssyncset.done $0x0  }
0x38: {  	[sflag:s15] =	ssyncadd.s32 $0xFFFFC180  }
0x39: {  	[spmem:s11] =	stream.linear.scatter [tilespmem:s17], [sflag:$0x3], $0x3E80, $0x38;
	[tilespmem:$0x1E800] =	vst v63  }
0x3a: {  	_ =	swait.ge [sflag:s15], $0x3E80  }
0x3b: {  	[sflag:s15] =	ssyncset.done $0x0  }
0x3c: {  	[sflag:s15] =	ssyncadd.s32 $0xFFFFC180  }
0x3d: {  	[spmem:s12] =	stream.linear.scatter [tilespmem:s17], [sflag:$0x3], $0x780, $0x38;
	[tilespmem:$0x1E800] =	vst v63  }
0x3e: {  	_ =	swait.ge [sflag:s15], $0x780  }
0x3f: {  	[sflag:s15] =	ssyncset.done $0x0  }
0x40: {  	[sflag:s15] =	ssyncadd.s32 $0xFFFFF880  }
0x41: {  	s30 =	simm.s32 $0x0;
	[bflag:$0x0] =	sbarrier.arrive $0xFFFF  }
0x42: {  	[tilespmem:s17], [sflag:$0x1] =	stream.indirect.gather [hbm4b:s4+s18], $0x80, s30, s18, $0xb8;
	[tilespmem:$0x1E800] =	vst v63  }
0x43: {  	s31 =	simm.s32 $0x80  }
0x44: {  	[tilespmem:s19], [sflag:$0x2] =	stream.indirect.gather [hbm4b:s4+s18], $0x80, s31, s18, $0xb8;
	[tilespmem:$0x1E800] =	vst v63  }
0x45: {  	_ =	swait.ge [sflag:s20], $0x3E80  }
0x46: {  	[sflag:s20] =	ssyncset.done $0x0  }
0x47: {  	s29 =	simm.s32 $0x1400;
	[sflag:s20] =	ssyncadd.s32 $0xFFFFC180  }
0x48: {  	[spmem:s1] =	stream.indirect.scatter.add.f32 [tilespmem:s17], [sflag:$0x3], $0x80, s29, s18, $0xb8;
	[tilespmem:$0x1E800] =	vst v63  }
0x49: {  	_ =	swait.ge [sflag:s15], $0x3E80  }
0x4a: {  	[sflag:s15] =	ssyncset.done $0x0  }
0x4b: {  	s30 =	simm.s32 $0x100;
	[sflag:s15] =	ssyncadd.s32 $0xFFFFC180  }
0x4c: {  	[tilespmem:s17], [sflag:$0x1] =	stream.indirect.gather [hbm4b:s4+s18], $0x80, s30, s18, $0xb8;
	[tilespmem:$0x1E800] =	vst v63  }
0x4d: {  	_ =	swait.ge [sflag:s21], $0x3E80  }
0x4e: {  	[sflag:s21] =	ssyncset.done $0x0  }
0x4f: {  	s31 =	simm.s32 $0x1480;
	[sflag:s21] =	ssyncadd.s32 $0xFFFFC180  }
0x50: {  	[spmem:s1] =	stream.indirect.scatter.add.f32 [tilespmem:s19], [sflag:$0x3], $0x80, s31, s18, $0xb8;
	[tilespmem:$0x1E800] =	vst v63  }
0x51: {  	_ =	swait.ge [sflag:s15], $0x3E80  }
0x52: {  	s28 =	simm.s32 $0x800;
	s26 =	simm.s32 $0x100;
	[sflag:s15] =	ssyncset.done $0x0  }
.LBB2_4:
0x53: {  	s29 =	sadd.s32 $0x80, s26  }
0x54: {  	[sflag:s15] =	ssyncadd.s32 $0xFFFFC180;
	s30 =	smov.u32 s28;
	s31 =	sadd.s32 $0x400, s28  }
0x55: {  	[tilespmem:s19], [sflag:$0x2] =	stream.indirect.gather [hbm4b:s4+s18], $0x80, s29, s18, $0xb8;
	[tilespmem:$0x1E800] =	vst v63  }
0x56: {  	p0 =	sne.s32 s28, $0x4800;
	_ =	swait.ge [sflag:s20], $0x3E80  }
0x57: {  	[sflag:s20] =	ssyncset.done $0x0  }
0x58: {  	s28 =	sadd.s32 $0x1400, s26;
	[sflag:s20] =	ssyncadd.s32 $0xFFFFC180  }
0x59: {  	[spmem:s1] =	stream.indirect.scatter.add.f32 [tilespmem:s17], [sflag:$0x3], $0x80, s28, s18, $0xb8;
	[tilespmem:$0x1E800] =	vst v63  }
0x5a: {  	_ =	swait.ge [sflag:s15], $0x3E80  }
0x5b: {  	[sflag:s15] =	ssyncset.done $0x0  }
0x5c: {  	s28 =	sadd.s32 $0x100, s26;
	[sflag:s15] =	ssyncadd.s32 $0xFFFFC180  }
0x5d: {  	[tilespmem:s17], [sflag:$0x1] =	stream.indirect.gather [hbm4b:s4+s18], $0x80, s28, s18, $0xb8;
	[tilespmem:$0x1E800] =	vst v63  }
0x5e: {  	_ =	swait.ge [sflag:s21], $0x3E80  }
.Ltmp1:
0x5f: {  	[sflag:s21] =	ssyncset.done $0x0;
	(pc) =	sbr.rel @p0 .LBB2_4-.Ltmp1, $4  }
0x60: {  	s26 =	sadd.s32 $0x1480, s26;
	[sflag:s21] =	ssyncadd.s32 $0xFFFFC180  }
0x61: {  	[spmem:s1] =	stream.indirect.scatter.add.f32 [tilespmem:s19], [sflag:$0x3], $0x80, s26, s18, $0xb8;
	[tilespmem:$0x1E800] =	vst v63  }
0x62: {  	_ =	swait.ge [sflag:s15], $0x3E80  }
0x63: {  	s28 =	smov.u32 s31;
	s26 =	sshra.s32 s30, $0x2;
	[sflag:s15] =	ssyncset.done $0x0  }
0x64: {  	s28 =	sadd.s32 $0x80, s26;
	[sflag:s15] =	ssyncadd.s32 $0xFFFFC180  }
0x65: {  	[tilespmem:s19], [sflag:$0x2] =	stream.indirect.gather [hbm4b:s4+s18], $0x80, s28, s18, $0xb8;
	[tilespmem:$0x1E800] =	vst v63  }
0x66: {  	_ =	swait.ge [sflag:s20], $0x3E80  }
0x67: {  	[sflag:s20] =	ssyncset.done $0x0  }
0x68: {  	s30 =	sadd.s32 $0x1400, s26;
	[sflag:s20] =	ssyncadd.s32 $0xFFFFC180  }
0x69: {  	[spmem:s1] =	stream.indirect.scatter.add.f32 [tilespmem:s17], [sflag:$0x3], $0x80, s30, s18, $0xb8;
	[tilespmem:$0x1E800] =	vst v63  }
0x6a: {  	_ =	swait.ge [sflag:s15], $0x3E80  }
0x6b: {  	[sflag:s15] =	ssyncset.done $0x0  }
0x6c: {  	s31 =	sadd.s32 $0x100, s26;
	[sflag:s15] =	ssyncadd.s32 $0xFFFFC180  }
0x6d: {  	[tilespmem:s17], [sflag:$0x1] =	stream.indirect.gather [hbm4b:s4+s18], $0x80, s31, s18, $0xb8;
	[tilespmem:$0x1E800] =	vst v63  }
0x6e: {  	_ =	swait.ge [sflag:s21], $0x3E80  }
0x6f: {  	[sflag:s21] =	ssyncset.done $0x0  }
0x70: {  	s29 =	sadd.s32 $0x1480, s26;
	[sflag:s21] =	ssyncadd.s32 $0xFFFFC180  }
0x71: {  	[spmem:s1] =	stream.indirect.scatter.add.f32 [tilespmem:s19], [sflag:$0x3], $0x80, s29, s18, $0xb8;
	[tilespmem:$0x1E800] =	vst v63  }
0x72: {  	_ =	swait.ge [sflag:s15], $0x3E80  }
0x73: {  	[sflag:s15] =	ssyncset.done $0x0  }
0x74: {  	[sflag:s15] =	ssyncadd.s32 $0xFFFFC180  }
0x75: {  	[tilespmem:s19], [sflag:$0x2] =	stream.indirect.gather [hbm4b:s4+s18], $0x80, s22, s18, $0xb8;
	[tilespmem:$0x1E800] =	vst v63  }
0x76: {  	_ =	swait.ge [sflag:s20], $0x3E80  }
0x77: {  	[sflag:s20] =	ssyncset.done $0x0  }
0x78: {  	[sflag:s20] =	ssyncadd.s32 $0xFFFFC180  }
0x79: {  	[spmem:s1] =	stream.indirect.scatter.add.f32 [tilespmem:s17], [sflag:$0x3], $0x80, s23, s18, $0xb8;
	[tilespmem:$0x1E800] =	vst v63  }
0x7a: {  	_ =	swait.ge [sflag:s15], $0x3E80  }
0x7b: {  	[sflag:s15] =	ssyncset.done $0x0  }
0x7c: {  	[sflag:s15] =	ssyncadd.s32 $0xFFFFC180  }
0x7d: {  	_ =	swait.ge [sflag:s21], $0x3E80  }
0x7e: {  	[sflag:s21] =	ssyncset.done $0x0  }
0x7f: {  	[sflag:s21] =	ssyncadd.s32 $0xFFFFC180  }
0x80: {  	[spmem:s1] =	stream.indirect.scatter.add.f32 [tilespmem:s19], [sflag:$0x3], $0x80, s24, s18, $0xb8;
	[tilespmem:$0x1E800] =	vst v63  }
0x81: {  	_ =	swait.ge [sflag:s15], $0x3E80  }
0x82: {  	s25 =	sadd.s32 $0x1, s25;
	s30 =	sshll.u32 s2, $0x6;
	[sflag:s15] =	ssyncset.done $0x0  }
0x83: {  	p0 =	sne.s32 s25, s14;
	s26 =	sor.u32 $0x1C03, s30;
	[sflag:s15] =	ssyncadd.s32 $0xFFFFC180  }
.Ltmp2:
0x84: {  	s31 =	sshrl.u32 s7, $0x3;
	[bflag:$0x0] =	sbarrier.arrive $0xFFFF;
	(pc) =	sbr.rel @p0 .LBB2_1-.Ltmp2, $4  }
0x85: {  	[hbm:s13], [sflag:s26] =	dma.local [spmem:s31], $0x2800  }
0x86: {  	_ =	swait.ge [sflag:s15], $0x2800  }
0x87: {  	[sflag:s15] =	ssyncset.done $0x0  }
0x88: {  	[sflag:s15] =	ssyncadd.s32 $0xFFFFD800  }
0x89: {  	_ =	sfence.sel $0x180000  }
0x8a: {  	[bflag:$0x0] =	sbarrier.arrive $0xFFFF  }
0x8b: {  	p0 =	sne.s32 s2, $0x0;
	_ =	strace $0x90000047  }
0x8c: {  	s0 =	sadd.s32 @!p0 $0x100000, s0;
	[bflag:$0x2] =	sbarrier.arrive $0xFFFF  }
0x8d: {  	[sflag:s0] =	ssyncadd.tile.s32 @!p0 $0x1;
	_ =	shalt  }
.Lfunc_end2:
_tile_overlayer_lowered:
.L_overlay_start_2:
0x8e: {  	(tag) =	ssettag $0x2  }
0x8f: {  	s0 =	rddreg [dreg:$0x0];
	s2 =	stileid.u32  }
0x90: {  	s1 =	rddreg [dreg:$0x1];
	p0 =	sne.s32 s2, $0x0  }
0x91: {  	s3 =	rddreg [dreg:$0x2];
	[bflag:$0x3] =	sbarrier.arrive $0xFFFF;
	s2 =	simm.s32 @!p0 $0x1C03  }
0x92: {  	[timem:s3], [sflag:s2] =	dma.local @!p0 [hbm:s0], s1  }
0x93: {  	s0 =	simm.s32 @!p0 $0x3  }
0x94: {  	_ =	swait.ge @!p0 [sflag:s0], s1  }
0x95: {  	s1 =	ssub.s32 @!p0 $0x0, s1;
	[sflag:s0] =	ssyncset.done @!p0 $0x0  }
0x96: {  	[sflag:s0] =	ssyncadd.s32 @!p0 s1  }
0x97: {  	[bflag:$0x3] =	sbarrier.arrive $0xFFFF  }
0x98: {  	_ =	shalt  }

</sc_bundles>
